<compile_context>
chip_gen: v7x
topology: tpu7x:2x2x1
jax: 0.10.2.dev20260603
libtpu: 0.0.44.dev20260713+nightly
codegen_flags: <defaults>
</compile_context>

<pallas_src>
import dataclasses
import functools

import jax
import jax.numpy as jnp
from jax.experimental import pallas as pl
from jax.experimental.pallas import tpu as pltpu
from jax.experimental.pallas import tpu_sc as plsc

SD = 64
T = 4096
NB = 16
N0 = T * NB
HORIZON = 8


@functools.cache
def _sc_mesh():
    return plsc.VectorSubcoreMesh(core_axis_name="c", subcore_axis_name="s")


@functools.cache
def _sc_params():
    cp = pltpu.CompilerParams(use_tc_tiling_on_sc=False)
    if "needs_layout_passes" in pltpu.CompilerParams.__dataclass_fields__:
        cp = dataclasses.replace(cp, needs_layout_passes=False)
    return cp


def _row_dot(row, mat):
    return jax.lax.dot_general(row, mat, (((1,), (1,)), ((), ())))


def _thresh(cv, key_o, meta_o, offs_o):
    s = jax.lax.bitcast_convert_type(cv, jnp.int32)
    key = s ^ ((s >> 31) & jnp.int32(0x7FFFFFFF))
    key_o[...] = key
    msb = jnp.int32(-2147483648)

    def bit(i, pu):
        cand_u = pu | (jnp.int32(1) << (31 - i))
        cand_s = cand_u ^ msb
        cnt = jnp.sum((key >= cand_s).astype(jnp.int32))
        return jnp.where(cnt >= T, cand_u, pu)

    pu = jax.lax.fori_loop(0, 32, bit, jnp.int32(0))
    t = pu ^ msb
    gt = key > t
    eq = key == t
    rem = T - jnp.sum(gt.astype(jnp.int32))
    ii = (jax.lax.broadcasted_iota(jnp.int32, (NB, T), 0) * T
          + jax.lax.broadcasted_iota(jnp.int32, (NB, T), 1))

    def bit2(i, p0):
        cand = p0 | (jnp.int32(1) << (16 - i))
        c = jnp.sum((eq & (ii < cand)).astype(jnp.int32))
        return jnp.where(c < rem, cand, p0)

    p0 = jax.lax.fori_loop(0, 17, bit2, jnp.int32(0))
    mask = gt | (eq & (ii <= p0))
    mf = mask.astype(jnp.float32)
    rowcnt = jnp.dot(mf, jnp.ones((T, 1), jnp.float32))
    lower = (jax.lax.broadcasted_iota(jnp.int32, (NB, NB), 1)
             < jax.lax.broadcasted_iota(jnp.int32, (NB, NB), 0))
    offs_o[...] = jnp.dot(lower.astype(jnp.float32), rowcnt).astype(jnp.int32)
    meta_o[0] = t
    meta_o[1] = p0
    for q in range(2, 16):
        meta_o[q] = jnp.int32(0)


def _preamble_body(s_ref, adv_ref, wm1, wm2, wa1, wa2, wp1, wp2, whs, whc,
                   strat_o, sa_o, sp_o, pi_o, psw_o, h0_o):
    s = s_ref[...]
    adv = adv_ref[...]
    strat = jnp.tanh(adv @ wm1[...] + s @ wm2[...])
    ps = jnp.tanh(strat @ wa1[...] + s @ wa2[...])
    pi = jnp.tanh(strat @ wp1[...] + ps @ wp2[...])
    strat_o[...] = strat
    sa_o[...] = strat @ wa1[...]
    sp_o[...] = strat @ wp1[...]
    pi_o[...] = pi
    psw_o[...] = ps @ whs[...]
    h0_o[...] = s @ whc[...]


def _bloom_body(pi_ref, psw_ref, strat_c, whc, wha, wv, h0_ref, nz_ref,
                cns_o, cv_o, meta_o, offs_o, cv_sc):
    j = pl.program_id(0)
    ca = jnp.tanh(pi_ref[...] + nz_ref[...])
    cns = jnp.tanh(psw_ref[...] + ca @ wha[...])
    cns_o[...] = cns
    v = cns @ whc[...] - h0_ref[...]
    vp = (jnp.tanh(cns @ wv[...]) @ strat_c[...]) * ((HORIZON - 1.0) / HORIZON)
    cv_sc[pl.ds(j, 1), :] = (v + vp).reshape(1, T)

    @pl.when(j == NB - 1)
    def _():
        _thresh(cv_sc[...], cv_o, meta_o, offs_o)


def _round_body(last, sa, sp, wa2, wp2, whs, whc, wha, wv,
                strat_c, h0_ref, nz_ref, cst_ref, *refs):
    if last:
        cv_o, cv_sc, pi_ref, psw_ref = refs
    else:
        ns_o, cv_o, meta_o, offs_o, cv_sc, pi_ref, psw_ref = refs
    j = pl.program_id(0)
    scale = (HORIZON - 2.0 - (1.0 if last else 0.0)) / HORIZON

    @pl.when(j == 0)
    def _():
        ps_b = jnp.tanh(sa[...] + cst_ref[...] @ wa2[...])
        pi_ref[...] = jnp.tanh(sp[...] + ps_b @ wp2[...])
        psw_ref[...] = ps_b @ whs[...]

    @pl.when(j > 0)
    def _():
        a = jnp.tanh(pi_ref[...] + nz_ref[0])
        ns = jnp.tanh(psw_ref[...] + a @ wha[...])
        if not last:
            ns_o[...] = ns
        v = ns @ whc[...] - h0_ref[...]
        vp = (jnp.tanh(ns @ wv[...]) @ strat_c[...]) * scale
        cv_sc[pl.ds(jnp.maximum(j - 1, 0), 1), :] = (v + vp).reshape(1, T)

    @pl.when(j == NB)
    def _():
        if last:
            s = jax.lax.bitcast_convert_type(cv_sc[...], jnp.int32)
            cv_o[...] = s ^ ((s >> 31) & jnp.int32(0x7FFFFFFF))
        else:
            _thresh(cv_sc[...], cv_o, meta_o, offs_o)


def _sc_select(first):

    def body(cv_hbm, meta_hbm, offs_hbm, anc_hbm, cns_hbm, cst_o, anc_o,
             kv, mv, ov, av, sb, ab, sp, ap, accs, acca, rows, spad, apad,
             s1, s2, s3, s4):
        cid = jax.lax.axis_index("c")
        sid = jax.lax.axis_index("s")

        @pl.when(cid == 0)
        def _():
            base = sid * 4096
            c1 = pltpu.async_copy(cv_hbm.at[sid], kv, s1)
            c2 = pltpu.async_copy(meta_hbm, mv, s2)
            c3 = pltpu.async_copy(offs_hbm, ov.at[pl.ds(0, 16)], s3)
            if not first:
                c4 = pltpu.async_copy(anc_hbm, av, s4)
            lane = jax.lax.iota(jnp.int32, 16)
            zero = lane - lane

            @pl.loop(0, 260)
            def _(c):
                sb[pl.ds(c * 16, 16)] = zero
                ab[pl.ds(c * 16, 16)] = zero

            c1.wait()
            c2.wait()
            c3.wait()
            if not first:
                c4.wait()
            mvv = mv[...]
            t = mvv[0]
            p0 = mvv[1]
            my_off = ov[pl.ds(sid, 16)][0]

            def chunk(c, run):
                off = c * 16
                k16 = kv[pl.ds(off, 16)]
                gidx = lane + (base + off)
                m = (k16 > t) | ((k16 == t) & (gidx <= p0))
                mi = m.astype(jnp.int32)
                inc = plsc.cumsum(mi)
                dst = jnp.where(m, run + (inc - mi), T + lane)
                plsc.store_scatter(sb, [dst], gidx, mask=m)
                if first:
                    av_ = gidx
                else:
                    av_ = plsc.load_gather(av, [gidx & (T - 1)])
                plsc.store_scatter(ab, [dst], av_, mask=m)
                return run + jnp.sum(mi)

            jax.lax.fori_loop(0, 256, chunk, my_off)
            c5 = pltpu.async_copy(sb, spad.at[sid], s1)
            c6 = pltpu.async_copy(ab, apad.at[sid], s2)
            c5.wait()
            c6.wait()
            plsc.subcore_barrier()

            off2 = sid * 256
            c7 = pltpu.async_copy(spad.at[:, pl.ds(off2, 256)], sp, s1)
            c8 = pltpu.async_copy(apad.at[:, pl.ds(off2, 256)], ap, s2)
            c7.wait()
            c8.wait()

            @pl.loop(0, 16)
            def _(c):
                o16 = c * 16
                s = sp[0, pl.ds(o16, 16)]
                a = ap[0, pl.ds(o16, 16)]
                for r in range(1, 16):
                    s = s + sp[r, pl.ds(o16, 16)]
                    a = a + ap[r, pl.ds(o16, 16)]
                accs[pl.ds(o16, 16)] = s
                acca[pl.ds(o16, 16)] = a

            c9 = pltpu.async_copy(acca, anc_o.at[pl.ds(off2, 256)], s3)
            pltpu.sync_copy(cns_hbm.at[accs], rows)
            pltpu.sync_copy(rows, cst_o.at[pl.ds(off2, 256)])
            c9.wait()

    return body


def _final_body(cv_ref, anc_ref, pi_ref, nz_ref, out_o, row, sem):
    x = cv_ref[...]
    m = jnp.max(x)
    ii = (jax.lax.broadcasted_iota(jnp.int32, (NB, T), 0) * T
          + jax.lax.broadcasted_iota(jnp.int32, (NB, T), 1))
    flat = jnp.min(jnp.where(x == m, ii, jnp.int32(2 ** 30)))
    g = anc_ref[flat % T]
    cp = pltpu.make_async_copy(nz_ref.at[pl.ds(g, 1), :], row, sem)
    cp.start()
    cp.wait()
    out_o[...] = jnp.tanh(pi_ref[...] + row[...])


def _select(cv16, meta, offs, anc, cns, first):
    i32 = jnp.int32
    cst, anc_new = pl.kernel(
        _sc_select(first),
        out_type=[jax.ShapeDtypeStruct((T, SD), jnp.float32),
                  jax.ShapeDtypeStruct((T,), i32)],
        mesh=_sc_mesh(),
        compiler_params=_sc_params(),
        scratch_types=[pltpu.VMEM((4096,), i32),
                       pltpu.VMEM((16,), i32),
                       pltpu.VMEM((32,), i32),
                       pltpu.VMEM((T,), i32),
                       pltpu.VMEM((4160,), i32),
                       pltpu.VMEM((4160,), i32),
                       pltpu.VMEM((16, 256), i32),
                       pltpu.VMEM((16, 256), i32),
                       pltpu.VMEM((256,), i32),
                       pltpu.VMEM((256,), i32),
                       pltpu.VMEM((256, SD), jnp.float32),
                       pltpu.VMEM_SHARED((16, 4160), i32),
                       pltpu.VMEM_SHARED((16, 4160), i32),
                       pltpu.SemaphoreType.DMA,
                       pltpu.SemaphoreType.DMA,
                       pltpu.SemaphoreType.DMA,
                       pltpu.SemaphoreType.DMA],
    )(cv16, meta, offs.reshape(NB), anc, cns)
    return cst, anc_new


def kernel(s_t, adversary_strategy, W_m1, W_m2, W_a1, W_a2, W_p1, W_p2,
           W_h_a, W_h_s, W_v, w_health, noise):
    call = pl.pallas_call
    f32 = jnp.float32
    i32 = jnp.int32
    s2 = s_t.reshape(1, SD)
    adv2 = adversary_strategy.reshape(1, SD)
    whc = w_health.reshape(SD, 1)

    vec = jax.ShapeDtypeStruct((1, SD), f32)
    rep = pl.BlockSpec((1, SD), lambda j: (0, 0))
    rep_c = pl.BlockSpec((SD, 1), lambda j: (0, 0))
    rep_m = pl.BlockSpec((SD, SD), lambda j: (0, 0))
    full16 = pl.BlockSpec((NB, T), lambda j: (0, 0))
    smem = pl.BlockSpec(memory_space=pltpu.SMEM)

    strat, strat_a, strat_p, pi, psw, h0 = call(
        _preamble_body,
        out_shape=[vec, vec, vec, vec, vec, jax.ShapeDtypeStruct((1, 1), f32)],
    )(s2, adv2, W_m1, W_m2, W_a1, W_a2, W_p1, W_p2, W_h_s, whc)
    strat_c = strat.reshape(SD, 1)

    cns, cv16, meta, offs = call(
        _bloom_body,
        grid=(NB,),
        in_specs=[rep, rep, rep_c, rep_c, rep_m, rep_m,
                  pl.BlockSpec((1, 1), lambda j: (0, 0)),
                  pl.BlockSpec((T, SD), lambda j: (j, 0))],
        out_specs=[pl.BlockSpec((T, SD), lambda j: (j, 0)), full16, smem,
                   pl.BlockSpec((NB, 1), lambda j: (0, 0))],
        out_shape=[jax.ShapeDtypeStruct((N0, SD), f32),
                   jax.ShapeDtypeStruct((NB, T), i32),
                   jax.ShapeDtypeStruct((16,), i32),
                   jax.ShapeDtypeStruct((NB, 1), i32)],
        scratch_shapes=[pltpu.VMEM((NB, T), f32)],
    )(pi, psw, strat_c, whc, W_h_a, W_v, h0, noise)

    noise16 = noise[:NB].reshape(NB, 1, SD)
    anc = jnp.zeros((T,), i32)
    for rnd in (1, 2):
        cst, anc = _select(cv16, meta, offs, anc, cns, rnd == 1)
        last = rnd == 2
        nz_spec = pl.BlockSpec((1, 1, SD),
                               lambda j: (jnp.maximum(j - 1, 0), 0, 0))
        outs = call(
            functools.partial(_round_body, last),
            grid=(NB + 1,),
            in_specs=[rep, rep, rep_m, rep_m, rep_m, rep_c, rep_m, rep_m,
                      rep_c, pl.BlockSpec((1, 1), lambda j: (0, 0)), nz_spec,
                      pl.BlockSpec((T, SD), lambda j: (0, 0))],
            out_specs=([full16] if last else
                       [pl.BlockSpec((T, SD),
                                     lambda j: (jnp.maximum(j - 1, 0), 0)),
                        full16, smem, pl.BlockSpec((NB, 1), lambda j: (0, 0))]),
            out_shape=([jax.ShapeDtypeStruct((NB, T), i32)] if last else
                       [jax.ShapeDtypeStruct((N0, SD), f32),
                        jax.ShapeDtypeStruct((NB, T), i32),
                        jax.ShapeDtypeStruct((16,), i32),
                        jax.ShapeDtypeStruct((NB, 1), i32)]),
            scratch_shapes=[pltpu.VMEM((NB, T), f32),
                            pltpu.VMEM((T, SD), f32),
                            pltpu.VMEM((T, SD), f32)],
        )(strat_a, strat_p, W_a2, W_p2, W_h_s, whc, W_h_a, W_v, strat_c, h0,
          noise16, cst)
        if last:
            cv16 = outs if isinstance(outs, jax.Array) else outs[0]
        else:
            cns, cv16, meta, offs = outs

    out = call(
        _final_body,
        in_specs=[pl.BlockSpec((NB, T), lambda: (0, 0)), smem,
                  pl.BlockSpec((1, SD), lambda: (0, 0)),
                  pl.BlockSpec(memory_space=pl.ANY)],
        out_specs=pl.BlockSpec((1, SD), lambda: (0, 0)),
        out_shape=jax.ShapeDtypeStruct((1, SD), f32),
        scratch_shapes=[pltpu.VMEM((1, SD), f32), pltpu.SemaphoreType.DMA],
    )(cv16, anc, pi, noise)
    return out.reshape(SD)

# --- scband reference (transcript-rebuilt; emitter-appended) ---
"""Pipeline reference for scband-adaptive-evolver-26946624815512 (READ-ONLY COPY).

The authoritative reference and input builder live on the scoring server;
editing this copy changes nothing except your own understanding.
"""

import jax, jax.numpy as jnp
import numpy as np

STATE_DIM = 64
POLICY_DIM = 64
STRATEGY_DIM = 64
TRAJECTORY_COUNT = 4096
BLOOM_FACTOR = 16
BRANCHING_NUMBER = 16
SEARCH_DEPTH = 3
TIME_HORIZON = 8


def setup_inputs(seed: int = 0):
    key = jax.random.key(seed)
    ks = jax.random.split(key, 14)
    def n(k, shape, scale=1.0):
        return jax.random.normal(k, shape, dtype=jnp.float32) * scale
    s = 1.0 / np.sqrt(STATE_DIM)
    inp = {}
    inp["s_t"] = n(ks[0], (STATE_DIM,))
    inp["adversary_strategy"] = n(ks[1], (STRATEGY_DIM,))
    inp["W_m1"] = n(ks[2], (STRATEGY_DIM, STRATEGY_DIM), s)
    inp["W_m2"] = n(ks[3], (STATE_DIM, STRATEGY_DIM), s)
    inp["W_a1"] = n(ks[4], (STRATEGY_DIM, STATE_DIM), s)
    inp["W_a2"] = n(ks[5], (STATE_DIM, STATE_DIM), s)
    inp["W_p1"] = n(ks[6], (STRATEGY_DIM, POLICY_DIM), s)
    inp["W_p2"] = n(ks[7], (STATE_DIM, POLICY_DIM), s)
    inp["W_h_a"] = n(ks[8], (POLICY_DIM, STATE_DIM), s)
    inp["W_h_s"] = n(ks[9], (STATE_DIM, STATE_DIM), s)
    inp["W_v"] = n(ks[10], (STATE_DIM, STRATEGY_DIM), s)
    inp["w_health"] = n(ks[11], (STATE_DIM,), s)
    inp["noise"] = n(ks[12], (TRAJECTORY_COUNT * BLOOM_FACTOR, POLICY_DIM), 0.1)
    return inp


def _forward(s_t, adversary_strategy, W_m1, W_m2, W_a1, W_a2, W_p1, W_p2, W_h_a, W_h_s, W_v, w_health, noise):
    T = TRAJECTORY_COUNT
    B = BRANCHING_NUMBER
    # self.memory(self.adversary_strategy, s_t)
    strat = jnp.tanh(adversary_strategy @ W_m1 + s_t @ W_m2)
    # adversary_evolver
    ps = jnp.tanh(strat @ W_a1 + s_t @ W_a2)
    # policy_predictor
    pi = jnp.tanh(strat @ W_p1 + ps @ W_p2)
    b0 = T * BLOOM_FACTOR
    # sample_and_compute_values(pi, T*bloom, ps, s_t, horizon-1)
    ca = jnp.tanh(pi[None, :] + noise[:b0])                     # sample
    cns = jnp.tanh(ps[None, :] @ W_h_s + ca @ W_h_a)            # hero_evolver
    h0 = s_t @ w_health
    v_acc = cns @ w_health - h0                                  # reward
    v_proj = (jnp.tanh(cns @ W_v) @ strat) * ((TIME_HORIZON - 1) / TIME_HORIZON)  # value_predictor
    cv = v_acc + v_proj
    # top-k masking: argsort descending, keep trajectory_count best
    idx = jnp.argsort(-cv)[:T]
    cia = ca[idx]
    cstates = cns[idx]
    init_idx = jnp.arange(T)
    best_traj = jnp.asarray(0, dtype=init_idx.dtype)
    for i in range(1, SEARCH_DEPTH):
        ps_b = jnp.tanh(strat @ W_a1 + cstates @ W_a2)           # [T, state]
        pi_b = jnp.tanh(strat @ W_p1 + ps_b @ W_p2)              # [T, policy]
        a_b = jnp.tanh(pi_b[:, None, :] + noise[None, :B, :])    # [T, B, policy]
        ns_b = jnp.tanh(ps_b[:, None, :] @ W_h_s + a_b @ W_h_a)  # [T, B, state]
        v_acc_b = ns_b @ w_health - h0
        v_proj_b = (jnp.tanh(ns_b @ W_v) @ strat) * ((TIME_HORIZON - 1 - i) / TIME_HORIZON)
        cv_b = (v_acc_b + v_proj_b).reshape(-1)
        idx2 = jnp.argsort(-cv_b)[:T]
        cstates = ns_b.reshape(T * B, STATE_DIM)[idx2]
        init_idx = jnp.repeat(init_idx, B)[idx2]
        if i == SEARCH_DEPTH - 1:
            best_traj = jnp.argmax(cv_b[idx2])
    all_same = jnp.all(init_idx == init_idx[0])
    row = jnp.where(all_same, init_idx[0], init_idx[best_traj])
    g = idx[row]
    return cia[row], g


def reference(s_t, adversary_strategy, W_m1, W_m2, W_a1, W_a2, W_p1, W_p2, W_h_a, W_h_s, W_v, w_health, noise):
    out, _ = _forward(s_t, adversary_strategy, W_m1, W_m2, W_a1, W_a2, W_p1, W_p2, W_h_a, W_h_s, W_v, w_health, noise)
    return out

if __name__ == "__main__":
    import jax
    _d = setup_inputs()
    print(jax.jit(kernel)(*tuple(_d.values())))

</pallas_src>

<mosaic_0001>
#map = affine_map<(d0, d1) -> (0, 0)>
#map1 = affine_map<(d0, d1) -> (0)>
module attributes {stable_mosaic.version = 14 : i64} {
  func.func @body(%arg0: i32, %arg1: i32, %arg2: memref<16x4096xi32, #tpu.memory_space<hbm>>, %arg3: memref<16xi32, #tpu.memory_space<hbm>>, %arg4: memref<16xi32, #tpu.memory_space<hbm>>, %arg5: memref<4096xi32, #tpu.memory_space<hbm>>, %arg6: memref<65536x64xf32, #tpu.memory_space<hbm>>, %arg7: memref<4096x64xf32, #tpu.memory_space<hbm>>, %arg8: memref<4096xi32, #tpu.memory_space<hbm>>, %arg9: memref<4096xi32, #tpu.memory_space<vmem>>, %arg10: memref<16xi32, #tpu.memory_space<vmem>>, %arg11: memref<32xi32, #tpu.memory_space<vmem>>, %arg12: memref<4096xi32, #tpu.memory_space<vmem>>, %arg13: memref<4160xi32, #tpu.memory_space<vmem>>, %arg14: memref<4160xi32, #tpu.memory_space<vmem>>, %arg15: memref<16x256xi32, #tpu.memory_space<vmem>>, %arg16: memref<16x256xi32, #tpu.memory_space<vmem>>, %arg17: memref<256xi32, #tpu.memory_space<vmem>>, %arg18: memref<256xi32, #tpu.memory_space<vmem>>, %arg19: memref<256x64xf32, #tpu.memory_space<vmem>>, %arg20: memref<16x4160xi32, #tpu.memory_space<vmem_shared>>, %arg21: memref<16x4160xi32, #tpu.memory_space<vmem_shared>>, %arg22: memref<!tpu.dma_semaphore, #tpu.memory_space<semaphore_mem>>, %arg23: memref<!tpu.dma_semaphore, #tpu.memory_space<semaphore_mem>>, %arg24: memref<!tpu.dma_semaphore, #tpu.memory_space<semaphore_mem>>, %arg25: memref<!tpu.dma_semaphore, #tpu.memory_space<semaphore_mem>>) attributes {dimension_semantics = [#tpu.dimension_semantics<core_parallel>, #tpu.dimension_semantics<subcore_parallel>], iteration_bounds = array<i64: 2, 16>, scalar_prefetch = 0 : i64, scratch_operands = 17 : i64, tpu.core_type = #tpu.core_type<sc_vector_subcore>, window_params = [{transform_indices = #map}, {transform_indices = #map1}, {transform_indices = #map1}, {transform_indices = #map1}, {transform_indices = #map}, {transform_indices = #map}, {transform_indices = #map1}]} {
    %eq3A = arith.constant 0 : i32
    %eq3A_0 = arith.cmpi eq, %arg0, %eq3A : i32
    %convert_element_type3A = arith.extui %eq3A_0 : i1 to i32
    %cond3A = arith.constant 0 : i32
    %cond3A_1 = arith.cmpi ne, %convert_element_type3A, %cond3A : i32
    scf.if %cond3A_1 {
      %mul3A = arith.constant 4096 : i32
      %mul3A_2 = arith.muli %arg1, %mul3A : i32
      %dma_start3A = arith.constant 0 : i32
      %dma_start3A_3 = tpu.memref_slice %arg2[%arg1, %dma_start3A] : memref<16x4096xi32, #tpu.memory_space<hbm>> -> memref<1x4096xi32, #tpu.memory_space<hbm>>
      %dma_start3A_4 = tpu.memref_squeeze %dma_start3A_3 : memref<1x4096xi32, #tpu.memory_space<hbm>> -> memref<4096xi32, #tpu.memory_space<hbm>>
      %dma_start3A_5 = arith.constant 0 : i32
      %dma_start3A_6 = tpu.memref_slice %arg2[%arg1, %dma_start3A_5] : memref<16x4096xi32, #tpu.memory_space<hbm>> -> memref<1x4096xi32, #tpu.memory_space<hbm>>
      %dma_start3A_7 = tpu.memref_squeeze %dma_start3A_6 : memref<1x4096xi32, #tpu.memory_space<hbm>> -> memref<4096xi32, #tpu.memory_space<hbm>>
      tpu.enqueue_dma source(%dma_start3A_7 : memref<4096xi32, #tpu.memory_space<hbm>>) target(%arg9 : memref<4096xi32, #tpu.memory_space<vmem>>) target_semaphore(%arg22 : memref<!tpu.dma_semaphore, #tpu.memory_space<semaphore_mem>>)
      tpu.enqueue_dma source(%arg3 : memref<16xi32, #tpu.memory_space<hbm>>) target(%arg10 : memref<16xi32, #tpu.memory_space<vmem>>) target_semaphore(%arg23 : memref<!tpu.dma_semaphore, #tpu.memory_space<semaphore_mem>>)
      %dma_start3A_8 = arith.constant 0 : i32
      %dma_start3A_9 = tpu.memref_slice %arg11[%dma_start3A_8] : memref<32xi32, #tpu.memory_space<vmem>> -> memref<16xi32, #tpu.memory_space<vmem>>
      %dma_start3A_10 = arith.constant 0 : i32
      %dma_start3A_11 = tpu.memref_slice %arg11[%dma_start3A_10] : memref<32xi32, #tpu.memory_space<vmem>> -> memref<16xi32, #tpu.memory_space<vmem>>
      tpu.enqueue_dma source(%arg4 : memref<16xi32, #tpu.memory_space<hbm>>) target(%dma_start3A_11 : memref<16xi32, #tpu.memory_space<vmem>>) target_semaphore(%arg24 : memref<!tpu.dma_semaphore, #tpu.memory_space<semaphore_mem>>)
      tpu.enqueue_dma source(%arg5 : memref<4096xi32, #tpu.memory_space<hbm>>) target(%arg12 : memref<4096xi32, #tpu.memory_space<vmem>>) target_semaphore(%arg25 : memref<!tpu.dma_semaphore, #tpu.memory_space<semaphore_mem>>)
      %iota3A = tpu.iota {dimensions = array<i32: 0>} : vector<16xi32>
      %sub3A = arith.subi %iota3A, %iota3A : vector<16xi32>
      %scan3A = arith.constant 0 : i32
      %scan3A_12 = arith.constant 260 : i32
      %scan3A_13 = arith.addi %scan3A, %scan3A_12 : i32
      %scan3A_14 = arith.constant 1 : i32
      scf.for %scan3A_89 = %scan3A to %scan3A_13 step %scan3A_14  : i32 {
        %mul3A_90 = arith.constant 1 : i32
        %mul3A_91 = arith.muli %scan3A_89, %mul3A_90 : i32
        %add3A = arith.constant 0 : i32
        %add3A_92 = arith.addi %add3A, %mul3A_91 : i32
        %mul3A_93 = arith.constant 16 : i32
        %mul3A_94 = arith.muli %add3A_92, %mul3A_93 : i32
        %swap3A = arith.index_cast %mul3A_94 : i32 to index
        %swap3A_95 = tpu.vector_load %arg13[%swap3A] {strides = array<i32>} : memref<4160xi32, #tpu.memory_space<vmem>>, vector<16xi32>,
        tpu.vector_store %arg13[%swap3A], %sub3A {strides = array<i32>} : memref<4160xi32, #tpu.memory_space<vmem>>, vector<16xi32>,
        %mul3A_96 = arith.constant 16 : i32
        %mul3A_97 = arith.muli %add3A_92, %mul3A_96 : i32
        %swap3A_98 = arith.index_cast %mul3A_97 : i32 to index
        %swap3A_99 = tpu.vector_load %arg14[%swap3A_98] {strides = array<i32>} : memref<4160xi32, #tpu.memory_space<vmem>>, vector<16xi32>,
        tpu.vector_store %arg14[%swap3A_98], %sub3A {strides = array<i32>} : memref<4160xi32, #tpu.memory_space<vmem>>, vector<16xi32>,
      }
      %scan3A_15 = arith.constant 260 : i32
      %dma_wait3A = arith.constant 0 : i32
      %dma_wait3A_16 = tpu.memref_slice %arg2[%arg1, %dma_wait3A] : memref<16x4096xi32, #tpu.memory_space<hbm>> -> memref<1x4096xi32, #tpu.memory_space<hbm>>
      %dma_wait3A_17 = tpu.memref_squeeze %dma_wait3A_16 : memref<1x4096xi32, #tpu.memory_space<hbm>> -> memref<4096xi32, #tpu.memory_space<hbm>>
      %dma_wait3A_18 = arith.constant 0 : i32
      %dma_wait3A_19 = tpu.memref_slice %arg2[%arg1, %dma_wait3A_18] : memref<16x4096xi32, #tpu.memory_space<hbm>> -> memref<1x4096xi32, #tpu.memory_space<hbm>>
      %dma_wait3A_20 = tpu.memref_squeeze %dma_wait3A_19 : memref<1x4096xi32, #tpu.memory_space<hbm>> -> memref<4096xi32, #tpu.memory_space<hbm>>
      tpu.wait_dma2 semaphore(%arg22 : memref<!tpu.dma_semaphore, #tpu.memory_space<semaphore_mem>>) src(%dma_wait3A_20 : memref<4096xi32, #tpu.memory_space<hbm>>) dst(%arg9 : memref<4096xi32, #tpu.memory_space<vmem>>)
      tpu.wait_dma2 semaphore(%arg23 : memref<!tpu.dma_semaphore, #tpu.memory_space<semaphore_mem>>) src(%arg3 : memref<16xi32, #tpu.memory_space<hbm>>) dst(%arg10 : memref<16xi32, #tpu.memory_space<vmem>>)
      %dma_wait3A_21 = arith.constant 0 : i32
      %dma_wait3A_22 = tpu.memref_slice %arg11[%dma_wait3A_21] : memref<32xi32, #tpu.memory_space<vmem>> -> memref<16xi32, #tpu.memory_space<vmem>>
      %dma_wait3A_23 = arith.constant 0 : i32
      %dma_wait3A_24 = tpu.memref_slice %arg11[%dma_wait3A_23] : memref<32xi32, #tpu.memory_space<vmem>> -> memref<16xi32, #tpu.memory_space<vmem>>
      tpu.wait_dma2 semaphore(%arg24 : memref<!tpu.dma_semaphore, #tpu.memory_space<semaphore_mem>>) src(%arg4 : memref<16xi32, #tpu.memory_space<hbm>>) dst(%dma_wait3A_24 : memref<16xi32, #tpu.memory_space<vmem>>)
      tpu.wait_dma2 semaphore(%arg25 : memref<!tpu.dma_semaphore, #tpu.memory_space<semaphore_mem>>) src(%arg5 : memref<4096xi32, #tpu.memory_space<hbm>>) dst(%arg12 : memref<4096xi32, #tpu.memory_space<vmem>>)
      %get3A = arith.constant 0 : index
      %get3A_25 = tpu.vector_load %arg10[%get3A] {strides = array<i32>} : memref<16xi32, #tpu.memory_space<vmem>>, vector<16xi32>,
      %slice3A = vector.extract_strided_slice %get3A_25 {offsets = [0], sizes = [1], strides = [1]} : vector<16xi32> to vector<1xi32>
      %squeeze3A = vector.extract %slice3A[0] : i32 from vector<1xi32>
      %slice3A_26 = vector.extract_strided_slice %get3A_25 {offsets = [1], sizes = [1], strides = [1]} : vector<16xi32> to vector<1xi32>
      %squeeze3A_27 = vector.extract %slice3A_26[0] : i32 from vector<1xi32>
      %get3A_28 = arith.index_cast %arg1 : i32 to index
      %get3A_29 = tpu.vector_load %arg11[%get3A_28] {strides = array<i32>} : memref<32xi32, #tpu.memory_space<vmem>>, vector<16xi32>,
      %slice3A_30 = vector.extract_strided_slice %get3A_29 {offsets = [0], sizes = [1], strides = [1]} : vector<16xi32> to vector<1xi32>
      %squeeze3A_31 = vector.extract %slice3A_30[0] : i32 from vector<1xi32>
      %scan3A_32 = arith.constant 0 : i32
      %scan3A_33 = arith.constant 256 : i32
      %scan3A_34 = arith.addi %scan3A_32, %scan3A_33 : i32
      %scan3A_35 = arith.constant 1 : i32
      %scan3A_36 = scf.for %scan3A_89 = %scan3A_32 to %scan3A_34 step %scan3A_35 iter_args(%scan3A_90 = %squeeze3A_31) -> (i32)  : i32 {
        %mul3A_91 = arith.constant 16 : i32
        %mul3A_92 = arith.muli %scan3A_89, %mul3A_91 : i32
        %get3A_93 = arith.index_cast %mul3A_92 : i32 to index
        %get3A_94 = tpu.vector_load %arg9[%get3A_93] {strides = array<i32>} : memref<4096xi32, #tpu.memory_space<vmem>>, vector<16xi32>,
        %add3A = arith.addi %mul3A_2, %mul3A_92 : i32
        %add3A_95 = vector.broadcast %add3A : i32 to vector<16xi32>
        %add3A_96 = arith.addi %iota3A, %add3A_95 : vector<16xi32>
        %gt3A = vector.broadcast %squeeze3A : i32 to vector<16xi32>
        %gt3A_97 = arith.cmpi sgt, %get3A_94, %gt3A : vector<16xi32>
        %eq3A_98 = vector.broadcast %squeeze3A : i32 to vector<16xi32>
        %eq3A_99 = arith.cmpi eq, %get3A_94, %eq3A_98 : vector<16xi32>
        %le3A = vector.broadcast %squeeze3A_27 : i32 to vector<16xi32>
        %le3A_100 = arith.cmpi sle, %add3A_96, %le3A : vector<16xi32>
        %and3A = arith.andi %eq3A_99, %le3A_100 : vector<16xi1>
        %or3A = arith.ori %gt3A_97, %and3A : vector<16xi1>
        %convert_element_type3A_101 = arith.extui %or3A : vector<16xi1> to vector<16xi32>
        %broadcast_in_dim3A = arith.constant true
        %broadcast_in_dim3A_102 = vector.broadcast %broadcast_in_dim3A : i1 to vector<16xi1>
        %masked_cumsum3A = tpu.scan <sum>, %convert_element_type3A_101 masked %broadcast_in_dim3A_102 : vector<16xi32>, vector<16xi1> -> vector<16xi32>
        %sub3A_103 = arith.subi %masked_cumsum3A, %convert_element_type3A_101 : vector<16xi32>
        %add3A_104 = vector.broadcast %scan3A_90 : i32 to vector<16xi32>
        %add3A_105 = arith.addi %add3A_104, %sub3A_103 : vector<16xi32>
        %add3A_106 = arith.constant 4096 : i32
        %add3A_107 = vector.broadcast %add3A_106 : i32 to vector<16xi32>
        %add3A_108 = arith.addi %add3A_107, %iota3A : vector<16xi32>
        %select_n3A = arith.select %or3A, %add3A_105, %add3A_108 : vector<16xi1>, vector<16xi32>
        tpu.vector_store_idx %arg13[%select_n3A], %add3A_96 masked %or3A : memref<4160xi32, #tpu.memory_space<vmem>>[vector<16xi32>], vector<16xi32>, vector<16xi1>
        %and3A_109 = arith.constant 4095 : i32
        %and3A_110 = vector.broadcast %and3A_109 : i32 to vector<16xi32>
        %and3A_111 = arith.andi %add3A_96, %and3A_110 : vector<16xi32>
        %gather3A = tpu.vector_load_idx %arg12[%and3A_111] : memref<4096xi32, #tpu.memory_space<vmem>>[vector<16xi32>], vector<16xi32>,
        tpu.vector_store_idx %arg14[%select_n3A], %gather3A masked %or3A : memref<4160xi32, #tpu.memory_space<vmem>>[vector<16xi32>], vector<16xi32>, vector<16xi1>
        %reduce_sum3A = arith.constant true
        %reduce_sum3A_112 = vector.broadcast %reduce_sum3A : i1 to vector<16xi1>
        %reduce_sum3A_113 = tpu.scan <sum>, %convert_element_type3A_101 masked %reduce_sum3A_112 : vector<16xi32>, vector<16xi1> -> vector<16xi32>
        %reduce_sum3A_114 = vector.extract %reduce_sum3A_113[15] : i32 from vector<16xi32>
        %add3A_115 = arith.addi %scan3A_90, %reduce_sum3A_114 : i32
        scf.yield %add3A_115 : i32
      }
      %scan3A_37 = arith.constant 256 : i32
      %dma_start3A_38 = arith.constant 0 : i32
      %dma_start3A_39 = tpu.memref_slice %arg20[%arg1, %dma_start3A_38] : memref<16x4160xi32, #tpu.memory_space<vmem_shared>> -> memref<1x4160xi32, #tpu.memory_space<vmem_shared>>
      %dma_start3A_40 = tpu.memref_squeeze %dma_start3A_39 : memref<1x4160xi32, #tpu.memory_space<vmem_shared>> -> memref<4160xi32, #tpu.memory_space<vmem_shared>>
      %dma_start3A_41 = arith.constant 0 : i32
      %dma_start3A_42 = tpu.memref_slice %arg20[%arg1, %dma_start3A_41] : memref<16x4160xi32, #tpu.memory_space<vmem_shared>> -> memref<1x4160xi32, #tpu.memory_space<vmem_shared>>
      %dma_start3A_43 = tpu.memref_squeeze %dma_start3A_42 : memref<1x4160xi32, #tpu.memory_space<vmem_shared>> -> memref<4160xi32, #tpu.memory_space<vmem_shared>>
      tpu.enqueue_dma source(%arg13 : memref<4160xi32, #tpu.memory_space<vmem>>) target(%dma_start3A_43 : memref<4160xi32, #tpu.memory_space<vmem_shared>>) target_semaphore(%arg22 : memref<!tpu.dma_semaphore, #tpu.memory_space<semaphore_mem>>)
      %dma_start3A_44 = arith.constant 0 : i32
      %dma_start3A_45 = tpu.memref_slice %arg21[%arg1, %dma_start3A_44] : memref<16x4160xi32, #tpu.memory_space<vmem_shared>> -> memref<1x4160xi32, #tpu.memory_space<vmem_shared>>
      %dma_start3A_46 = tpu.memref_squeeze %dma_start3A_45 : memref<1x4160xi32, #tpu.memory_space<vmem_shared>> -> memref<4160xi32, #tpu.memory_space<vmem_shared>>
      %dma_start3A_47 = arith.constant 0 : i32
      %dma_start3A_48 = tpu.memref_slice %arg21[%arg1, %dma_start3A_47] : memref<16x4160xi32, #tpu.memory_space<vmem_shared>> -> memref<1x4160xi32, #tpu.memory_space<vmem_shared>>
      %dma_start3A_49 = tpu.memref_squeeze %dma_start3A_48 : memref<1x4160xi32, #tpu.memory_space<vmem_shared>> -> memref<4160xi32, #tpu.memory_space<vmem_shared>>
      tpu.enqueue_dma source(%arg14 : memref<4160xi32, #tpu.memory_space<vmem>>) target(%dma_start3A_49 : memref<4160xi32, #tpu.memory_space<vmem_shared>>) target_semaphore(%arg23 : memref<!tpu.dma_semaphore, #tpu.memory_space<semaphore_mem>>)
      %dma_wait3A_50 = arith.constant 0 : i32
      %dma_wait3A_51 = tpu.memref_slice %arg20[%arg1, %dma_wait3A_50] : memref<16x4160xi32, #tpu.memory_space<vmem_shared>> -> memref<1x4160xi32, #tpu.memory_space<vmem_shared>>
      %dma_wait3A_52 = tpu.memref_squeeze %dma_wait3A_51 : memref<1x4160xi32, #tpu.memory_space<vmem_shared>> -> memref<4160xi32, #tpu.memory_space<vmem_shared>>
      %dma_wait3A_53 = arith.constant 0 : i32
      %dma_wait3A_54 = tpu.memref_slice %arg20[%arg1, %dma_wait3A_53] : memref<16x4160xi32, #tpu.memory_space<vmem_shared>> -> memref<1x4160xi32, #tpu.memory_space<vmem_shared>>
      %dma_wait3A_55 = tpu.memref_squeeze %dma_wait3A_54 : memref<1x4160xi32, #tpu.memory_space<vmem_shared>> -> memref<4160xi32, #tpu.memory_space<vmem_shared>>
      tpu.wait_dma2 semaphore(%arg22 : memref<!tpu.dma_semaphore, #tpu.memory_space<semaphore_mem>>) src(%arg13 : memref<4160xi32, #tpu.memory_space<vmem>>) dst(%dma_wait3A_55 : memref<4160xi32, #tpu.memory_space<vmem_shared>>)
      %dma_wait3A_56 = arith.constant 0 : i32
      %dma_wait3A_57 = tpu.memref_slice %arg21[%arg1, %dma_wait3A_56] : memref<16x4160xi32, #tpu.memory_space<vmem_shared>> -> memref<1x4160xi32, #tpu.memory_space<vmem_shared>>
      %dma_wait3A_58 = tpu.memref_squeeze %dma_wait3A_57 : memref<1x4160xi32, #tpu.memory_space<vmem_shared>> -> memref<4160xi32, #tpu.memory_space<vmem_shared>>
      %dma_wait3A_59 = arith.constant 0 : i32
      %dma_wait3A_60 = tpu.memref_slice %arg21[%arg1, %dma_wait3A_59] : memref<16x4160xi32, #tpu.memory_space<vmem_shared>> -> memref<1x4160xi32, #tpu.memory_space<vmem_shared>>
      %dma_wait3A_61 = tpu.memref_squeeze %dma_wait3A_60 : memref<1x4160xi32, #tpu.memory_space<vmem_shared>> -> memref<4160xi32, #tpu.memory_space<vmem_shared>>
      tpu.wait_dma2 semaphore(%arg23 : memref<!tpu.dma_semaphore, #tpu.memory_space<semaphore_mem>>) src(%arg14 : memref<4160xi32, #tpu.memory_space<vmem>>) dst(%dma_wait3A_61 : memref<4160xi32, #tpu.memory_space<vmem_shared>>)
      %barrier3A = arith.constant 0 : index
      tpu.barrier barrier_id(%barrier3A)
      %mul3A_62 = arith.constant 256 : i32
      %mul3A_63 = arith.muli %arg1, %mul3A_62 : i32
      %dma_start3A_64 = arith.constant 0 : i32
      %dma_start3A_65 = tpu.memref_slice %arg20[%dma_start3A_64, %mul3A_63] : memref<16x4160xi32, #tpu.memory_space<vmem_shared>> -> memref<16x256xi32, #tpu.memory_space<vmem_shared>>
      %dma_start3A_66 = arith.constant 0 : i32
      %dma_start3A_67 = tpu.memref_slice %arg20[%dma_start3A_66, %mul3A_63] : memref<16x4160xi32, #tpu.memory_space<vmem_shared>> -> memref<16x256xi32, #tpu.memory_space<vmem_shared>>
      tpu.enqueue_dma source(%dma_start3A_67 : memref<16x256xi32, #tpu.memory_space<vmem_shared>>) target(%arg15 : memref<16x256xi32, #tpu.memory_space<vmem>>) target_semaphore(%arg22 : memref<!tpu.dma_semaphore, #tpu.memory_space<semaphore_mem>>)
      %dma_start3A_68 = arith.constant 0 : i32
      %dma_start3A_69 = tpu.memref_slice %arg21[%dma_start3A_68, %mul3A_63] : memref<16x4160xi32, #tpu.memory_space<vmem_shared>> -> memref<16x256xi32, #tpu.memory_space<vmem_shared>>
      %dma_start3A_70 = arith.constant 0 : i32
      %dma_start3A_71 = tpu.memref_slice %arg21[%dma_start3A_70, %mul3A_63] : memref<16x4160xi32, #tpu.memory_space<vmem_shared>> -> memref<16x256xi32, #tpu.memory_space<vmem_shared>>
      tpu.enqueue_dma source(%dma_start3A_71 : memref<16x256xi32, #tpu.memory_space<vmem_shared>>) target(%arg16 : memref<16x256xi32, #tpu.memory_space<vmem>>) target_semaphore(%arg23 : memref<!tpu.dma_semaphore, #tpu.memory_space<semaphore_mem>>)
      %dma_wait3A_72 = arith.constant 0 : i32
      %dma_wait3A_73 = tpu.memref_slice %arg20[%dma_wait3A_72, %mul3A_63] : memref<16x4160xi32, #tpu.memory_space<vmem_shared>> -> memref<16x256xi32, #tpu.memory_space<vmem_shared>>
      %dma_wait3A_74 = arith.constant 0 : i32
      %dma_wait3A_75 = tpu.memref_slice %arg20[%dma_wait3A_74, %mul3A_63] : memref<16x4160xi32, #tpu.memory_space<vmem_shared>> -> memref<16x256xi32, #tpu.memory_space<vmem_shared>>
      tpu.wait_dma2 semaphore(%arg22 : memref<!tpu.dma_semaphore, #tpu.memory_space<semaphore_mem>>) src(%dma_wait3A_75 : memref<16x256xi32, #tpu.memory_space<vmem_shared>>) dst(%arg15 : memref<16x256xi32, #tpu.memory_space<vmem>>)
      %dma_wait3A_76 = arith.constant 0 : i32
      %dma_wait3A_77 = tpu.memref_slice %arg21[%dma_wait3A_76, %mul3A_63] : memref<16x4160xi32, #tpu.memory_space<vmem_shared>> -> memref<16x256xi32, #tpu.memory_space<vmem_shared>>
      %dma_wait3A_78 = arith.constant 0 : i32
      %dma_wait3A_79 = tpu.memref_slice %arg21[%dma_wait3A_78, %mul3A_63] : memref<16x4160xi32, #tpu.memory_space<vmem_shared>> -> memref<16x256xi32, #tpu.memory_space<vmem_shared>>
      tpu.wait_dma2 semaphore(%arg23 : memref<!tpu.dma_semaphore, #tpu.memory_space<semaphore_mem>>) src(%dma_wait3A_79 : memref<16x256xi32, #tpu.memory_space<vmem_shared>>) dst(%arg16 : memref<16x256xi32, #tpu.memory_space<vmem>>)
      %scan3A_80 = arith.constant 0 : i32
      %scan3A_81 = arith.constant 16 : i32
      %scan3A_82 = arith.addi %scan3A_80, %scan3A_81 : i32
      %scan3A_83 = arith.constant 1 : i32
      scf.for %scan3A_89 = %scan3A_80 to %scan3A_82 step %scan3A_83  : i32 {
        %mul3A_90 = arith.constant 1 : i32
        %mul3A_91 = arith.muli %scan3A_89, %mul3A_90 : i32
        %add3A = arith.constant 0 : i32
        %add3A_92 = arith.addi %add3A, %mul3A_91 : i32
        %mul3A_93 = arith.constant 16 : i32
        %mul3A_94 = arith.muli %add3A_92, %mul3A_93 : i32
        %get3A_95 = arith.constant 0 : i32
        %get3A_96 = arith.index_cast %get3A_95 : i32 to index
        %get3A_97 = arith.index_cast %mul3A_94 : i32 to index
        %get3A_98 = tpu.vector_load %arg15[%get3A_96, %get3A_97] {strides = array<i32>} : memref<16x256xi32, #tpu.memory_space<vmem>>, vector<16xi32>,
        %get3A_99 = arith.constant 0 : i32
        %get3A_100 = arith.index_cast %get3A_99 : i32 to index
        %get3A_101 = arith.index_cast %mul3A_94 : i32 to index
        %get3A_102 = tpu.vector_load %arg16[%get3A_100, %get3A_101] {strides = array<i32>} : memref<16x256xi32, #tpu.memory_space<vmem>>, vector<16xi32>,
        %get3A_103 = arith.constant 1 : i32
        %get3A_104 = arith.index_cast %get3A_103 : i32 to index
        %get3A_105 = arith.index_cast %mul3A_94 : i32 to index
        %get3A_106 = tpu.vector_load %arg15[%get3A_104, %get3A_105] {strides = array<i32>} : memref<16x256xi32, #tpu.memory_space<vmem>>, vector<16xi32>,
        %add3A_107 = arith.addi %get3A_98, %get3A_106 : vector<16xi32>
        %get3A_108 = arith.constant 1 : i32
        %get3A_109 = arith.index_cast %get3A_108 : i32 to index
        %get3A_110 = arith.index_cast %mul3A_94 : i32 to index
        %get3A_111 = tpu.vector_load %arg16[%get3A_109, %get3A_110] {strides = array<i32>} : memref<16x256xi32, #tpu.memory_space<vmem>>, vector<16xi32>,
        %add3A_112 = arith.addi %get3A_102, %get3A_111 : vector<16xi32>
        %get3A_113 = arith.constant 2 : i32
        %get3A_114 = arith.index_cast %get3A_113 : i32 to index
        %get3A_115 = arith.index_cast %mul3A_94 : i32 to index
        %get3A_116 = tpu.vector_load %arg15[%get3A_114, %get3A_115] {strides = array<i32>} : memref<16x256xi32, #tpu.memory_space<vmem>>, vector<16xi32>,
        %add3A_117 = arith.addi %add3A_107, %get3A_116 : vector<16xi32>
        %get3A_118 = arith.constant 2 : i32
        %get3A_119 = arith.index_cast %get3A_118 : i32 to index
        %get3A_120 = arith.index_cast %mul3A_94 : i32 to index
        %get3A_121 = tpu.vector_load %arg16[%get3A_119, %get3A_120] {strides = array<i32>} : memref<16x256xi32, #tpu.memory_space<vmem>>, vector<16xi32>,
        %add3A_122 = arith.addi %add3A_112, %get3A_121 : vector<16xi32>
        %get3A_123 = arith.constant 3 : i32
        %get3A_124 = arith.index_cast %get3A_123 : i32 to index
        %get3A_125 = arith.index_cast %mul3A_94 : i32 to index
        %get3A_126 = tpu.vector_load %arg15[%get3A_124, %get3A_125] {strides = array<i32>} : memref<16x256xi32, #tpu.memory_space<vmem>>, vector<16xi32>,
        %add3A_127 = arith.addi %add3A_117, %get3A_126 : vector<16xi32>
        %get3A_128 = arith.constant 3 : i32
        %get3A_129 = arith.index_cast %get3A_128 : i32 to index
        %get3A_130 = arith.index_cast %mul3A_94 : i32 to index
        %get3A_131 = tpu.vector_load %arg16[%get3A_129, %get3A_130] {strides = array<i32>} : memref<16x256xi32, #tpu.memory_space<vmem>>, vector<16xi32>,
        %add3A_132 = arith.addi %add3A_122, %get3A_131 : vector<16xi32>
        %get3A_133 = arith.constant 4 : i32
        %get3A_134 = arith.index_cast %get3A_133 : i32 to index
        %get3A_135 = arith.index_cast %mul3A_94 : i32 to index
        %get3A_136 = tpu.vector_load %arg15[%get3A_134, %get3A_135] {strides = array<i32>} : memref<16x256xi32, #tpu.memory_space<vmem>>, vector<16xi32>,
        %add3A_137 = arith.addi %add3A_127, %get3A_136 : vector<16xi32>
        %get3A_138 = arith.constant 4 : i32
        %get3A_139 = arith.index_cast %get3A_138 : i32 to index
        %get3A_140 = arith.index_cast %mul3A_94 : i32 to index
        %get3A_141 = tpu.vector_load %arg16[%get3A_139, %get3A_140] {strides = array<i32>} : memref<16x256xi32, #tpu.memory_space<vmem>>, vector<16xi32>,
        %add3A_142 = arith.addi %add3A_132, %get3A_141 : vector<16xi32>
        %get3A_143 = arith.constant 5 : i32
        %get3A_144 = arith.index_cast %get3A_143 : i32 to index
        %get3A_145 = arith.index_cast %mul3A_94 : i32 to index
        %get3A_146 = tpu.vector_load %arg15[%get3A_144, %get3A_145] {strides = array<i32>} : memref<16x256xi32, #tpu.memory_space<vmem>>, vector<16xi32>,
        %add3A_147 = arith.addi %add3A_137, %get3A_146 : vector<16xi32>
        %get3A_148 = arith.constant 5 : i32
        %get3A_149 = arith.index_cast %get3A_148 : i32 to index
        %get3A_150 = arith.index_cast %mul3A_94 : i32 to index
        %get3A_151 = tpu.vector_load %arg16[%get3A_149, %get3A_150] {strides = array<i32>} : memref<16x256xi32, #tpu.memory_space<vmem>>, vector<16xi32>,
        %add3A_152 = arith.addi %add3A_142, %get3A_151 : vector<16xi32>
        %get3A_153 = arith.constant 6 : i32
        %get3A_154 = arith.index_cast %get3A_153 : i32 to index
        %get3A_155 = arith.index_cast %mul3A_94 : i32 to index
        %get3A_156 = tpu.vector_load %arg15[%get3A_154, %get3A_155] {strides = array<i32>} : memref<16x256xi32, #tpu.memory_space<vmem>>, vector<16xi32>,
        %add3A_157 = arith.addi %add3A_147, %get3A_156 : vector<16xi32>
        %get3A_158 = arith.constant 6 : i32
        %get3A_159 = arith.index_cast %get3A_158 : i32 to index
        %get3A_160 = arith.index_cast %mul3A_94 : i32 to index
        %get3A_161 = tpu.vector_load %arg16[%get3A_159, %get3A_160] {strides = array<i32>} : memref<16x256xi32, #tpu.memory_space<vmem>>, vector<16xi32>,
        %add3A_162 = arith.addi %add3A_152, %get3A_161 : vector<16xi32>
        %get3A_163 = arith.constant 7 : i32
        %get3A_164 = arith.index_cast %get3A_163 : i32 to index
        %get3A_165 = arith.index_cast %mul3A_94 : i32 to index
        %get3A_166 = tpu.vector_load %arg15[%get3A_164, %get3A_165] {strides = array<i32>} : memref<16x256xi32, #tpu.memory_space<vmem>>, vector<16xi32>,
        %add3A_167 = arith.addi %add3A_157, %get3A_166 : vector<16xi32>
        %get3A_168 = arith.constant 7 : i32
        %get3A_169 = arith.index_cast %get3A_168 : i32 to index
        %get3A_170 = arith.index_cast %mul3A_94 : i32 to index
        %get3A_171 = tpu.vector_load %arg16[%get3A_169, %get3A_170] {strides = array<i32>} : memref<16x256xi32, #tpu.memory_space<vmem>>, vector<16xi32>,
        %add3A_172 = arith.addi %add3A_162, %get3A_171 : vector<16xi32>
        %get3A_173 = arith.constant 8 : i32
        %get3A_174 = arith.index_cast %get3A_173 : i32 to index
        %get3A_175 = arith.index_cast %mul3A_94 : i32 to index
        %get3A_176 = tpu.vector_load %arg15[%get3A_174, %get3A_175] {strides = array<i32>} : memref<16x256xi32, #tpu.memory_space<vmem>>, vector<16xi32>,
        %add3A_177 = arith.addi %add3A_167, %get3A_176 : vector<16xi32>
        %get3A_178 = arith.constant 8 : i32
        %get3A_179 = arith.index_cast %get3A_178 : i32 to index
        %get3A_180 = arith.index_cast %mul3A_94 : i32 to index
        %get3A_181 = tpu.vector_load %arg16[%get3A_179, %get3A_180] {strides = array<i32>} : memref<16x256xi32, #tpu.memory_space<vmem>>, vector<16xi32>,
        %add3A_182 = arith.addi %add3A_172, %get3A_181 : vector<16xi32>
        %get3A_183 = arith.constant 9 : i32
        %get3A_184 = arith.index_cast %get3A_183 : i32 to index
        %get3A_185 = arith.index_cast %mul3A_94 : i32 to index
        %get3A_186 = tpu.vector_load %arg15[%get3A_184, %get3A_185] {strides = array<i32>} : memref<16x256xi32, #tpu.memory_space<vmem>>, vector<16xi32>,
        %add3A_187 = arith.addi %add3A_177, %get3A_186 : vector<16xi32>
        %get3A_188 = arith.constant 9 : i32
        %get3A_189 = arith.index_cast %get3A_188 : i32 to index
        %get3A_190 = arith.index_cast %mul3A_94 : i32 to index
        %get3A_191 = tpu.vector_load %arg16[%get3A_189, %get3A_190] {strides = array<i32>} : memref<16x256xi32, #tpu.memory_space<vmem>>, vector<16xi32>,
        %add3A_192 = arith.addi %add3A_182, %get3A_191 : vector<16xi32>
        %get3A_193 = arith.constant 10 : i32
        %get3A_194 = arith.index_cast %get3A_193 : i32 to index
        %get3A_195 = arith.index_cast %mul3A_94 : i32 to index
        %get3A_196 = tpu.vector_load %arg15[%get3A_194, %get3A_195] {strides = array<i32>} : memref<16x256xi32, #tpu.memory_space<vmem>>, vector<16xi32>,
        %add3A_197 = arith.addi %add3A_187, %get3A_196 : vector<16xi32>
        %get3A_198 = arith.constant 10 : i32
        %get3A_199 = arith.index_cast %get3A_198 : i32 to index
        %get3A_200 = arith.index_cast %mul3A_94 : i32 to index
        %get3A_201 = tpu.vector_load %arg16[%get3A_199, %get3A_200] {strides = array<i32>} : memref<16x256xi32, #tpu.memory_space<vmem>>, vector<16xi32>,
        %add3A_202 = arith.addi %add3A_192, %get3A_201 : vector<16xi32>
        %get3A_203 = arith.constant 11 : i32
        %get3A_204 = arith.index_cast %get3A_203 : i32 to index
        %get3A_205 = arith.index_cast %mul3A_94 : i32 to index
        %get3A_206 = tpu.vector_load %arg15[%get3A_204, %get3A_205] {strides = array<i32>} : memref<16x256xi32, #tpu.memory_space<vmem>>, vector<16xi32>,
        %add3A_207 = arith.addi %add3A_197, %get3A_206 : vector<16xi32>
        %get3A_208 = arith.constant 11 : i32
        %get3A_209 = arith.index_cast %get3A_208 : i32 to index
        %get3A_210 = arith.index_cast %mul3A_94 : i32 to index
        %get3A_211 = tpu.vector_load %arg16[%get3A_209, %get3A_210] {strides = array<i32>} : memref<16x256xi32, #tpu.memory_space<vmem>>, vector<16xi32>,
        %add3A_212 = arith.addi %add3A_202, %get3A_211 : vector<16xi32>
        %get3A_213 = arith.constant 12 : i32
        %get3A_214 = arith.index_cast %get3A_213 : i32 to index
        %get3A_215 = arith.index_cast %mul3A_94 : i32 to index
        %get3A_216 = tpu.vector_load %arg15[%get3A_214, %get3A_215] {strides = array<i32>} : memref<16x256xi32, #tpu.memory_space<vmem>>, vector<16xi32>,
        %add3A_217 = arith.addi %add3A_207, %get3A_216 : vector<16xi32>
        %get3A_218 = arith.constant 12 : i32
        %get3A_219 = arith.index_cast %get3A_218 : i32 to index
        %get3A_220 = arith.index_cast %mul3A_94 : i32 to index
        %get3A_221 = tpu.vector_load %arg16[%get3A_219, %get3A_220] {strides = array<i32>} : memref<16x256xi32, #tpu.memory_space<vmem>>, vector<16xi32>,
        %add3A_222 = arith.addi %add3A_212, %get3A_221 : vector<16xi32>
        %get3A_223 = arith.constant 13 : i32
        %get3A_224 = arith.index_cast %get3A_223 : i32 to index
        %get3A_225 = arith.index_cast %mul3A_94 : i32 to index
        %get3A_226 = tpu.vector_load %arg15[%get3A_224, %get3A_225] {strides = array<i32>} : memref<16x256xi32, #tpu.memory_space<vmem>>, vector<16xi32>,
        %add3A_227 = arith.addi %add3A_217, %get3A_226 : vector<16xi32>
        %get3A_228 = arith.constant 13 : i32
        %get3A_229 = arith.index_cast %get3A_228 : i32 to index
        %get3A_230 = arith.index_cast %mul3A_94 : i32 to index
        %get3A_231 = tpu.vector_load %arg16[%get3A_229, %get3A_230] {strides = array<i32>} : memref<16x256xi32, #tpu.memory_space<vmem>>, vector<16xi32>,
        %add3A_232 = arith.addi %add3A_222, %get3A_231 : vector<16xi32>
        %get3A_233 = arith.constant 14 : i32
        %get3A_234 = arith.index_cast %get3A_233 : i32 to index
        %get3A_235 = arith.index_cast %mul3A_94 : i32 to index
        %get3A_236 = tpu.vector_load %arg15[%get3A_234, %get3A_235] {strides = array<i32>} : memref<16x256xi32, #tpu.memory_space<vmem>>, vector<16xi32>,
        %add3A_237 = arith.addi %add3A_227, %get3A_236 : vector<16xi32>
        %get3A_238 = arith.constant 14 : i32
        %get3A_239 = arith.index_cast %get3A_238 : i32 to index
        %get3A_240 = arith.index_cast %mul3A_94 : i32 to index
        %get3A_241 = tpu.vector_load %arg16[%get3A_239, %get3A_240] {strides = array<i32>} : memref<16x256xi32, #tpu.memory_space<vmem>>, vector<16xi32>,
        %add3A_242 = arith.addi %add3A_232, %get3A_241 : vector<16xi32>
        %get3A_243 = arith.constant 15 : i32
        %get3A_244 = arith.index_cast %get3A_243 : i32 to index
        %get3A_245 = arith.index_cast %mul3A_94 : i32 to index
        %get3A_246 = tpu.vector_load %arg15[%get3A_244, %get3A_245] {strides = array<i32>} : memref<16x256xi32, #tpu.memory_space<vmem>>, vector<16xi32>,
        %add3A_247 = arith.addi %add3A_237, %get3A_246 : vector<16xi32>
        %get3A_248 = arith.constant 15 : i32
        %get3A_249 = arith.index_cast %get3A_248 : i32 to index
        %get3A_250 = arith.index_cast %mul3A_94 : i32 to index
        %get3A_251 = tpu.vector_load %arg16[%get3A_249, %get3A_250] {strides = array<i32>} : memref<16x256xi32, #tpu.memory_space<vmem>>, vector<16xi32>,
        %add3A_252 = arith.addi %add3A_242, %get3A_251 : vector<16xi32>
        %swap3A = arith.index_cast %mul3A_94 : i32 to index
        %swap3A_253 = tpu.vector_load %arg17[%swap3A] {strides = array<i32>} : memref<256xi32, #tpu.memory_space<vmem>>, vector<16xi32>,
        tpu.vector_store %arg17[%swap3A], %add3A_247 {strides = array<i32>} : memref<256xi32, #tpu.memory_space<vmem>>, vector<16xi32>,
        %swap3A_254 = arith.index_cast %mul3A_94 : i32 to index
        %swap3A_255 = tpu.vector_load %arg18[%swap3A_254] {strides = array<i32>} : memref<256xi32, #tpu.memory_space<vmem>>, vector<16xi32>,
        tpu.vector_store %arg18[%swap3A_254], %add3A_252 {strides = array<i32>} : memref<256xi32, #tpu.memory_space<vmem>>, vector<16xi32>,
      }
      %scan3A_84 = arith.constant 16 : i32
      %dma_start3A_85 = tpu.memref_slice %arg8[%mul3A_63] : memref<4096xi32, #tpu.memory_space<hbm>> -> memref<256xi32, #tpu.memory_space<hbm>>
      %dma_start3A_86 = tpu.memref_slice %arg8[%mul3A_63] : memref<4096xi32, #tpu.memory_space<hbm>> -> memref<256xi32, #tpu.memory_space<hbm>>
      tpu.enqueue_dma source(%arg18 : memref<256xi32, #tpu.memory_space<vmem>>) target(%dma_start3A_86 : memref<256xi32, #tpu.memory_space<hbm>>) target_semaphore(%arg24 : memref<!tpu.dma_semaphore, #tpu.memory_space<semaphore_mem>>)
      "tpu.region"() ({
        %run_scoped3A = tpu.sem_alloc : memref<!tpu.dma_semaphore, #tpu.memory_space<semaphore_mem>>
        %dma_start3A_89 = arith.constant 0 : i32
        %dma_start3A_90 = arith.constant 0 : i32
        %dma_start3A_91 = tpu.memref_slice %arg6[%dma_start3A_89, %dma_start3A_90] : memref<65536x64xf32, #tpu.memory_space<hbm>> -> memref<65536x64xf32, #tpu.memory_space<hbm>>
        tpu.enqueue_indirect_dma source(%dma_start3A_91 : memref<65536x64xf32, #tpu.memory_space<hbm>>) target(%arg19 : memref<256x64xf32, #tpu.memory_space<vmem>>) offsets(%arg17 : memref<256xi32, #tpu.memory_space<vmem>>) semaphore(%run_scoped3A : memref<!tpu.dma_semaphore, #tpu.memory_space<semaphore_mem>>)
        %dma_wait3A_92 = arith.constant 0 : i32
        %dma_wait3A_93 = arith.constant 0 : i32
        %dma_wait3A_94 = tpu.memref_slice %arg6[%dma_wait3A_92, %dma_wait3A_93] : memref<65536x64xf32, #tpu.memory_space<hbm>> -> memref<65536x64xf32, #tpu.memory_space<hbm>>
        tpu.wait_indirect_dma semaphore(%run_scoped3A : memref<!tpu.dma_semaphore, #tpu.memory_space<semaphore_mem>>) src(%dma_wait3A_94 : memref<65536x64xf32, #tpu.memory_space<hbm>>) dst(%arg19 : memref<256x64xf32, #tpu.memory_space<vmem>>)
        tpu.yield
      }) : () -> ()
      "tpu.region"() ({
        %run_scoped3A = tpu.sem_alloc : memref<!tpu.dma_semaphore, #tpu.memory_space<semaphore_mem>>
        %dma_start3A_89 = arith.constant 0 : i32
        %dma_start3A_90 = tpu.memref_slice %arg7[%mul3A_63, %dma_start3A_89] : memref<4096x64xf32, #tpu.memory_space<hbm>> -> memref<256x64xf32, #tpu.memory_space<hbm>>
        %dma_start3A_91 = arith.constant 0 : i32
        %dma_start3A_92 = tpu.memref_slice %arg7[%mul3A_63, %dma_start3A_91] : memref<4096x64xf32, #tpu.memory_space<hbm>> -> memref<256x64xf32, #tpu.memory_space<hbm>>
        tpu.enqueue_dma source(%arg19 : memref<256x64xf32, #tpu.memory_space<vmem>>) target(%dma_start3A_92 : memref<256x64xf32, #tpu.memory_space<hbm>>) target_semaphore(%run_scoped3A : memref<!tpu.dma_semaphore, #tpu.memory_space<semaphore_mem>>)
        %dma_wait3A_93 = arith.constant 0 : i32
        %dma_wait3A_94 = tpu.memref_slice %arg7[%mul3A_63, %dma_wait3A_93] : memref<4096x64xf32, #tpu.memory_space<hbm>> -> memref<256x64xf32, #tpu.memory_space<hbm>>
        %dma_wait3A_95 = arith.constant 0 : i32
        %dma_wait3A_96 = tpu.memref_slice %arg7[%mul3A_63, %dma_wait3A_95] : memref<4096x64xf32, #tpu.memory_space<hbm>> -> memref<256x64xf32, #tpu.memory_space<hbm>>
        tpu.wait_dma2 semaphore(%run_scoped3A : memref<!tpu.dma_semaphore, #tpu.memory_space<semaphore_mem>>) src(%arg19 : memref<256x64xf32, #tpu.memory_space<vmem>>) dst(%dma_wait3A_96 : memref<256x64xf32, #tpu.memory_space<hbm>>)
        tpu.yield
      }) : () -> ()
      %dma_wait3A_87 = tpu.memref_slice %arg8[%mul3A_63] : memref<4096xi32, #tpu.memory_space<hbm>> -> memref<256xi32, #tpu.memory_space<hbm>>
      %dma_wait3A_88 = tpu.memref_slice %arg8[%mul3A_63] : memref<4096xi32, #tpu.memory_space<hbm>> -> memref<256xi32, #tpu.memory_space<hbm>>
      tpu.wait_dma2 semaphore(%arg24 : memref<!tpu.dma_semaphore, #tpu.memory_space<semaphore_mem>>) src(%arg18 : memref<256xi32, #tpu.memory_space<vmem>>) dst(%dma_wait3A_88 : memref<256xi32, #tpu.memory_space<hbm>>)
    } else {
    }
    return
  }
}

#map = affine_map<(d0, d1) -> (0, 0)>
#map1 = affine_map<(d0, d1) -> (0)>
module attributes {stable_mosaic.version = 14 : i64} {
  func.func @body(%arg0: i32, %arg1: i32, %arg2: memref<16x4096xi32, #tpu.memory_space<hbm>>, %arg3: memref<16xi32, #tpu.memory_space<hbm>>, %arg4: memref<16xi32, #tpu.memory_space<hbm>>, %arg5: memref<4096xi32, #tpu.memory_space<hbm>>, %arg6: memref<65536x64xf32, #tpu.memory_space<hbm>>, %arg7: memref<4096x64xf32, #tpu.memory_space<hbm>>, %arg8: memref<4096xi32, #tpu.memory_space<hbm>>, %arg9: memref<4096xi32, #tpu.memory_space<vmem>>, %arg10: memref<16xi32, #tpu.memory_space<vmem>>, %arg11: memref<32xi32, #tpu.memory_space<vmem>>, %arg12: memref<4096xi32, #tpu.memory_space<vmem>>, %arg13: memref<4160xi32, #tpu.memory_space<vmem>>, %arg14: memref<4160xi32, #tpu.memory_space<vmem>>, %arg15: memref<16x256xi32, #tpu.memory_space<vmem>>, %arg16: memref<16x256xi32, #tpu.memory_space<vmem>>, %arg17: memref<256xi32, #tpu.memory_space<vmem>>, %arg18: memref<256xi32, #tpu.memory_space<vmem>>, %arg19: memref<256x64xf32, #tpu.memory_space<vmem>>, %arg20: memref<16x4160xi32, #tpu.memory_space<vmem_shared>>, %arg21: memref<16x4160xi32, #tpu.memory_space<vmem_shared>>, %arg22: memref<!tpu.dma_semaphore, #tpu.memory_space<semaphore_mem>>, %arg23: memref<!tpu.dma_semaphore, #tpu.memory_space<semaphore_mem>>, %arg24: memref<!tpu.dma_semaphore, #tpu.memory_space<semaphore_mem>>, %arg25: memref<!tpu.dma_semaphore, #tpu.memory_space<semaphore_mem>>) attributes {dimension_semantics = [#tpu.dimension_semantics<core_parallel>, #tpu.dimension_semantics<subcore_parallel>], iteration_bounds = array<i64: 2, 16>, scalar_prefetch = 0 : i64, scratch_operands = 17 : i64, tpu.core_type = #tpu.core_type<sc_vector_subcore>, window_params = [{transform_indices = #map}, {transform_indices = #map1}, {transform_indices = #map1}, {transform_indices = #map1}, {transform_indices = #map}, {transform_indices = #map}, {transform_indices = #map1}]} {
    %eq3A = arith.constant 0 : i32
    %eq3A_0 = arith.cmpi eq, %arg0, %eq3A : i32
    %convert_element_type3A = arith.extui %eq3A_0 : i1 to i32
    %cond3A = arith.constant 0 : i32
    %cond3A_1 = arith.cmpi ne, %convert_element_type3A, %cond3A : i32
    scf.if %cond3A_1 {
      %mul3A = arith.constant 4096 : i32
      %mul3A_2 = arith.muli %arg1, %mul3A : i32
      %dma_start3A = arith.constant 0 : i32
      %dma_start3A_3 = tpu.memref_slice %arg2[%arg1, %dma_start3A] : memref<16x4096xi32, #tpu.memory_space<hbm>> -> memref<1x4096xi32, #tpu.memory_space<hbm>>
      %dma_start3A_4 = tpu.memref_squeeze %dma_start3A_3 : memref<1x4096xi32, #tpu.memory_space<hbm>> -> memref<4096xi32, #tpu.memory_space<hbm>>
      %dma_start3A_5 = arith.constant 0 : i32
      %dma_start3A_6 = tpu.memref_slice %arg2[%arg1, %dma_start3A_5] : memref<16x4096xi32, #tpu.memory_space<hbm>> -> memref<1x4096xi32, #tpu.memory_space<hbm>>
      %dma_start3A_7 = tpu.memref_squeeze %dma_start3A_6 : memref<1x4096xi32, #tpu.memory_space<hbm>> -> memref<4096xi32, #tpu.memory_space<hbm>>
      tpu.enqueue_dma source(%dma_start3A_7 : memref<4096xi32, #tpu.memory_space<hbm>>) target(%arg9 : memref<4096xi32, #tpu.memory_space<vmem>>) target_semaphore(%arg22 : memref<!tpu.dma_semaphore, #tpu.memory_space<semaphore_mem>>)
      tpu.enqueue_dma source(%arg3 : memref<16xi32, #tpu.memory_space<hbm>>) target(%arg10 : memref<16xi32, #tpu.memory_space<vmem>>) target_semaphore(%arg23 : memref<!tpu.dma_semaphore, #tpu.memory_space<semaphore_mem>>)
      %dma_start3A_8 = arith.constant 0 : i32
      %dma_start3A_9 = tpu.memref_slice %arg11[%dma_start3A_8] : memref<32xi32, #tpu.memory_space<vmem>> -> memref<16xi32, #tpu.memory_space<vmem>>
      %dma_start3A_10 = arith.constant 0 : i32
      %dma_start3A_11 = tpu.memref_slice %arg11[%dma_start3A_10] : memref<32xi32, #tpu.memory_space<vmem>> -> memref<16xi32, #tpu.memory_space<vmem>>
      tpu.enqueue_dma source(%arg4 : memref<16xi32, #tpu.memory_space<hbm>>) target(%dma_start3A_11 : memref<16xi32, #tpu.memory_space<vmem>>) target_semaphore(%arg24 : memref<!tpu.dma_semaphore, #tpu.memory_space<semaphore_mem>>)
      %iota3A = tpu.iota {dimensions = array<i32: 0>} : vector<16xi32>
      %sub3A = arith.subi %iota3A, %iota3A : vector<16xi32>
      %scan3A = arith.constant 0 : i32
      %scan3A_12 = arith.constant 260 : i32
      %scan3A_13 = arith.addi %scan3A, %scan3A_12 : i32
      %scan3A_14 = arith.constant 1 : i32
      scf.for %scan3A_89 = %scan3A to %scan3A_13 step %scan3A_14  : i32 {
        %mul3A_90 = arith.constant 1 : i32
        %mul3A_91 = arith.muli %scan3A_89, %mul3A_90 : i32
        %add3A = arith.constant 0 : i32
        %add3A_92 = arith.addi %add3A, %mul3A_91 : i32
        %mul3A_93 = arith.constant 16 : i32
        %mul3A_94 = arith.muli %add3A_92, %mul3A_93 : i32
        %swap3A = arith.index_cast %mul3A_94 : i32 to index
        %swap3A_95 = tpu.vector_load %arg13[%swap3A] {strides = array<i32>} : memref<4160xi32, #tpu.memory_space<vmem>>, vector<16xi32>,
        tpu.vector_store %arg13[%swap3A], %sub3A {strides = array<i32>} : memref<4160xi32, #tpu.memory_space<vmem>>, vector<16xi32>,
        %mul3A_96 = arith.constant 16 : i32
        %mul3A_97 = arith.muli %add3A_92, %mul3A_96 : i32
        %swap3A_98 = arith.index_cast %mul3A_97 : i32 to index
        %swap3A_99 = tpu.vector_load %arg14[%swap3A_98] {strides = array<i32>} : memref<4160xi32, #tpu.memory_space<vmem>>, vector<16xi32>,
        tpu.vector_store %arg14[%swap3A_98], %sub3A {strides = array<i32>} : memref<4160xi32, #tpu.memory_space<vmem>>, vector<16xi32>,
      }
      %scan3A_15 = arith.constant 260 : i32
      %dma_wait3A = arith.constant 0 : i32
      %dma_wait3A_16 = tpu.memref_slice %arg2[%arg1, %dma_wait3A] : memref<16x4096xi32, #tpu.memory_space<hbm>> -> memref<1x4096xi32, #tpu.memory_space<hbm>>
      %dma_wait3A_17 = tpu.memref_squeeze %dma_wait3A_16 : memref<1x4096xi32, #tpu.memory_space<hbm>> -> memref<4096xi32, #tpu.memory_space<hbm>>
      %dma_wait3A_18 = arith.constant 0 : i32
      %dma_wait3A_19 = tpu.memref_slice %arg2[%arg1, %dma_wait3A_18] : memref<16x4096xi32, #tpu.memory_space<hbm>> -> memref<1x4096xi32, #tpu.memory_space<hbm>>
      %dma_wait3A_20 = tpu.memref_squeeze %dma_wait3A_19 : memref<1x4096xi32, #tpu.memory_space<hbm>> -> memref<4096xi32, #tpu.memory_space<hbm>>
      tpu.wait_dma2 semaphore(%arg22 : memref<!tpu.dma_semaphore, #tpu.memory_space<semaphore_mem>>) src(%dma_wait3A_20 : memref<4096xi32, #tpu.memory_space<hbm>>) dst(%arg9 : memref<4096xi32, #tpu.memory_space<vmem>>)
      tpu.wait_dma2 semaphore(%arg23 : memref<!tpu.dma_semaphore, #tpu.memory_space<semaphore_mem>>) src(%arg3 : memref<16xi32, #tpu.memory_space<hbm>>) dst(%arg10 : memref<16xi32, #tpu.memory_space<vmem>>)
      %dma_wait3A_21 = arith.constant 0 : i32
      %dma_wait3A_22 = tpu.memref_slice %arg11[%dma_wait3A_21] : memref<32xi32, #tpu.memory_space<vmem>> -> memref<16xi32, #tpu.memory_space<vmem>>
      %dma_wait3A_23 = arith.constant 0 : i32
      %dma_wait3A_24 = tpu.memref_slice %arg11[%dma_wait3A_23] : memref<32xi32, #tpu.memory_space<vmem>> -> memref<16xi32, #tpu.memory_space<vmem>>
      tpu.wait_dma2 semaphore(%arg24 : memref<!tpu.dma_semaphore, #tpu.memory_space<semaphore_mem>>) src(%arg4 : memref<16xi32, #tpu.memory_space<hbm>>) dst(%dma_wait3A_24 : memref<16xi32, #tpu.memory_space<vmem>>)
      %get3A = arith.constant 0 : index
      %get3A_25 = tpu.vector_load %arg10[%get3A] {strides = array<i32>} : memref<16xi32, #tpu.memory_space<vmem>>, vector<16xi32>,
      %slice3A = vector.extract_strided_slice %get3A_25 {offsets = [0], sizes = [1], strides = [1]} : vector<16xi32> to vector<1xi32>
      %squeeze3A = vector.extract %slice3A[0] : i32 from vector<1xi32>
      %slice3A_26 = vector.extract_strided_slice %get3A_25 {offsets = [1], sizes = [1], strides = [1]} : vector<16xi32> to vector<1xi32>
      %squeeze3A_27 = vector.extract %slice3A_26[0] : i32 from vector<1xi32>
      %get3A_28 = arith.index_cast %arg1 : i32 to index
      %get3A_29 = tpu.vector_load %arg11[%get3A_28] {strides = array<i32>} : memref<32xi32, #tpu.memory_space<vmem>>, vector<16xi32>,
      %slice3A_30 = vector.extract_strided_slice %get3A_29 {offsets = [0], sizes = [1], strides = [1]} : vector<16xi32> to vector<1xi32>
      %squeeze3A_31 = vector.extract %slice3A_30[0] : i32 from vector<1xi32>
      %scan3A_32 = arith.constant 0 : i32
      %scan3A_33 = arith.constant 256 : i32
      %scan3A_34 = arith.addi %scan3A_32, %scan3A_33 : i32
      %scan3A_35 = arith.constant 1 : i32
      %scan3A_36 = scf.for %scan3A_89 = %scan3A_32 to %scan3A_34 step %scan3A_35 iter_args(%scan3A_90 = %squeeze3A_31) -> (i32)  : i32 {
        %mul3A_91 = arith.constant 16 : i32
        %mul3A_92 = arith.muli %scan3A_89, %mul3A_91 : i32
        %get3A_93 = arith.index_cast %mul3A_92 : i32 to index
        %get3A_94 = tpu.vector_load %arg9[%get3A_93] {strides = array<i32>} : memref<4096xi32, #tpu.memory_space<vmem>>, vector<16xi32>,
        %add3A = arith.addi %mul3A_2, %mul3A_92 : i32
        %add3A_95 = vector.broadcast %add3A : i32 to vector<16xi32>
        %add3A_96 = arith.addi %iota3A, %add3A_95 : vector<16xi32>
        %gt3A = vector.broadcast %squeeze3A : i32 to vector<16xi32>
        %gt3A_97 = arith.cmpi sgt, %get3A_94, %gt3A : vector<16xi32>
        %eq3A_98 = vector.broadcast %squeeze3A : i32 to vector<16xi32>
        %eq3A_99 = arith.cmpi eq, %get3A_94, %eq3A_98 : vector<16xi32>
        %le3A = vector.broadcast %squeeze3A_27 : i32 to vector<16xi32>
        %le3A_100 = arith.cmpi sle, %add3A_96, %le3A : vector<16xi32>
        %and3A = arith.andi %eq3A_99, %le3A_100 : vector<16xi1>
        %or3A = arith.ori %gt3A_97, %and3A : vector<16xi1>
        %convert_element_type3A_101 = arith.extui %or3A : vector<16xi1> to vector<16xi32>
        %broadcast_in_dim3A = arith.constant true
        %broadcast_in_dim3A_102 = vector.broadcast %broadcast_in_dim3A : i1 to vector<16xi1>
        %masked_cumsum3A = tpu.scan <sum>, %convert_element_type3A_101 masked %broadcast_in_dim3A_102 : vector<16xi32>, vector<16xi1> -> vector<16xi32>
        %sub3A_103 = arith.subi %masked_cumsum3A, %convert_element_type3A_101 : vector<16xi32>
        %add3A_104 = vector.broadcast %scan3A_90 : i32 to vector<16xi32>
        %add3A_105 = arith.addi %add3A_104, %sub3A_103 : vector<16xi32>
        %add3A_106 = arith.constant 4096 : i32
        %add3A_107 = vector.broadcast %add3A_106 : i32 to vector<16xi32>
        %add3A_108 = arith.addi %add3A_107, %iota3A : vector<16xi32>
        %select_n3A = arith.select %or3A, %add3A_105, %add3A_108 : vector<16xi1>, vector<16xi32>
        tpu.vector_store_idx %arg13[%select_n3A], %add3A_96 masked %or3A : memref<4160xi32, #tpu.memory_space<vmem>>[vector<16xi32>], vector<16xi32>, vector<16xi1>
        tpu.vector_store_idx %arg14[%select_n3A], %add3A_96 masked %or3A : memref<4160xi32, #tpu.memory_space<vmem>>[vector<16xi32>], vector<16xi32>, vector<16xi1>
        %reduce_sum3A = arith.constant true
        %reduce_sum3A_109 = vector.broadcast %reduce_sum3A : i1 to vector<16xi1>
        %reduce_sum3A_110 = tpu.scan <sum>, %convert_element_type3A_101 masked %reduce_sum3A_109 : vector<16xi32>, vector<16xi1> -> vector<16xi32>
        %reduce_sum3A_111 = vector.extract %reduce_sum3A_110[15] : i32 from vector<16xi32>
        %add3A_112 = arith.addi %scan3A_90, %reduce_sum3A_111 : i32
        scf.yield %add3A_112 : i32
      }
      %scan3A_37 = arith.constant 256 : i32
      %dma_start3A_38 = arith.constant 0 : i32
      %dma_start3A_39 = tpu.memref_slice %arg20[%arg1, %dma_start3A_38] : memref<16x4160xi32, #tpu.memory_space<vmem_shared>> -> memref<1x4160xi32, #tpu.memory_space<vmem_shared>>
      %dma_start3A_40 = tpu.memref_squeeze %dma_start3A_39 : memref<1x4160xi32, #tpu.memory_space<vmem_shared>> -> memref<4160xi32, #tpu.memory_space<vmem_shared>>
      %dma_start3A_41 = arith.constant 0 : i32
      %dma_start3A_42 = tpu.memref_slice %arg20[%arg1, %dma_start3A_41] : memref<16x4160xi32, #tpu.memory_space<vmem_shared>> -> memref<1x4160xi32, #tpu.memory_space<vmem_shared>>
      %dma_start3A_43 = tpu.memref_squeeze %dma_start3A_42 : memref<1x4160xi32, #tpu.memory_space<vmem_shared>> -> memref<4160xi32, #tpu.memory_space<vmem_shared>>
      tpu.enqueue_dma source(%arg13 : memref<4160xi32, #tpu.memory_space<vmem>>) target(%dma_start3A_43 : memref<4160xi32, #tpu.memory_space<vmem_shared>>) target_semaphore(%arg22 : memref<!tpu.dma_semaphore, #tpu.memory_space<semaphore_mem>>)
      %dma_start3A_44 = arith.constant 0 : i32
      %dma_start3A_45 = tpu.memref_slice %arg21[%arg1, %dma_start3A_44] : memref<16x4160xi32, #tpu.memory_space<vmem_shared>> -> memref<1x4160xi32, #tpu.memory_space<vmem_shared>>
      %dma_start3A_46 = tpu.memref_squeeze %dma_start3A_45 : memref<1x4160xi32, #tpu.memory_space<vmem_shared>> -> memref<4160xi32, #tpu.memory_space<vmem_shared>>
      %dma_start3A_47 = arith.constant 0 : i32
      %dma_start3A_48 = tpu.memref_slice %arg21[%arg1, %dma_start3A_47] : memref<16x4160xi32, #tpu.memory_space<vmem_shared>> -> memref<1x4160xi32, #tpu.memory_space<vmem_shared>>
      %dma_start3A_49 = tpu.memref_squeeze %dma_start3A_48 : memref<1x4160xi32, #tpu.memory_space<vmem_shared>> -> memref<4160xi32, #tpu.memory_space<vmem_shared>>
      tpu.enqueue_dma source(%arg14 : memref<4160xi32, #tpu.memory_space<vmem>>) target(%dma_start3A_49 : memref<4160xi32, #tpu.memory_space<vmem_shared>>) target_semaphore(%arg23 : memref<!tpu.dma_semaphore, #tpu.memory_space<semaphore_mem>>)
      %dma_wait3A_50 = arith.constant 0 : i32
      %dma_wait3A_51 = tpu.memref_slice %arg20[%arg1, %dma_wait3A_50] : memref<16x4160xi32, #tpu.memory_space<vmem_shared>> -> memref<1x4160xi32, #tpu.memory_space<vmem_shared>>
      %dma_wait3A_52 = tpu.memref_squeeze %dma_wait3A_51 : memref<1x4160xi32, #tpu.memory_space<vmem_shared>> -> memref<4160xi32, #tpu.memory_space<vmem_shared>>
      %dma_wait3A_53 = arith.constant 0 : i32
      %dma_wait3A_54 = tpu.memref_slice %arg20[%arg1, %dma_wait3A_53] : memref<16x4160xi32, #tpu.memory_space<vmem_shared>> -> memref<1x4160xi32, #tpu.memory_space<vmem_shared>>
      %dma_wait3A_55 = tpu.memref_squeeze %dma_wait3A_54 : memref<1x4160xi32, #tpu.memory_space<vmem_shared>> -> memref<4160xi32, #tpu.memory_space<vmem_shared>>
      tpu.wait_dma2 semaphore(%arg22 : memref<!tpu.dma_semaphore, #tpu.memory_space<semaphore_mem>>) src(%arg13 : memref<4160xi32, #tpu.memory_space<vmem>>) dst(%dma_wait3A_55 : memref<4160xi32, #tpu.memory_space<vmem_shared>>)
      %dma_wait3A_56 = arith.constant 0 : i32
      %dma_wait3A_57 = tpu.memref_slice %arg21[%arg1, %dma_wait3A_56] : memref<16x4160xi32, #tpu.memory_space<vmem_shared>> -> memref<1x4160xi32, #tpu.memory_space<vmem_shared>>
      %dma_wait3A_58 = tpu.memref_squeeze %dma_wait3A_57 : memref<1x4160xi32, #tpu.memory_space<vmem_shared>> -> memref<4160xi32, #tpu.memory_space<vmem_shared>>
      %dma_wait3A_59 = arith.constant 0 : i32
      %dma_wait3A_60 = tpu.memref_slice %arg21[%arg1, %dma_wait3A_59] : memref<16x4160xi32, #tpu.memory_space<vmem_shared>> -> memref<1x4160xi32, #tpu.memory_space<vmem_shared>>
      %dma_wait3A_61 = tpu.memref_squeeze %dma_wait3A_60 : memref<1x4160xi32, #tpu.memory_space<vmem_shared>> -> memref<4160xi32, #tpu.memory_space<vmem_shared>>
      tpu.wait_dma2 semaphore(%arg23 : memref<!tpu.dma_semaphore, #tpu.memory_space<semaphore_mem>>) src(%arg14 : memref<4160xi32, #tpu.memory_space<vmem>>) dst(%dma_wait3A_61 : memref<4160xi32, #tpu.memory_space<vmem_shared>>)
      %barrier3A = arith.constant 0 : index
      tpu.barrier barrier_id(%barrier3A)
      %mul3A_62 = arith.constant 256 : i32
      %mul3A_63 = arith.muli %arg1, %mul3A_62 : i32
      %dma_start3A_64 = arith.constant 0 : i32
      %dma_start3A_65 = tpu.memref_slice %arg20[%dma_start3A_64, %mul3A_63] : memref<16x4160xi32, #tpu.memory_space<vmem_shared>> -> memref<16x256xi32, #tpu.memory_space<vmem_shared>>
      %dma_start3A_66 = arith.constant 0 : i32
      %dma_start3A_67 = tpu.memref_slice %arg20[%dma_start3A_66, %mul3A_63] : memref<16x4160xi32, #tpu.memory_space<vmem_shared>> -> memref<16x256xi32, #tpu.memory_space<vmem_shared>>
      tpu.enqueue_dma source(%dma_start3A_67 : memref<16x256xi32, #tpu.memory_space<vmem_shared>>) target(%arg15 : memref<16x256xi32, #tpu.memory_space<vmem>>) target_semaphore(%arg22 : memref<!tpu.dma_semaphore, #tpu.memory_space<semaphore_mem>>)
      %dma_start3A_68 = arith.constant 0 : i32
      %dma_start3A_69 = tpu.memref_slice %arg21[%dma_start3A_68, %mul3A_63] : memref<16x4160xi32, #tpu.memory_space<vmem_shared>> -> memref<16x256xi32, #tpu.memory_space<vmem_shared>>
      %dma_start3A_70 = arith.constant 0 : i32
      %dma_start3A_71 = tpu.memref_slice %arg21[%dma_start3A_70, %mul3A_63] : memref<16x4160xi32, #tpu.memory_space<vmem_shared>> -> memref<16x256xi32, #tpu.memory_space<vmem_shared>>
      tpu.enqueue_dma source(%dma_start3A_71 : memref<16x256xi32, #tpu.memory_space<vmem_shared>>) target(%arg16 : memref<16x256xi32, #tpu.memory_space<vmem>>) target_semaphore(%arg23 : memref<!tpu.dma_semaphore, #tpu.memory_space<semaphore_mem>>)
      %dma_wait3A_72 = arith.constant 0 : i32
      %dma_wait3A_73 = tpu.memref_slice %arg20[%dma_wait3A_72, %mul3A_63] : memref<16x4160xi32, #tpu.memory_space<vmem_shared>> -> memref<16x256xi32, #tpu.memory_space<vmem_shared>>
      %dma_wait3A_74 = arith.constant 0 : i32
      %dma_wait3A_75 = tpu.memref_slice %arg20[%dma_wait3A_74, %mul3A_63] : memref<16x4160xi32, #tpu.memory_space<vmem_shared>> -> memref<16x256xi32, #tpu.memory_space<vmem_shared>>
      tpu.wait_dma2 semaphore(%arg22 : memref<!tpu.dma_semaphore, #tpu.memory_space<semaphore_mem>>) src(%dma_wait3A_75 : memref<16x256xi32, #tpu.memory_space<vmem_shared>>) dst(%arg15 : memref<16x256xi32, #tpu.memory_space<vmem>>)
      %dma_wait3A_76 = arith.constant 0 : i32
      %dma_wait3A_77 = tpu.memref_slice %arg21[%dma_wait3A_76, %mul3A_63] : memref<16x4160xi32, #tpu.memory_space<vmem_shared>> -> memref<16x256xi32, #tpu.memory_space<vmem_shared>>
      %dma_wait3A_78 = arith.constant 0 : i32
      %dma_wait3A_79 = tpu.memref_slice %arg21[%dma_wait3A_78, %mul3A_63] : memref<16x4160xi32, #tpu.memory_space<vmem_shared>> -> memref<16x256xi32, #tpu.memory_space<vmem_shared>>
      tpu.wait_dma2 semaphore(%arg23 : memref<!tpu.dma_semaphore, #tpu.memory_space<semaphore_mem>>) src(%dma_wait3A_79 : memref<16x256xi32, #tpu.memory_space<vmem_shared>>) dst(%arg16 : memref<16x256xi32, #tpu.memory_space<vmem>>)
      %scan3A_80 = arith.constant 0 : i32
      %scan3A_81 = arith.constant 16 : i32
      %scan3A_82 = arith.addi %scan3A_80, %scan3A_81 : i32
      %scan3A_83 = arith.constant 1 : i32
      scf.for %scan3A_89 = %scan3A_80 to %scan3A_82 step %scan3A_83  : i32 {
        %mul3A_90 = arith.constant 1 : i32
        %mul3A_91 = arith.muli %scan3A_89, %mul3A_90 : i32
        %add3A = arith.constant 0 : i32
        %add3A_92 = arith.addi %add3A, %mul3A_91 : i32
        %mul3A_93 = arith.constant 16 : i32
        %mul3A_94 = arith.muli %add3A_92, %mul3A_93 : i32
        %get3A_95 = arith.constant 0 : i32
        %get3A_96 = arith.index_cast %get3A_95 : i32 to index
        %get3A_97 = arith.index_cast %mul3A_94 : i32 to index
        %get3A_98 = tpu.vector_load %arg15[%get3A_96, %get3A_97] {strides = array<i32>} : memref<16x256xi32, #tpu.memory_space<vmem>>, vector<16xi32>,
        %get3A_99 = arith.constant 0 : i32
        %get3A_100 = arith.index_cast %get3A_99 : i32 to index
        %get3A_101 = arith.index_cast %mul3A_94 : i32 to index
        %get3A_102 = tpu.vector_load %arg16[%get3A_100, %get3A_101] {strides = array<i32>} : memref<16x256xi32, #tpu.memory_space<vmem>>, vector<16xi32>,
        %get3A_103 = arith.constant 1 : i32
        %get3A_104 = arith.index_cast %get3A_103 : i32 to index
        %get3A_105 = arith.index_cast %mul3A_94 : i32 to index
        %get3A_106 = tpu.vector_load %arg15[%get3A_104, %get3A_105] {strides = array<i32>} : memref<16x256xi32, #tpu.memory_space<vmem>>, vector<16xi32>,
        %add3A_107 = arith.addi %get3A_98, %get3A_106 : vector<16xi32>
        %get3A_108 = arith.constant 1 : i32
        %get3A_109 = arith.index_cast %get3A_108 : i32 to index
        %get3A_110 = arith.index_cast %mul3A_94 : i32 to index
        %get3A_111 = tpu.vector_load %arg16[%get3A_109, %get3A_110] {strides = array<i32>} : memref<16x256xi32, #tpu.memory_space<vmem>>, vector<16xi32>,
        %add3A_112 = arith.addi %get3A_102, %get3A_111 : vector<16xi32>
        %get3A_113 = arith.constant 2 : i32
        %get3A_114 = arith.index_cast %get3A_113 : i32 to index
        %get3A_115 = arith.index_cast %mul3A_94 : i32 to index
        %get3A_116 = tpu.vector_load %arg15[%get3A_114, %get3A_115] {strides = array<i32>} : memref<16x256xi32, #tpu.memory_space<vmem>>, vector<16xi32>,
        %add3A_117 = arith.addi %add3A_107, %get3A_116 : vector<16xi32>
        %get3A_118 = arith.constant 2 : i32
        %get3A_119 = arith.index_cast %get3A_118 : i32 to index
        %get3A_120 = arith.index_cast %mul3A_94 : i32 to index
        %get3A_121 = tpu.vector_load %arg16[%get3A_119, %get3A_120] {strides = array<i32>} : memref<16x256xi32, #tpu.memory_space<vmem>>, vector<16xi32>,
        %add3A_122 = arith.addi %add3A_112, %get3A_121 : vector<16xi32>
        %get3A_123 = arith.constant 3 : i32
        %get3A_124 = arith.index_cast %get3A_123 : i32 to index
        %get3A_125 = arith.index_cast %mul3A_94 : i32 to index
        %get3A_126 = tpu.vector_load %arg15[%get3A_124, %get3A_125] {strides = array<i32>} : memref<16x256xi32, #tpu.memory_space<vmem>>, vector<16xi32>,
        %add3A_127 = arith.addi %add3A_117, %get3A_126 : vector<16xi32>
        %get3A_128 = arith.constant 3 : i32
        %get3A_129 = arith.index_cast %get3A_128 : i32 to index
        %get3A_130 = arith.index_cast %mul3A_94 : i32 to index
        %get3A_131 = tpu.vector_load %arg16[%get3A_129, %get3A_130] {strides = array<i32>} : memref<16x256xi32, #tpu.memory_space<vmem>>, vector<16xi32>,
        %add3A_132 = arith.addi %add3A_122, %get3A_131 : vector<16xi32>
        %get3A_133 = arith.constant 4 : i32
        %get3A_134 = arith.index_cast %get3A_133 : i32 to index
        %get3A_135 = arith.index_cast %mul3A_94 : i32 to index
        %get3A_136 = tpu.vector_load %arg15[%get3A_134, %get3A_135] {strides = array<i32>} : memref<16x256xi32, #tpu.memory_space<vmem>>, vector<16xi32>,
        %add3A_137 = arith.addi %add3A_127, %get3A_136 : vector<16xi32>
        %get3A_138 = arith.constant 4 : i32
        %get3A_139 = arith.index_cast %get3A_138 : i32 to index
        %get3A_140 = arith.index_cast %mul3A_94 : i32 to index
        %get3A_141 = tpu.vector_load %arg16[%get3A_139, %get3A_140] {strides = array<i32>} : memref<16x256xi32, #tpu.memory_space<vmem>>, vector<16xi32>,
        %add3A_142 = arith.addi %add3A_132, %get3A_141 : vector<16xi32>
        %get3A_143 = arith.constant 5 : i32
        %get3A_144 = arith.index_cast %get3A_143 : i32 to index
        %get3A_145 = arith.index_cast %mul3A_94 : i32 to index
        %get3A_146 = tpu.vector_load %arg15[%get3A_144, %get3A_145] {strides = array<i32>} : memref<16x256xi32, #tpu.memory_space<vmem>>, vector<16xi32>,
        %add3A_147 = arith.addi %add3A_137, %get3A_146 : vector<16xi32>
        %get3A_148 = arith.constant 5 : i32
        %get3A_149 = arith.index_cast %get3A_148 : i32 to index
        %get3A_150 = arith.index_cast %mul3A_94 : i32 to index
        %get3A_151 = tpu.vector_load %arg16[%get3A_149, %get3A_150] {strides = array<i32>} : memref<16x256xi32, #tpu.memory_space<vmem>>, vector<16xi32>,
        %add3A_152 = arith.addi %add3A_142, %get3A_151 : vector<16xi32>
        %get3A_153 = arith.constant 6 : i32
        %get3A_154 = arith.index_cast %get3A_153 : i32 to index
        %get3A_155 = arith.index_cast %mul3A_94 : i32 to index
        %get3A_156 = tpu.vector_load %arg15[%get3A_154, %get3A_155] {strides = array<i32>} : memref<16x256xi32, #tpu.memory_space<vmem>>, vector<16xi32>,
        %add3A_157 = arith.addi %add3A_147, %get3A_156 : vector<16xi32>
        %get3A_158 = arith.constant 6 : i32
        %get3A_159 = arith.index_cast %get3A_158 : i32 to index
        %get3A_160 = arith.index_cast %mul3A_94 : i32 to index
        %get3A_161 = tpu.vector_load %arg16[%get3A_159, %get3A_160] {strides = array<i32>} : memref<16x256xi32, #tpu.memory_space<vmem>>, vector<16xi32>,
        %add3A_162 = arith.addi %add3A_152, %get3A_161 : vector<16xi32>
        %get3A_163 = arith.constant 7 : i32
        %get3A_164 = arith.index_cast %get3A_163 : i32 to index
        %get3A_165 = arith.index_cast %mul3A_94 : i32 to index
        %get3A_166 = tpu.vector_load %arg15[%get3A_164, %get3A_165] {strides = array<i32>} : memref<16x256xi32, #tpu.memory_space<vmem>>, vector<16xi32>,
        %add3A_167 = arith.addi %add3A_157, %get3A_166 : vector<16xi32>
        %get3A_168 = arith.constant 7 : i32
        %get3A_169 = arith.index_cast %get3A_168 : i32 to index
        %get3A_170 = arith.index_cast %mul3A_94 : i32 to index
        %get3A_171 = tpu.vector_load %arg16[%get3A_169, %get3A_170] {strides = array<i32>} : memref<16x256xi32, #tpu.memory_space<vmem>>, vector<16xi32>,
        %add3A_172 = arith.addi %add3A_162, %get3A_171 : vector<16xi32>
        %get3A_173 = arith.constant 8 : i32
        %get3A_174 = arith.index_cast %get3A_173 : i32 to index
        %get3A_175 = arith.index_cast %mul3A_94 : i32 to index
        %get3A_176 = tpu.vector_load %arg15[%get3A_174, %get3A_175] {strides = array<i32>} : memref<16x256xi32, #tpu.memory_space<vmem>>, vector<16xi32>,
        %add3A_177 = arith.addi %add3A_167, %get3A_176 : vector<16xi32>
        %get3A_178 = arith.constant 8 : i32
        %get3A_179 = arith.index_cast %get3A_178 : i32 to index
        %get3A_180 = arith.index_cast %mul3A_94 : i32 to index
        %get3A_181 = tpu.vector_load %arg16[%get3A_179, %get3A_180] {strides = array<i32>} : memref<16x256xi32, #tpu.memory_space<vmem>>, vector<16xi32>,
        %add3A_182 = arith.addi %add3A_172, %get3A_181 : vector<16xi32>
        %get3A_183 = arith.constant 9 : i32
        %get3A_184 = arith.index_cast %get3A_183 : i32 to index
        %get3A_185 = arith.index_cast %mul3A_94 : i32 to index
        %get3A_186 = tpu.vector_load %arg15[%get3A_184, %get3A_185] {strides = array<i32>} : memref<16x256xi32, #tpu.memory_space<vmem>>, vector<16xi32>,
        %add3A_187 = arith.addi %add3A_177, %get3A_186 : vector<16xi32>
        %get3A_188 = arith.constant 9 : i32
        %get3A_189 = arith.index_cast %get3A_188 : i32 to index
        %get3A_190 = arith.index_cast %mul3A_94 : i32 to index
        %get3A_191 = tpu.vector_load %arg16[%get3A_189, %get3A_190] {strides = array<i32>} : memref<16x256xi32, #tpu.memory_space<vmem>>, vector<16xi32>,
        %add3A_192 = arith.addi %add3A_182, %get3A_191 : vector<16xi32>
        %get3A_193 = arith.constant 10 : i32
        %get3A_194 = arith.index_cast %get3A_193 : i32 to index
        %get3A_195 = arith.index_cast %mul3A_94 : i32 to index
        %get3A_196 = tpu.vector_load %arg15[%get3A_194, %get3A_195] {strides = array<i32>} : memref<16x256xi32, #tpu.memory_space<vmem>>, vector<16xi32>,
        %add3A_197 = arith.addi %add3A_187, %get3A_196 : vector<16xi32>
        %get3A_198 = arith.constant 10 : i32
        %get3A_199 = arith.index_cast %get3A_198 : i32 to index
        %get3A_200 = arith.index_cast %mul3A_94 : i32 to index
        %get3A_201 = tpu.vector_load %arg16[%get3A_199, %get3A_200] {strides = array<i32>} : memref<16x256xi32, #tpu.memory_space<vmem>>, vector<16xi32>,
        %add3A_202 = arith.addi %add3A_192, %get3A_201 : vector<16xi32>
        %get3A_203 = arith.constant 11 : i32
        %get3A_204 = arith.index_cast %get3A_203 : i32 to index
        %get3A_205 = arith.index_cast %mul3A_94 : i32 to index
        %get3A_206 = tpu.vector_load %arg15[%get3A_204, %get3A_205] {strides = array<i32>} : memref<16x256xi32, #tpu.memory_space<vmem>>, vector<16xi32>,
        %add3A_207 = arith.addi %add3A_197, %get3A_206 : vector<16xi32>
        %get3A_208 = arith.constant 11 : i32
        %get3A_209 = arith.index_cast %get3A_208 : i32 to index
        %get3A_210 = arith.index_cast %mul3A_94 : i32 to index
        %get3A_211 = tpu.vector_load %arg16[%get3A_209, %get3A_210] {strides = array<i32>} : memref<16x256xi32, #tpu.memory_space<vmem>>, vector<16xi32>,
        %add3A_212 = arith.addi %add3A_202, %get3A_211 : vector<16xi32>
        %get3A_213 = arith.constant 12 : i32
        %get3A_214 = arith.index_cast %get3A_213 : i32 to index
        %get3A_215 = arith.index_cast %mul3A_94 : i32 to index
        %get3A_216 = tpu.vector_load %arg15[%get3A_214, %get3A_215] {strides = array<i32>} : memref<16x256xi32, #tpu.memory_space<vmem>>, vector<16xi32>,
        %add3A_217 = arith.addi %add3A_207, %get3A_216 : vector<16xi32>
        %get3A_218 = arith.constant 12 : i32
        %get3A_219 = arith.index_cast %get3A_218 : i32 to index
        %get3A_220 = arith.index_cast %mul3A_94 : i32 to index
        %get3A_221 = tpu.vector_load %arg16[%get3A_219, %get3A_220] {strides = array<i32>} : memref<16x256xi32, #tpu.memory_space<vmem>>, vector<16xi32>,
        %add3A_222 = arith.addi %add3A_212, %get3A_221 : vector<16xi32>
        %get3A_223 = arith.constant 13 : i32
        %get3A_224 = arith.index_cast %get3A_223 : i32 to index
        %get3A_225 = arith.index_cast %mul3A_94 : i32 to index
        %get3A_226 = tpu.vector_load %arg15[%get3A_224, %get3A_225] {strides = array<i32>} : memref<16x256xi32, #tpu.memory_space<vmem>>, vector<16xi32>,
        %add3A_227 = arith.addi %add3A_217, %get3A_226 : vector<16xi32>
        %get3A_228 = arith.constant 13 : i32
        %get3A_229 = arith.index_cast %get3A_228 : i32 to index
        %get3A_230 = arith.index_cast %mul3A_94 : i32 to index
        %get3A_231 = tpu.vector_load %arg16[%get3A_229, %get3A_230] {strides = array<i32>} : memref<16x256xi32, #tpu.memory_space<vmem>>, vector<16xi32>,
        %add3A_232 = arith.addi %add3A_222, %get3A_231 : vector<16xi32>
        %get3A_233 = arith.constant 14 : i32
        %get3A_234 = arith.index_cast %get3A_233 : i32 to index
        %get3A_235 = arith.index_cast %mul3A_94 : i32 to index
        %get3A_236 = tpu.vector_load %arg15[%get3A_234, %get3A_235] {strides = array<i32>} : memref<16x256xi32, #tpu.memory_space<vmem>>, vector<16xi32>,
        %add3A_237 = arith.addi %add3A_227, %get3A_236 : vector<16xi32>
        %get3A_238 = arith.constant 14 : i32
        %get3A_239 = arith.index_cast %get3A_238 : i32 to index
        %get3A_240 = arith.index_cast %mul3A_94 : i32 to index
        %get3A_241 = tpu.vector_load %arg16[%get3A_239, %get3A_240] {strides = array<i32>} : memref<16x256xi32, #tpu.memory_space<vmem>>, vector<16xi32>,
        %add3A_242 = arith.addi %add3A_232, %get3A_241 : vector<16xi32>
        %get3A_243 = arith.constant 15 : i32
        %get3A_244 = arith.index_cast %get3A_243 : i32 to index
        %get3A_245 = arith.index_cast %mul3A_94 : i32 to index
        %get3A_246 = tpu.vector_load %arg15[%get3A_244, %get3A_245] {strides = array<i32>} : memref<16x256xi32, #tpu.memory_space<vmem>>, vector<16xi32>,
        %add3A_247 = arith.addi %add3A_237, %get3A_246 : vector<16xi32>
        %get3A_248 = arith.constant 15 : i32
        %get3A_249 = arith.index_cast %get3A_248 : i32 to index
        %get3A_250 = arith.index_cast %mul3A_94 : i32 to index
        %get3A_251 = tpu.vector_load %arg16[%get3A_249, %get3A_250] {strides = array<i32>} : memref<16x256xi32, #tpu.memory_space<vmem>>, vector<16xi32>,
        %add3A_252 = arith.addi %add3A_242, %get3A_251 : vector<16xi32>
        %swap3A = arith.index_cast %mul3A_94 : i32 to index
        %swap3A_253 = tpu.vector_load %arg17[%swap3A] {strides = array<i32>} : memref<256xi32, #tpu.memory_space<vmem>>, vector<16xi32>,
        tpu.vector_store %arg17[%swap3A], %add3A_247 {strides = array<i32>} : memref<256xi32, #tpu.memory_space<vmem>>, vector<16xi32>,
        %swap3A_254 = arith.index_cast %mul3A_94 : i32 to index
        %swap3A_255 = tpu.vector_load %arg18[%swap3A_254] {strides = array<i32>} : memref<256xi32, #tpu.memory_space<vmem>>, vector<16xi32>,
        tpu.vector_store %arg18[%swap3A_254], %add3A_252 {strides = array<i32>} : memref<256xi32, #tpu.memory_space<vmem>>, vector<16xi32>,
      }
      %scan3A_84 = arith.constant 16 : i32
      %dma_start3A_85 = tpu.memref_slice %arg8[%mul3A_63] : memref<4096xi32, #tpu.memory_space<hbm>> -> memref<256xi32, #tpu.memory_space<hbm>>
      %dma_start3A_86 = tpu.memref_slice %arg8[%mul3A_63] : memref<4096xi32, #tpu.memory_space<hbm>> -> memref<256xi32, #tpu.memory_space<hbm>>
      tpu.enqueue_dma source(%arg18 : memref<256xi32, #tpu.memory_space<vmem>>) target(%dma_start3A_86 : memref<256xi32, #tpu.memory_space<hbm>>) target_semaphore(%arg24 : memref<!tpu.dma_semaphore, #tpu.memory_space<semaphore_mem>>)
      "tpu.region"() ({
        %run_scoped3A = tpu.sem_alloc : memref<!tpu.dma_semaphore, #tpu.memory_space<semaphore_mem>>
        %dma_start3A_89 = arith.constant 0 : i32
        %dma_start3A_90 = arith.constant 0 : i32
        %dma_start3A_91 = tpu.memref_slice %arg6[%dma_start3A_89, %dma_start3A_90] : memref<65536x64xf32, #tpu.memory_space<hbm>> -> memref<65536x64xf32, #tpu.memory_space<hbm>>
        tpu.enqueue_indirect_dma source(%dma_start3A_91 : memref<65536x64xf32, #tpu.memory_space<hbm>>) target(%arg19 : memref<256x64xf32, #tpu.memory_space<vmem>>) offsets(%arg17 : memref<256xi32, #tpu.memory_space<vmem>>) semaphore(%run_scoped3A : memref<!tpu.dma_semaphore, #tpu.memory_space<semaphore_mem>>)
        %dma_wait3A_92 = arith.constant 0 : i32
        %dma_wait3A_93 = arith.constant 0 : i32
        %dma_wait3A_94 = tpu.memref_slice %arg6[%dma_wait3A_92, %dma_wait3A_93] : memref<65536x64xf32, #tpu.memory_space<hbm>> -> memref<65536x64xf32, #tpu.memory_space<hbm>>
        tpu.wait_indirect_dma semaphore(%run_scoped3A : memref<!tpu.dma_semaphore, #tpu.memory_space<semaphore_mem>>) src(%dma_wait3A_94 : memref<65536x64xf32, #tpu.memory_space<hbm>>) dst(%arg19 : memref<256x64xf32, #tpu.memory_space<vmem>>)
        tpu.yield
      }) : () -> ()
      "tpu.region"() ({
        %run_scoped3A = tpu.sem_alloc : memref<!tpu.dma_semaphore, #tpu.memory_space<semaphore_mem>>
        %dma_start3A_89 = arith.constant 0 : i32
        %dma_start3A_90 = tpu.memref_slice %arg7[%mul3A_63, %dma_start3A_89] : memref<4096x64xf32, #tpu.memory_space<hbm>> -> memref<256x64xf32, #tpu.memory_space<hbm>>
        %dma_start3A_91 = arith.constant 0 : i32
        %dma_start3A_92 = tpu.memref_slice %arg7[%mul3A_63, %dma_start3A_91] : memref<4096x64xf32, #tpu.memory_space<hbm>> -> memref<256x64xf32, #tpu.memory_space<hbm>>
        tpu.enqueue_dma source(%arg19 : memref<256x64xf32, #tpu.memory_space<vmem>>) target(%dma_start3A_92 : memref<256x64xf32, #tpu.memory_space<hbm>>) target_semaphore(%run_scoped3A : memref<!tpu.dma_semaphore, #tpu.memory_space<semaphore_mem>>)
        %dma_wait3A_93 = arith.constant 0 : i32
        %dma_wait3A_94 = tpu.memref_slice %arg7[%mul3A_63, %dma_wait3A_93] : memref<4096x64xf32, #tpu.memory_space<hbm>> -> memref<256x64xf32, #tpu.memory_space<hbm>>
        %dma_wait3A_95 = arith.constant 0 : i32
        %dma_wait3A_96 = tpu.memref_slice %arg7[%mul3A_63, %dma_wait3A_95] : memref<4096x64xf32, #tpu.memory_space<hbm>> -> memref<256x64xf32, #tpu.memory_space<hbm>>
        tpu.wait_dma2 semaphore(%run_scoped3A : memref<!tpu.dma_semaphore, #tpu.memory_space<semaphore_mem>>) src(%arg19 : memref<256x64xf32, #tpu.memory_space<vmem>>) dst(%dma_wait3A_96 : memref<256x64xf32, #tpu.memory_space<hbm>>)
        tpu.yield
      }) : () -> ()
      %dma_wait3A_87 = tpu.memref_slice %arg8[%mul3A_63] : memref<4096xi32, #tpu.memory_space<hbm>> -> memref<256xi32, #tpu.memory_space<hbm>>
      %dma_wait3A_88 = tpu.memref_slice %arg8[%mul3A_63] : memref<4096xi32, #tpu.memory_space<hbm>> -> memref<256xi32, #tpu.memory_space<hbm>>
      tpu.wait_dma2 semaphore(%arg24 : memref<!tpu.dma_semaphore, #tpu.memory_space<semaphore_mem>>) src(%arg18 : memref<256xi32, #tpu.memory_space<vmem>>) dst(%dma_wait3A_88 : memref<256xi32, #tpu.memory_space<hbm>>)
    } else {
    }
    return
  }
}

module attributes {stable_mosaic.version = 14 : i64} {
  func.func @_bloom_body(%arg0: i32, %arg1: memref<1x64xf32, #tpu.memory_space<vmem>>, %arg2: memref<1x64xf32, #tpu.memory_space<vmem>>, %arg3: memref<64x1xf32, #tpu.memory_space<vmem>>, %arg4: memref<64x1xf32, #tpu.memory_space<vmem>>, %arg5: memref<64x64xf32, #tpu.memory_space<vmem>>, %arg6: memref<64x64xf32, #tpu.memory_space<vmem>>, %arg7: memref<1x1xf32, #tpu.memory_space<vmem>>, %arg8: memref<4096x64xf32, #tpu.memory_space<vmem>>, %arg9: memref<4096x64xf32, #tpu.memory_space<vmem>>, %arg10: memref<16x4096xi32, #tpu.memory_space<vmem>>, %arg11: memref<16xi32, #tpu.memory_space<smem>>, %arg12: memref<16x1xi32, #tpu.memory_space<vmem>>, %arg13: memref<16x4096xf32, #tpu.memory_space<vmem>>) attributes {dimension_semantics = [#tpu.dimension_semantics<arbitrary>], iteration_bounds = array<i64: 16>, scalar_prefetch = 0 : i64, scratch_operands = 1 : i64, tpu.core_type = #tpu.core_type<tc>, window_params = [{pipeline_mode = #tpu.pipeline_mode<synchronous>, transform_indices = @transform_0, window_bounds = array<i64: 1, 64>}, {pipeline_mode = #tpu.pipeline_mode<synchronous>, transform_indices = @transform_1, window_bounds = array<i64: 1, 64>}, {pipeline_mode = #tpu.pipeline_mode<synchronous>, transform_indices = @transform_2, window_bounds = array<i64: 64, 1>}, {pipeline_mode = #tpu.pipeline_mode<synchronous>, transform_indices = @transform_3, window_bounds = array<i64: 64, 1>}, {pipeline_mode = #tpu.pipeline_mode<synchronous>, transform_indices = @transform_4, window_bounds = array<i64: 64, 64>}, {pipeline_mode = #tpu.pipeline_mode<synchronous>, transform_indices = @transform_5, window_bounds = array<i64: 64, 64>}, {pipeline_mode = #tpu.pipeline_mode<synchronous>, transform_indices = @transform_6, window_bounds = array<i64: 1, 1>}, {transform_indices = @transform_7, window_bounds = array<i64: 4096, 64>}, {transform_indices = @transform_8, window_bounds = array<i64: 4096, 64>}, {pipeline_mode = #tpu.pipeline_mode<synchronous>, transform_indices = @transform_9, window_bounds = array<i64: 16, 4096>}, {transform_indices = @transform_10, window_bounds = array<i64: 16>}, {pipeline_mode = #tpu.pipeline_mode<synchronous>, transform_indices = @transform_11, window_bounds = array<i64: 16, 1>}]} {
    %get3A = arith.constant 0 : index
    %get3A_0 = arith.constant 0 : index
    %get3A_1 = vector.load %arg1[%get3A, %get3A_0] : memref<1x64xf32, #tpu.memory_space<vmem>>, vector<1x64xf32>
    %get3A_2 = arith.constant 0 : index
    %get3A_3 = arith.constant 0 : index
    %get3A_4 = vector.load %arg8[%get3A_2, %get3A_3] : memref<4096x64xf32, #tpu.memory_space<vmem>>, vector<4096x64xf32>
    %add3A = vector.broadcast %get3A_1 : vector<1x64xf32> to vector<4096x64xf32>
    %add3A_5 = arith.addf %add3A, %get3A_4 : vector<4096x64xf32>
    %tanh3A = math.tanh %add3A_5 : vector<4096x64xf32>
    %get3A_6 = arith.constant 0 : index
    %get3A_7 = arith.constant 0 : index
    %get3A_8 = vector.load %arg2[%get3A_6, %get3A_7] : memref<1x64xf32, #tpu.memory_space<vmem>>, vector<1x64xf32>
    %get3A_9 = arith.constant 0 : index
    %get3A_10 = arith.constant 0 : index
    %get3A_11 = vector.load %arg5[%get3A_9, %get3A_10] : memref<64x64xf32, #tpu.memory_space<vmem>>, vector<64x64xf32>
    %dot_general3A = arith.constant dense<0.000000e+00> : vector<4096x64xf32>
    %dot_general3A_12 = tpu.matmul %tanh3A, %get3A_11, %dot_general3A {dimension_numbers = #tpu.dot_dimension_numbers<[1], [0], [0], [1], [0, 0, 1, 1], [], []>, transpose_lhs_hint = false} : vector<4096x64xf32>, vector<64x64xf32>, vector<4096x64xf32> -> vector<4096x64xf32>
    %add3A_13 = vector.broadcast %get3A_8 : vector<1x64xf32> to vector<4096x64xf32>
    %add3A_14 = arith.addf %add3A_13, %dot_general3A_12 : vector<4096x64xf32>
    %tanh3A_15 = math.tanh %add3A_14 : vector<4096x64xf32>
    %swap3A = arith.constant 0 : index
    %swap3A_16 = arith.constant 0 : index
    %swap3A_17 = vector.load %arg9[%swap3A, %swap3A_16] : memref<4096x64xf32, #tpu.memory_space<vmem>>, vector<4096x64xf32>
    tpu.vector_store %arg9[%swap3A, %swap3A_16], %tanh3A_15 {strides = array<i32>} : memref<4096x64xf32, #tpu.memory_space<vmem>>, vector<4096x64xf32>,
    %get3A_18 = arith.constant 0 : index
    %get3A_19 = arith.constant 0 : index
    %get3A_20 = vector.load %arg4[%get3A_18, %get3A_19] : memref<64x1xf32, #tpu.memory_space<vmem>>, vector<64x1xf32>
    %dot_general3A_21 = arith.constant dense<0.000000e+00> : vector<4096x1xf32>
    %dot_general3A_22 = tpu.matmul %tanh3A_15, %get3A_20, %dot_general3A_21 {dimension_numbers = #tpu.dot_dimension_numbers<[1], [0], [0], [1], [0, 0, 1, 1], [], []>, transpose_lhs_hint = false} : vector<4096x64xf32>, vector<64x1xf32>, vector<4096x1xf32> -> vector<4096x1xf32>
    %get3A_23 = arith.constant 0 : index
    %get3A_24 = arith.constant 0 : index
    %get3A_25 = vector.load %arg7[%get3A_23, %get3A_24] : memref<1x1xf32, #tpu.memory_space<vmem>>, vector<1x1xf32>
    %sub3A = vector.broadcast %get3A_25 : vector<1x1xf32> to vector<4096x1xf32>
    %sub3A_26 = arith.subf %dot_general3A_22, %sub3A : vector<4096x1xf32>
    %get3A_27 = arith.constant 0 : index
    %get3A_28 = arith.constant 0 : index
    %get3A_29 = vector.load %arg6[%get3A_27, %get3A_28] : memref<64x64xf32, #tpu.memory_space<vmem>>, vector<64x64xf32>
    %dot_general3A_30 = arith.constant dense<0.000000e+00> : vector<4096x64xf32>
    %dot_general3A_31 = tpu.matmul %tanh3A_15, %get3A_29, %dot_general3A_30 {dimension_numbers = #tpu.dot_dimension_numbers<[1], [0], [0], [1], [0, 0, 1, 1], [], []>, transpose_lhs_hint = false} : vector<4096x64xf32>, vector<64x64xf32>, vector<4096x64xf32> -> vector<4096x64xf32>
    %tanh3A_32 = math.tanh %dot_general3A_31 : vector<4096x64xf32>
    %get3A_33 = arith.constant 0 : index
    %get3A_34 = arith.constant 0 : index
    %get3A_35 = vector.load %arg3[%get3A_33, %get3A_34] : memref<64x1xf32, #tpu.memory_space<vmem>>, vector<64x1xf32>
    %dot_general3A_36 = arith.constant dense<0.000000e+00> : vector<4096x1xf32>
    %dot_general3A_37 = tpu.matmul %tanh3A_32, %get3A_35, %dot_general3A_36 {dimension_numbers = #tpu.dot_dimension_numbers<[1], [0], [0], [1], [0, 0, 1, 1], [], []>, transpose_lhs_hint = false} : vector<4096x64xf32>, vector<64x1xf32>, vector<4096x1xf32> -> vector<4096x1xf32>
    %mul3A = arith.constant 8.750000e-01 : f32
    %mul3A_38 = vector.broadcast %mul3A : f32 to vector<4096x1xf32>
    %mul3A_39 = arith.mulf %dot_general3A_37, %mul3A_38 : vector<4096x1xf32>
    %add3A_40 = arith.addf %sub3A_26, %mul3A_39 : vector<4096x1xf32>
    %reshape3A = vector.shape_cast %add3A_40 : vector<4096x1xf32> to vector<1x4096xf32>
    %swap3A_41 = arith.index_cast %arg0 : i32 to index
    %swap3A_42 = arith.constant 0 : index
    %swap3A_43 = vector.load %arg13[%swap3A_41, %swap3A_42] : memref<16x4096xf32, #tpu.memory_space<vmem>>, vector<1x4096xf32>
    tpu.vector_store %arg13[%swap3A_41, %swap3A_42], %reshape3A {strides = array<i32>} : memref<16x4096xf32, #tpu.memory_space<vmem>>, vector<1x4096xf32>,
    %eq3A = arith.constant 15 : i32
    %eq3A_44 = arith.cmpi eq, %arg0, %eq3A : i32
    %convert_element_type3A = arith.extui %eq3A_44 : i1 to i32
    %cond3A = arith.constant 0 : i32
    %cond3A_45 = arith.cmpi ne, %convert_element_type3A, %cond3A : i32
    scf.if %cond3A_45 {
      %get3A_46 = arith.constant 0 : index
      %get3A_47 = arith.constant 0 : index
      %get3A_48 = vector.load %arg13[%get3A_46, %get3A_47] : memref<16x4096xf32, #tpu.memory_space<vmem>>, vector<16x4096xf32>
      %bitcast_convert_type3A = tpu.bitcast %get3A_48 : vector<16x4096xf32> -> vector<16x4096xi32>
      %shift_right_arithmetic3A = arith.constant 31 : i32
      %shift_right_arithmetic3A_49 = vector.broadcast %shift_right_arithmetic3A : i32 to vector<16x4096xi32>
      %shift_right_arithmetic3A_50 = arith.shrsi %bitcast_convert_type3A, %shift_right_arithmetic3A_49 : vector<16x4096xi32>
      %and3A = arith.constant 2147483647 : i32
      %and3A_51 = vector.broadcast %and3A : i32 to vector<16x4096xi32>
      %and3A_52 = arith.andi %shift_right_arithmetic3A_50, %and3A_51 : vector<16x4096xi32>
      %xor3A = arith.xori %bitcast_convert_type3A, %and3A_52 : vector<16x4096xi32>
      %swap3A_53 = arith.constant 0 : index
      %swap3A_54 = arith.constant 0 : index
      %swap3A_55 = vector.load %arg10[%swap3A_53, %swap3A_54] : memref<16x4096xi32, #tpu.memory_space<vmem>>, vector<16x4096xi32>
      tpu.vector_store %arg10[%swap3A_53, %swap3A_54], %xor3A {strides = array<i32>} : memref<16x4096xi32, #tpu.memory_space<vmem>>, vector<16x4096xi32>,
      %scan3A = arith.constant -2147483648 : i32
      %scan3A_56 = arith.constant 0 : i32
      %scan3A_57 = arith.constant 0 : i32
      %scan3A_58 = arith.constant 32 : i32
      %scan3A_59 = arith.addi %scan3A_57, %scan3A_58 : i32
      %scan3A_60 = arith.constant 1 : i32
      %scan3A_61 = scf.for %scan3A_150 = %scan3A_57 to %scan3A_59 step %scan3A_60 iter_args(%scan3A_151 = %scan3A_56) -> (i32)  : i32 {
        %sub3A_152 = arith.constant 31 : i32
        %sub3A_153 = arith.subi %sub3A_152, %scan3A_150 : i32
        %shift_left3A = arith.constant 1 : i32
        %shift_left3A_154 = arith.shli %shift_left3A, %sub3A_153 : i32
        %or3A_155 = arith.ori %scan3A_151, %shift_left3A_154 : i32
        %xor3A_156 = arith.xori %or3A_155, %scan3A : i32
        %ge3A = vector.broadcast %xor3A_156 : i32 to vector<16x4096xi32>
        %ge3A_157 = arith.cmpi sge, %xor3A, %ge3A : vector<16x4096xi32>
        %convert_element_type3A_158 = arith.extui %ge3A_157 : vector<16x4096xi1> to vector<16x4096xi32>
        %reduce_sum3A_159 = vector.shape_cast %convert_element_type3A_158 : vector<16x4096xi32> to vector<1x16x4096xi32>
        %reduce_sum3A_160 = arith.constant dense<0> : vector<1xi32>
        %reduce_sum3A_161 = vector.multi_reduction <add>, %reduce_sum3A_159, %reduce_sum3A_160 [1, 2] : vector<1x16x4096xi32> to vector<1xi32>
        %reduce_sum3A_162 = vector.shape_cast %reduce_sum3A_161 : vector<1xi32> to vector<1x1x1xi32>
        %reduce_sum3A_163 = vector.extract %reduce_sum3A_162[0, 0, 0] : i32 from vector<1x1x1xi32>
        %ge3A_164 = arith.constant 4096 : i32
        %ge3A_165 = arith.cmpi sge, %reduce_sum3A_163, %ge3A_164 : i32
        %select_n3A = arith.select %ge3A_165, %or3A_155, %scan3A_151 : i32
        scf.yield %select_n3A : i32
      }
      %scan3A_62 = arith.constant 32 : i32
      %xor3A_63 = arith.constant -2147483648 : i32
      %xor3A_64 = arith.xori %scan3A_61, %xor3A_63 : i32
      %gt3A = vector.broadcast %xor3A_64 : i32 to vector<16x4096xi32>
      %gt3A_65 = arith.cmpi sgt, %xor3A, %gt3A : vector<16x4096xi32>
      %eq3A_66 = vector.broadcast %xor3A_64 : i32 to vector<16x4096xi32>
      %eq3A_67 = arith.cmpi eq, %xor3A, %eq3A_66 : vector<16x4096xi32>
      %convert_element_type3A_68 = arith.extui %gt3A_65 : vector<16x4096xi1> to vector<16x4096xi32>
      %reduce_sum3A = vector.shape_cast %convert_element_type3A_68 : vector<16x4096xi32> to vector<1x16x4096xi32>
      %reduce_sum3A_69 = arith.constant dense<0> : vector<1xi32>
      %reduce_sum3A_70 = vector.multi_reduction <add>, %reduce_sum3A, %reduce_sum3A_69 [1, 2] : vector<1x16x4096xi32> to vector<1xi32>
      %reduce_sum3A_71 = vector.shape_cast %reduce_sum3A_70 : vector<1xi32> to vector<1x1x1xi32>
      %reduce_sum3A_72 = vector.extract %reduce_sum3A_71[0, 0, 0] : i32 from vector<1x1x1xi32>
      %sub3A_73 = arith.constant 4096 : i32
      %sub3A_74 = arith.subi %sub3A_73, %reduce_sum3A_72 : i32
      %iota3A = tpu.iota {dimensions = array<i32: 0>} : vector<16x4096xi32>
      %mul3A_75 = arith.constant 4096 : i32
      %mul3A_76 = vector.broadcast %mul3A_75 : i32 to vector<16x4096xi32>
      %mul3A_77 = arith.muli %iota3A, %mul3A_76 : vector<16x4096xi32>
      %iota3A_78 = tpu.iota {dimensions = array<i32: 1>} : vector<16x4096xi32>
      %add3A_79 = arith.addi %mul3A_77, %iota3A_78 : vector<16x4096xi32>
      %scan3A_80 = arith.constant 0 : i32
      %scan3A_81 = arith.constant 0 : i32
      %scan3A_82 = arith.constant 17 : i32
      %scan3A_83 = arith.addi %scan3A_81, %scan3A_82 : i32
      %scan3A_84 = arith.constant 1 : i32
      %scan3A_85 = scf.for %scan3A_150 = %scan3A_81 to %scan3A_83 step %scan3A_84 iter_args(%scan3A_151 = %scan3A_80) -> (i32)  : i32 {
        %sub3A_152 = arith.constant 16 : i32
        %sub3A_153 = arith.subi %sub3A_152, %scan3A_150 : i32
        %shift_left3A = arith.constant 1 : i32
        %shift_left3A_154 = arith.shli %shift_left3A, %sub3A_153 : i32
        %or3A_155 = arith.ori %scan3A_151, %shift_left3A_154 : i32
        %lt3A_156 = vector.broadcast %or3A_155 : i32 to vector<16x4096xi32>
        %lt3A_157 = arith.cmpi slt, %add3A_79, %lt3A_156 : vector<16x4096xi32>
        %and3A_158 = arith.andi %eq3A_67, %lt3A_157 : vector<16x4096xi1>
        %convert_element_type3A_159 = arith.extui %and3A_158 : vector<16x4096xi1> to vector<16x4096xi32>
        %reduce_sum3A_160 = vector.shape_cast %convert_element_type3A_159 : vector<16x4096xi32> to vector<1x16x4096xi32>
        %reduce_sum3A_161 = arith.constant dense<0> : vector<1xi32>
        %reduce_sum3A_162 = vector.multi_reduction <add>, %reduce_sum3A_160, %reduce_sum3A_161 [1, 2] : vector<1x16x4096xi32> to vector<1xi32>
        %reduce_sum3A_163 = vector.shape_cast %reduce_sum3A_162 : vector<1xi32> to vector<1x1x1xi32>
        %reduce_sum3A_164 = vector.extract %reduce_sum3A_163[0, 0, 0] : i32 from vector<1x1x1xi32>
        %lt3A_165 = arith.cmpi slt, %reduce_sum3A_164, %sub3A_74 : i32
        %select_n3A = arith.select %lt3A_165, %or3A_155, %scan3A_151 : i32
        scf.yield %select_n3A : i32
      }
      %scan3A_86 = arith.constant 17 : i32
      %le3A = vector.broadcast %scan3A_85 : i32 to vector<16x4096xi32>
      %le3A_87 = arith.cmpi sle, %add3A_79, %le3A : vector<16x4096xi32>
      %and3A_88 = arith.andi %eq3A_67, %le3A_87 : vector<16x4096xi1>
      %or3A = arith.ori %gt3A_65, %and3A_88 : vector<16x4096xi1>
      %convert_element_type3A_89 = arith.extui %or3A : vector<16x4096xi1> to vector<16x4096xi32>
      %convert_element_type3A_90 = arith.sitofp %convert_element_type3A_89 : vector<16x4096xi32> to vector<16x4096xf32>
      %broadcast_in_dim3A = arith.constant 1.000000e+00 : f32
      %broadcast_in_dim3A_91 = vector.broadcast %broadcast_in_dim3A : f32 to vector<4096x1xf32>
      %dot_general3A_92 = arith.constant dense<0.000000e+00> : vector<16x1xf32>
      %dot_general3A_93 = tpu.matmul %convert_element_type3A_90, %broadcast_in_dim3A_91, %dot_general3A_92 {dimension_numbers = #tpu.dot_dimension_numbers<[1], [0], [0], [1], [0, 0, 1, 1], [], []>, transpose_lhs_hint = false} : vector<16x4096xf32>, vector<4096x1xf32>, vector<16x1xf32> -> vector<16x1xf32>
      %iota3A_94 = tpu.iota {dimensions = array<i32: 1>} : vector<16x16xi32>
      %iota3A_95 = tpu.iota {dimensions = array<i32: 0>} : vector<16x16xi32>
      %lt3A = arith.cmpi slt, %iota3A_94, %iota3A_95 : vector<16x16xi32>
      %convert_element_type3A_96 = arith.extui %lt3A : vector<16x16xi1> to vector<16x16xi32>
      %convert_element_type3A_97 = arith.sitofp %convert_element_type3A_96 : vector<16x16xi32> to vector<16x16xf32>
      %dot_general3A_98 = arith.constant dense<0.000000e+00> : vector<16x1xf32>
      %dot_general3A_99 = tpu.matmul %convert_element_type3A_97, %dot_general3A_93, %dot_general3A_98 {dimension_numbers = #tpu.dot_dimension_numbers<[1], [0], [0], [1], [0, 0, 1, 1], [], []>, transpose_lhs_hint = false} : vector<16x16xf32>, vector<16x1xf32>, vector<16x1xf32> -> vector<16x1xf32>
      %convert_element_type3A_100 = arith.fptosi %dot_general3A_99 : vector<16x1xf32> to vector<16x1xi32>
      %swap3A_101 = arith.constant 0 : index
      %swap3A_102 = arith.constant 0 : index
      %swap3A_103 = vector.load %arg12[%swap3A_101, %swap3A_102] : memref<16x1xi32, #tpu.memory_space<vmem>>, vector<16x1xi32>
      tpu.vector_store %arg12[%swap3A_101, %swap3A_102], %convert_element_type3A_100 {strides = array<i32>} : memref<16x1xi32, #tpu.memory_space<vmem>>, vector<16x1xi32>,
      %swap3A_104 = arith.constant 0 : index
      %swap3A_105 = memref.load %arg11[%swap3A_104] : memref<16xi32, #tpu.memory_space<smem>>
      memref.store %xor3A_64, %arg11[%swap3A_104] : memref<16xi32, #tpu.memory_space<smem>>
      %swap3A_106 = arith.constant 1 : index
      %swap3A_107 = memref.load %arg11[%swap3A_106] : memref<16xi32, #tpu.memory_space<smem>>
      memref.store %scan3A_85, %arg11[%swap3A_106] : memref<16xi32, #tpu.memory_space<smem>>
      %swap3A_108 = arith.constant 0 : i32
      %swap3A_109 = arith.constant 2 : index
      %swap3A_110 = memref.load %arg11[%swap3A_109] : memref<16xi32, #tpu.memory_space<smem>>
      memref.store %swap3A_108, %arg11[%swap3A_109] : memref<16xi32, #tpu.memory_space<smem>>
      %swap3A_111 = arith.constant 0 : i32
      %swap3A_112 = arith.constant 3 : index
      %swap3A_113 = memref.load %arg11[%swap3A_112] : memref<16xi32, #tpu.memory_space<smem>>
      memref.store %swap3A_111, %arg11[%swap3A_112] : memref<16xi32, #tpu.memory_space<smem>>
      %swap3A_114 = arith.constant 0 : i32
      %swap3A_115 = arith.constant 4 : index
      %swap3A_116 = memref.load %arg11[%swap3A_115] : memref<16xi32, #tpu.memory_space<smem>>
      memref.store %swap3A_114, %arg11[%swap3A_115] : memref<16xi32, #tpu.memory_space<smem>>
      %swap3A_117 = arith.constant 0 : i32
      %swap3A_118 = arith.constant 5 : index
      %swap3A_119 = memref.load %arg11[%swap3A_118] : memref<16xi32, #tpu.memory_space<smem>>
      memref.store %swap3A_117, %arg11[%swap3A_118] : memref<16xi32, #tpu.memory_space<smem>>
      %swap3A_120 = arith.constant 0 : i32
      %swap3A_121 = arith.constant 6 : index
      %swap3A_122 = memref.load %arg11[%swap3A_121] : memref<16xi32, #tpu.memory_space<smem>>
      memref.store %swap3A_120, %arg11[%swap3A_121] : memref<16xi32, #tpu.memory_space<smem>>
      %swap3A_123 = arith.constant 0 : i32
      %swap3A_124 = arith.constant 7 : index
      %swap3A_125 = memref.load %arg11[%swap3A_124] : memref<16xi32, #tpu.memory_space<smem>>
      memref.store %swap3A_123, %arg11[%swap3A_124] : memref<16xi32, #tpu.memory_space<smem>>
      %swap3A_126 = arith.constant 0 : i32
      %swap3A_127 = arith.constant 8 : index
      %swap3A_128 = memref.load %arg11[%swap3A_127] : memref<16xi32, #tpu.memory_space<smem>>
      memref.store %swap3A_126, %arg11[%swap3A_127] : memref<16xi32, #tpu.memory_space<smem>>
      %swap3A_129 = arith.constant 0 : i32
      %swap3A_130 = arith.constant 9 : index
      %swap3A_131 = memref.load %arg11[%swap3A_130] : memref<16xi32, #tpu.memory_space<smem>>
      memref.store %swap3A_129, %arg11[%swap3A_130] : memref<16xi32, #tpu.memory_space<smem>>
      %swap3A_132 = arith.constant 0 : i32
      %swap3A_133 = arith.constant 10 : index
      %swap3A_134 = memref.load %arg11[%swap3A_133] : memref<16xi32, #tpu.memory_space<smem>>
      memref.store %swap3A_132, %arg11[%swap3A_133] : memref<16xi32, #tpu.memory_space<smem>>
      %swap3A_135 = arith.constant 0 : i32
      %swap3A_136 = arith.constant 11 : index
      %swap3A_137 = memref.load %arg11[%swap3A_136] : memref<16xi32, #tpu.memory_space<smem>>
      memref.store %swap3A_135, %arg11[%swap3A_136] : memref<16xi32, #tpu.memory_space<smem>>
      %swap3A_138 = arith.constant 0 : i32
      %swap3A_139 = arith.constant 12 : index
      %swap3A_140 = memref.load %arg11[%swap3A_139] : memref<16xi32, #tpu.memory_space<smem>>
      memref.store %swap3A_138, %arg11[%swap3A_139] : memref<16xi32, #tpu.memory_space<smem>>
      %swap3A_141 = arith.constant 0 : i32
      %swap3A_142 = arith.constant 13 : index
      %swap3A_143 = memref.load %arg11[%swap3A_142] : memref<16xi32, #tpu.memory_space<smem>>
      memref.store %swap3A_141, %arg11[%swap3A_142] : memref<16xi32, #tpu.memory_space<smem>>
      %swap3A_144 = arith.constant 0 : i32
      %swap3A_145 = arith.constant 14 : index
      %swap3A_146 = memref.load %arg11[%swap3A_145] : memref<16xi32, #tpu.memory_space<smem>>
      memref.store %swap3A_144, %arg11[%swap3A_145] : memref<16xi32, #tpu.memory_space<smem>>
      %swap3A_147 = arith.constant 0 : i32
      %swap3A_148 = arith.constant 15 : index
      %swap3A_149 = memref.load %arg11[%swap3A_148] : memref<16xi32, #tpu.memory_space<smem>>
      memref.store %swap3A_147, %arg11[%swap3A_148] : memref<16xi32, #tpu.memory_space<smem>>
    } else {
    }
    return
  }
  func.func @transform_0(%arg0: i32) -> (i32, i32) {
    %c0_i32 = arith.constant 0 : i32
    %c0_i32_0 = arith.constant 0 : i32
    %c0_i32_1 = arith.constant 0 : i32
    return %c0_i32, %c0_i32_0 : i32, i32
  }
  func.func @transform_1(%arg0: i32) -> (i32, i32) {
    %c0_i32 = arith.constant 0 : i32
    %c0_i32_0 = arith.constant 0 : i32
    %c0_i32_1 = arith.constant 0 : i32
    return %c0_i32, %c0_i32_0 : i32, i32
  }
  func.func @transform_2(%arg0: i32) -> (i32, i32) {
    %c0_i32 = arith.constant 0 : i32
    %c0_i32_0 = arith.constant 0 : i32
    %c0_i32_1 = arith.constant 0 : i32
    return %c0_i32, %c0_i32_0 : i32, i32
  }
  func.func @transform_3(%arg0: i32) -> (i32, i32) {
    %c0_i32 = arith.constant 0 : i32
    %c0_i32_0 = arith.constant 0 : i32
    %c0_i32_1 = arith.constant 0 : i32
    return %c0_i32, %c0_i32_0 : i32, i32
  }
  func.func @transform_4(%arg0: i32) -> (i32, i32) {
    %c0_i32 = arith.constant 0 : i32
    %c0_i32_0 = arith.constant 0 : i32
    %c0_i32_1 = arith.constant 0 : i32
    return %c0_i32, %c0_i32_0 : i32, i32
  }
  func.func @transform_5(%arg0: i32) -> (i32, i32) {
    %c0_i32 = arith.constant 0 : i32
    %c0_i32_0 = arith.constant 0 : i32
    %c0_i32_1 = arith.constant 0 : i32
    return %c0_i32, %c0_i32_0 : i32, i32
  }
  func.func @transform_6(%arg0: i32) -> (i32, i32) {
    %c0_i32 = arith.constant 0 : i32
    %c0_i32_0 = arith.constant 0 : i32
    %c0_i32_1 = arith.constant 0 : i32
    return %c0_i32, %c0_i32_0 : i32, i32
  }
  func.func @transform_7(%arg0: i32) -> (i32, i32) {
    %c0_i32 = arith.constant 0 : i32
    %c0_i32_0 = arith.constant 0 : i32
    return %arg0, %c0_i32 : i32, i32
  }
  func.func @transform_8(%arg0: i32) -> (i32, i32) {
    %c0_i32 = arith.constant 0 : i32
    %c0_i32_0 = arith.constant 0 : i32
    return %arg0, %c0_i32 : i32, i32
  }
  func.func @transform_9(%arg0: i32) -> (i32, i32) {
    %c0_i32 = arith.constant 0 : i32
    %c0_i32_0 = arith.constant 0 : i32
    %c0_i32_1 = arith.constant 0 : i32
    return %c0_i32, %c0_i32_0 : i32, i32
  }
  func.func @transform_10(%arg0: i32) -> i32 {
    %c0_i32 = arith.constant 0 : i32
    %c0_i32_0 = arith.constant 0 : i32
    return %c0_i32 : i32
  }
  func.func @transform_11(%arg0: i32) -> (i32, i32) {
    %c0_i32 = arith.constant 0 : i32
    %c0_i32_0 = arith.constant 0 : i32
    %c0_i32_1 = arith.constant 0 : i32
    return %c0_i32, %c0_i32_0 : i32, i32
  }
}

module attributes {stable_mosaic.version = 14 : i64} {
  func.func @_preamble_body(%arg0: memref<1x64xf32, #tpu.memory_space<vmem>>, %arg1: memref<1x64xf32, #tpu.memory_space<vmem>>, %arg2: memref<64x64xf32, #tpu.memory_space<vmem>>, %arg3: memref<64x64xf32, #tpu.memory_space<vmem>>, %arg4: memref<64x64xf32, #tpu.memory_space<vmem>>, %arg5: memref<64x64xf32, #tpu.memory_space<vmem>>, %arg6: memref<64x64xf32, #tpu.memory_space<vmem>>, %arg7: memref<64x64xf32, #tpu.memory_space<vmem>>, %arg8: memref<64x64xf32, #tpu.memory_space<vmem>>, %arg9: memref<64x1xf32, #tpu.memory_space<vmem>>, %arg10: memref<1x64xf32, #tpu.memory_space<vmem>>, %arg11: memref<1x64xf32, #tpu.memory_space<vmem>>, %arg12: memref<1x64xf32, #tpu.memory_space<vmem>>, %arg13: memref<1x64xf32, #tpu.memory_space<vmem>>, %arg14: memref<1x64xf32, #tpu.memory_space<vmem>>, %arg15: memref<1x1xf32, #tpu.memory_space<vmem>>) attributes {dimension_semantics = [], scalar_prefetch = 0 : i64, scratch_operands = 0 : i64, tpu.core_type = #tpu.core_type<tc>} {
    %get3A = arith.constant 0 : index
    %get3A_0 = arith.constant 0 : index
    %get3A_1 = vector.load %arg0[%get3A, %get3A_0] : memref<1x64xf32, #tpu.memory_space<vmem>>, vector<1x64xf32>
    %get3A_2 = arith.constant 0 : index
    %get3A_3 = arith.constant 0 : index
    %get3A_4 = vector.load %arg1[%get3A_2, %get3A_3] : memref<1x64xf32, #tpu.memory_space<vmem>>, vector<1x64xf32>
    %get3A_5 = arith.constant 0 : index
    %get3A_6 = arith.constant 0 : index
    %get3A_7 = vector.load %arg2[%get3A_5, %get3A_6] : memref<64x64xf32, #tpu.memory_space<vmem>>, vector<64x64xf32>
    %dot_general3A = arith.constant dense<0.000000e+00> : vector<1x64xf32>
    %dot_general3A_8 = tpu.matmul %get3A_4, %get3A_7, %dot_general3A {dimension_numbers = #tpu.dot_dimension_numbers<[1], [0], [0], [1], [0, 0, 1, 1], [], []>, transpose_lhs_hint = false} : vector<1x64xf32>, vector<64x64xf32>, vector<1x64xf32> -> vector<1x64xf32>
    %get3A_9 = arith.constant 0 : index
    %get3A_10 = arith.constant 0 : index
    %get3A_11 = vector.load %arg3[%get3A_9, %get3A_10] : memref<64x64xf32, #tpu.memory_space<vmem>>, vector<64x64xf32>
    %dot_general3A_12 = arith.constant dense<0.000000e+00> : vector<1x64xf32>
    %dot_general3A_13 = tpu.matmul %get3A_1, %get3A_11, %dot_general3A_12 {dimension_numbers = #tpu.dot_dimension_numbers<[1], [0], [0], [1], [0, 0, 1, 1], [], []>, transpose_lhs_hint = false} : vector<1x64xf32>, vector<64x64xf32>, vector<1x64xf32> -> vector<1x64xf32>
    %add3A = arith.addf %dot_general3A_8, %dot_general3A_13 : vector<1x64xf32>
    %tanh3A = math.tanh %add3A : vector<1x64xf32>
    %get3A_14 = arith.constant 0 : index
    %get3A_15 = arith.constant 0 : index
    %get3A_16 = vector.load %arg4[%get3A_14, %get3A_15] : memref<64x64xf32, #tpu.memory_space<vmem>>, vector<64x64xf32>
    %dot_general3A_17 = arith.constant dense<0.000000e+00> : vector<1x64xf32>
    %dot_general3A_18 = tpu.matmul %tanh3A, %get3A_16, %dot_general3A_17 {dimension_numbers = #tpu.dot_dimension_numbers<[1], [0], [0], [1], [0, 0, 1, 1], [], []>, transpose_lhs_hint = false} : vector<1x64xf32>, vector<64x64xf32>, vector<1x64xf32> -> vector<1x64xf32>
    %get3A_19 = arith.constant 0 : index
    %get3A_20 = arith.constant 0 : index
    %get3A_21 = vector.load %arg5[%get3A_19, %get3A_20] : memref<64x64xf32, #tpu.memory_space<vmem>>, vector<64x64xf32>
    %dot_general3A_22 = arith.constant dense<0.000000e+00> : vector<1x64xf32>
    %dot_general3A_23 = tpu.matmul %get3A_1, %get3A_21, %dot_general3A_22 {dimension_numbers = #tpu.dot_dimension_numbers<[1], [0], [0], [1], [0, 0, 1, 1], [], []>, transpose_lhs_hint = false} : vector<1x64xf32>, vector<64x64xf32>, vector<1x64xf32> -> vector<1x64xf32>
    %add3A_24 = arith.addf %dot_general3A_18, %dot_general3A_23 : vector<1x64xf32>
    %tanh3A_25 = math.tanh %add3A_24 : vector<1x64xf32>
    %get3A_26 = arith.constant 0 : index
    %get3A_27 = arith.constant 0 : index
    %get3A_28 = vector.load %arg6[%get3A_26, %get3A_27] : memref<64x64xf32, #tpu.memory_space<vmem>>, vector<64x64xf32>
    %dot_general3A_29 = arith.constant dense<0.000000e+00> : vector<1x64xf32>
    %dot_general3A_30 = tpu.matmul %tanh3A, %get3A_28, %dot_general3A_29 {dimension_numbers = #tpu.dot_dimension_numbers<[1], [0], [0], [1], [0, 0, 1, 1], [], []>, transpose_lhs_hint = false} : vector<1x64xf32>, vector<64x64xf32>, vector<1x64xf32> -> vector<1x64xf32>
    %get3A_31 = arith.constant 0 : index
    %get3A_32 = arith.constant 0 : index
    %get3A_33 = vector.load %arg7[%get3A_31, %get3A_32] : memref<64x64xf32, #tpu.memory_space<vmem>>, vector<64x64xf32>
    %dot_general3A_34 = arith.constant dense<0.000000e+00> : vector<1x64xf32>
    %dot_general3A_35 = tpu.matmul %tanh3A_25, %get3A_33, %dot_general3A_34 {dimension_numbers = #tpu.dot_dimension_numbers<[1], [0], [0], [1], [0, 0, 1, 1], [], []>, transpose_lhs_hint = false} : vector<1x64xf32>, vector<64x64xf32>, vector<1x64xf32> -> vector<1x64xf32>
    %add3A_36 = arith.addf %dot_general3A_30, %dot_general3A_35 : vector<1x64xf32>
    %tanh3A_37 = math.tanh %add3A_36 : vector<1x64xf32>
    %swap3A = arith.constant 0 : index
    %swap3A_38 = arith.constant 0 : index
    %swap3A_39 = vector.load %arg10[%swap3A, %swap3A_38] : memref<1x64xf32, #tpu.memory_space<vmem>>, vector<1x64xf32>
    tpu.vector_store %arg10[%swap3A, %swap3A_38], %tanh3A {strides = array<i32>} : memref<1x64xf32, #tpu.memory_space<vmem>>, vector<1x64xf32>,
    %get3A_40 = arith.constant 0 : index
    %get3A_41 = arith.constant 0 : index
    %get3A_42 = vector.load %arg4[%get3A_40, %get3A_41] : memref<64x64xf32, #tpu.memory_space<vmem>>, vector<64x64xf32>
    %dot_general3A_43 = arith.constant dense<0.000000e+00> : vector<1x64xf32>
    %dot_general3A_44 = tpu.matmul %tanh3A, %get3A_42, %dot_general3A_43 {dimension_numbers = #tpu.dot_dimension_numbers<[1], [0], [0], [1], [0, 0, 1, 1], [], []>, transpose_lhs_hint = false} : vector<1x64xf32>, vector<64x64xf32>, vector<1x64xf32> -> vector<1x64xf32>
    %swap3A_45 = arith.constant 0 : index
    %swap3A_46 = arith.constant 0 : index
    %swap3A_47 = vector.load %arg11[%swap3A_45, %swap3A_46] : memref<1x64xf32, #tpu.memory_space<vmem>>, vector<1x64xf32>
    tpu.vector_store %arg11[%swap3A_45, %swap3A_46], %dot_general3A_44 {strides = array<i32>} : memref<1x64xf32, #tpu.memory_space<vmem>>, vector<1x64xf32>,
    %get3A_48 = arith.constant 0 : index
    %get3A_49 = arith.constant 0 : index
    %get3A_50 = vector.load %arg6[%get3A_48, %get3A_49] : memref<64x64xf32, #tpu.memory_space<vmem>>, vector<64x64xf32>
    %dot_general3A_51 = arith.constant dense<0.000000e+00> : vector<1x64xf32>
    %dot_general3A_52 = tpu.matmul %tanh3A, %get3A_50, %dot_general3A_51 {dimension_numbers = #tpu.dot_dimension_numbers<[1], [0], [0], [1], [0, 0, 1, 1], [], []>, transpose_lhs_hint = false} : vector<1x64xf32>, vector<64x64xf32>, vector<1x64xf32> -> vector<1x64xf32>
    %swap3A_53 = arith.constant 0 : index
    %swap3A_54 = arith.constant 0 : index
    %swap3A_55 = vector.load %arg12[%swap3A_53, %swap3A_54] : memref<1x64xf32, #tpu.memory_space<vmem>>, vector<1x64xf32>
    tpu.vector_store %arg12[%swap3A_53, %swap3A_54], %dot_general3A_52 {strides = array<i32>} : memref<1x64xf32, #tpu.memory_space<vmem>>, vector<1x64xf32>,
    %swap3A_56 = arith.constant 0 : index
    %swap3A_57 = arith.constant 0 : index
    %swap3A_58 = vector.load %arg13[%swap3A_56, %swap3A_57] : memref<1x64xf32, #tpu.memory_space<vmem>>, vector<1x64xf32>
    tpu.vector_store %arg13[%swap3A_56, %swap3A_57], %tanh3A_37 {strides = array<i32>} : memref<1x64xf32, #tpu.memory_space<vmem>>, vector<1x64xf32>,
    %get3A_59 = arith.constant 0 : index
    %get3A_60 = arith.constant 0 : index
    %get3A_61 = vector.load %arg8[%get3A_59, %get3A_60] : memref<64x64xf32, #tpu.memory_space<vmem>>, vector<64x64xf32>
    %dot_general3A_62 = arith.constant dense<0.000000e+00> : vector<1x64xf32>
    %dot_general3A_63 = tpu.matmul %tanh3A_25, %get3A_61, %dot_general3A_62 {dimension_numbers = #tpu.dot_dimension_numbers<[1], [0], [0], [1], [0, 0, 1, 1], [], []>, transpose_lhs_hint = false} : vector<1x64xf32>, vector<64x64xf32>, vector<1x64xf32> -> vector<1x64xf32>
    %swap3A_64 = arith.constant 0 : index
    %swap3A_65 = arith.constant 0 : index
    %swap3A_66 = vector.load %arg14[%swap3A_64, %swap3A_65] : memref<1x64xf32, #tpu.memory_space<vmem>>, vector<1x64xf32>
    tpu.vector_store %arg14[%swap3A_64, %swap3A_65], %dot_general3A_63 {strides = array<i32>} : memref<1x64xf32, #tpu.memory_space<vmem>>, vector<1x64xf32>,
    %get3A_67 = arith.constant 0 : index
    %get3A_68 = arith.constant 0 : index
    %get3A_69 = vector.load %arg9[%get3A_67, %get3A_68] : memref<64x1xf32, #tpu.memory_space<vmem>>, vector<64x1xf32>
    %dot_general3A_70 = arith.constant dense<0.000000e+00> : vector<1x1xf32>
    %dot_general3A_71 = tpu.matmul %get3A_1, %get3A_69, %dot_general3A_70 {dimension_numbers = #tpu.dot_dimension_numbers<[1], [0], [0], [1], [0, 0, 1, 1], [], []>, transpose_lhs_hint = false} : vector<1x64xf32>, vector<64x1xf32>, vector<1x1xf32> -> vector<1x1xf32>
    %swap3A_72 = arith.constant 0 : index
    %swap3A_73 = arith.constant 0 : index
    %swap3A_74 = vector.load %arg15[%swap3A_72, %swap3A_73] : memref<1x1xf32, #tpu.memory_space<vmem>>, vector<1x1xf32>
    tpu.vector_store %arg15[%swap3A_72, %swap3A_73], %dot_general3A_71 {strides = array<i32>} : memref<1x1xf32, #tpu.memory_space<vmem>>, vector<1x1xf32>,
    return
  }
}

module attributes {stable_mosaic.version = 14 : i64} {
  func.func @_round_body(%arg0: i32, %arg1: memref<1x64xf32, #tpu.memory_space<vmem>>, %arg2: memref<1x64xf32, #tpu.memory_space<vmem>>, %arg3: memref<64x64xf32, #tpu.memory_space<vmem>>, %arg4: memref<64x64xf32, #tpu.memory_space<vmem>>, %arg5: memref<64x64xf32, #tpu.memory_space<vmem>>, %arg6: memref<64x1xf32, #tpu.memory_space<vmem>>, %arg7: memref<64x64xf32, #tpu.memory_space<vmem>>, %arg8: memref<64x64xf32, #tpu.memory_space<vmem>>, %arg9: memref<64x1xf32, #tpu.memory_space<vmem>>, %arg10: memref<1x1xf32, #tpu.memory_space<vmem>>, %arg11: memref<1x1x64xf32, #tpu.memory_space<vmem>>, %arg12: memref<4096x64xf32, #tpu.memory_space<vmem>>, %arg13: memref<4096x64xf32, #tpu.memory_space<vmem>>, %arg14: memref<16x4096xi32, #tpu.memory_space<vmem>>, %arg15: memref<16xi32, #tpu.memory_space<smem>>, %arg16: memref<16x1xi32, #tpu.memory_space<vmem>>, %arg17: memref<16x4096xf32, #tpu.memory_space<vmem>>, %arg18: memref<4096x64xf32, #tpu.memory_space<vmem>>, %arg19: memref<4096x64xf32, #tpu.memory_space<vmem>>) attributes {dimension_semantics = [#tpu.dimension_semantics<arbitrary>], iteration_bounds = array<i64: 17>, scalar_prefetch = 0 : i64, scratch_operands = 3 : i64, tpu.core_type = #tpu.core_type<tc>, window_params = [{pipeline_mode = #tpu.pipeline_mode<synchronous>, transform_indices = @transform_0, window_bounds = array<i64: 1, 64>}, {pipeline_mode = #tpu.pipeline_mode<synchronous>, transform_indices = @transform_1, window_bounds = array<i64: 1, 64>}, {pipeline_mode = #tpu.pipeline_mode<synchronous>, transform_indices = @transform_2, window_bounds = array<i64: 64, 64>}, {pipeline_mode = #tpu.pipeline_mode<synchronous>, transform_indices = @transform_3, window_bounds = array<i64: 64, 64>}, {pipeline_mode = #tpu.pipeline_mode<synchronous>, transform_indices = @transform_4, window_bounds = array<i64: 64, 64>}, {pipeline_mode = #tpu.pipeline_mode<synchronous>, transform_indices = @transform_5, window_bounds = array<i64: 64, 1>}, {pipeline_mode = #tpu.pipeline_mode<synchronous>, transform_indices = @transform_6, window_bounds = array<i64: 64, 64>}, {pipeline_mode = #tpu.pipeline_mode<synchronous>, transform_indices = @transform_7, window_bounds = array<i64: 64, 64>}, {pipeline_mode = #tpu.pipeline_mode<synchronous>, transform_indices = @transform_8, window_bounds = array<i64: 64, 1>}, {pipeline_mode = #tpu.pipeline_mode<synchronous>, transform_indices = @transform_9, window_bounds = array<i64: 1, 1>}, {transform_indices = @transform_10, window_bounds = array<i64: 1, 1, 64>}, {pipeline_mode = #tpu.pipeline_mode<synchronous>, transform_indices = @transform_11, window_bounds = array<i64: 4096, 64>}, {transform_indices = @transform_12, window_bounds = array<i64: 4096, 64>}, {pipeline_mode = #tpu.pipeline_mode<synchronous>, transform_indices = @transform_13, window_bounds = array<i64: 16, 4096>}, {transform_indices = @transform_14, window_bounds = array<i64: 16>}, {pipeline_mode = #tpu.pipeline_mode<synchronous>, transform_indices = @transform_15, window_bounds = array<i64: 16, 1>}]} {
    %eq3A = arith.constant 0 : i32
    %eq3A_0 = arith.cmpi eq, %arg0, %eq3A : i32
    %convert_element_type3A = arith.extui %eq3A_0 : i1 to i32
    %cond3A = arith.constant 0 : i32
    %cond3A_1 = arith.cmpi ne, %convert_element_type3A, %cond3A : i32
    scf.if %cond3A_1 {
      %get3A = arith.constant 0 : index
      %get3A_11 = arith.constant 0 : index
      %get3A_12 = vector.load %arg1[%get3A, %get3A_11] : memref<1x64xf32, #tpu.memory_space<vmem>>, vector<1x64xf32>
      %get3A_13 = arith.constant 0 : index
      %get3A_14 = arith.constant 0 : index
      %get3A_15 = vector.load %arg12[%get3A_13, %get3A_14] : memref<4096x64xf32, #tpu.memory_space<vmem>>, vector<4096x64xf32>
      %get3A_16 = arith.constant 0 : index
      %get3A_17 = arith.constant 0 : index
      %get3A_18 = vector.load %arg3[%get3A_16, %get3A_17] : memref<64x64xf32, #tpu.memory_space<vmem>>, vector<64x64xf32>
      %dot_general3A = arith.constant dense<0.000000e+00> : vector<4096x64xf32>
      %dot_general3A_19 = tpu.matmul %get3A_15, %get3A_18, %dot_general3A {dimension_numbers = #tpu.dot_dimension_numbers<[1], [0], [0], [1], [0, 0, 1, 1], [], []>, transpose_lhs_hint = false} : vector<4096x64xf32>, vector<64x64xf32>, vector<4096x64xf32> -> vector<4096x64xf32>
      %add3A = vector.broadcast %get3A_12 : vector<1x64xf32> to vector<4096x64xf32>
      %add3A_20 = arith.addf %add3A, %dot_general3A_19 : vector<4096x64xf32>
      %tanh3A = math.tanh %add3A_20 : vector<4096x64xf32>
      %get3A_21 = arith.constant 0 : index
      %get3A_22 = arith.constant 0 : index
      %get3A_23 = vector.load %arg2[%get3A_21, %get3A_22] : memref<1x64xf32, #tpu.memory_space<vmem>>, vector<1x64xf32>
      %get3A_24 = arith.constant 0 : index
      %get3A_25 = arith.constant 0 : index
      %get3A_26 = vector.load %arg4[%get3A_24, %get3A_25] : memref<64x64xf32, #tpu.memory_space<vmem>>, vector<64x64xf32>
      %dot_general3A_27 = arith.constant dense<0.000000e+00> : vector<4096x64xf32>
      %dot_general3A_28 = tpu.matmul %tanh3A, %get3A_26, %dot_general3A_27 {dimension_numbers = #tpu.dot_dimension_numbers<[1], [0], [0], [1], [0, 0, 1, 1], [], []>, transpose_lhs_hint = false} : vector<4096x64xf32>, vector<64x64xf32>, vector<4096x64xf32> -> vector<4096x64xf32>
      %add3A_29 = vector.broadcast %get3A_23 : vector<1x64xf32> to vector<4096x64xf32>
      %add3A_30 = arith.addf %add3A_29, %dot_general3A_28 : vector<4096x64xf32>
      %tanh3A_31 = math.tanh %add3A_30 : vector<4096x64xf32>
      %swap3A = arith.constant 0 : index
      %swap3A_32 = arith.constant 0 : index
      %swap3A_33 = vector.load %arg18[%swap3A, %swap3A_32] : memref<4096x64xf32, #tpu.memory_space<vmem>>, vector<4096x64xf32>
      tpu.vector_store %arg18[%swap3A, %swap3A_32], %tanh3A_31 {strides = array<i32>} : memref<4096x64xf32, #tpu.memory_space<vmem>>, vector<4096x64xf32>,
      %get3A_34 = arith.constant 0 : index
      %get3A_35 = arith.constant 0 : index
      %get3A_36 = vector.load %arg5[%get3A_34, %get3A_35] : memref<64x64xf32, #tpu.memory_space<vmem>>, vector<64x64xf32>
      %dot_general3A_37 = arith.constant dense<0.000000e+00> : vector<4096x64xf32>
      %dot_general3A_38 = tpu.matmul %tanh3A, %get3A_36, %dot_general3A_37 {dimension_numbers = #tpu.dot_dimension_numbers<[1], [0], [0], [1], [0, 0, 1, 1], [], []>, transpose_lhs_hint = false} : vector<4096x64xf32>, vector<64x64xf32>, vector<4096x64xf32> -> vector<4096x64xf32>
      %swap3A_39 = arith.constant 0 : index
      %swap3A_40 = arith.constant 0 : index
      %swap3A_41 = vector.load %arg19[%swap3A_39, %swap3A_40] : memref<4096x64xf32, #tpu.memory_space<vmem>>, vector<4096x64xf32>
      tpu.vector_store %arg19[%swap3A_39, %swap3A_40], %dot_general3A_38 {strides = array<i32>} : memref<4096x64xf32, #tpu.memory_space<vmem>>, vector<4096x64xf32>,
    } else {
    }
    %gt3A = arith.constant 0 : i32
    %gt3A_2 = arith.cmpi sgt, %arg0, %gt3A : i32
    %convert_element_type3A_3 = arith.extui %gt3A_2 : i1 to i32
    %cond3A_4 = arith.constant 0 : i32
    %cond3A_5 = arith.cmpi ne, %convert_element_type3A_3, %cond3A_4 : i32
    scf.if %cond3A_5 {
      %get3A = arith.constant 0 : index
      %get3A_11 = arith.constant 0 : index
      %get3A_12 = vector.load %arg18[%get3A, %get3A_11] : memref<4096x64xf32, #tpu.memory_space<vmem>>, vector<4096x64xf32>
      %get3A_13 = arith.constant 0 : index
      %get3A_14 = arith.constant 0 : index
      %get3A_15 = arith.constant 0 : index
      %get3A_16 = vector.load %arg11[%get3A_13, %get3A_14, %get3A_15] : memref<1x1x64xf32, #tpu.memory_space<vmem>>, vector<1x1x64xf32>
      %get3A_17 = vector.shape_cast %get3A_16 : vector<1x1x64xf32> to vector<1x64xf32>
      %add3A = vector.broadcast %get3A_17 : vector<1x64xf32> to vector<4096x64xf32>
      %add3A_18 = arith.addf %get3A_12, %add3A : vector<4096x64xf32>
      %tanh3A = math.tanh %add3A_18 : vector<4096x64xf32>
      %get3A_19 = arith.constant 0 : index
      %get3A_20 = arith.constant 0 : index
      %get3A_21 = vector.load %arg19[%get3A_19, %get3A_20] : memref<4096x64xf32, #tpu.memory_space<vmem>>, vector<4096x64xf32>
      %get3A_22 = arith.constant 0 : index
      %get3A_23 = arith.constant 0 : index
      %get3A_24 = vector.load %arg7[%get3A_22, %get3A_23] : memref<64x64xf32, #tpu.memory_space<vmem>>, vector<64x64xf32>
      %dot_general3A = arith.constant dense<0.000000e+00> : vector<4096x64xf32>
      %dot_general3A_25 = tpu.matmul %tanh3A, %get3A_24, %dot_general3A {dimension_numbers = #tpu.dot_dimension_numbers<[1], [0], [0], [1], [0, 0, 1, 1], [], []>, transpose_lhs_hint = false} : vector<4096x64xf32>, vector<64x64xf32>, vector<4096x64xf32> -> vector<4096x64xf32>
      %add3A_26 = arith.addf %get3A_21, %dot_general3A_25 : vector<4096x64xf32>
      %tanh3A_27 = math.tanh %add3A_26 : vector<4096x64xf32>
      %swap3A = arith.constant 0 : index
      %swap3A_28 = arith.constant 0 : index
      %swap3A_29 = vector.load %arg13[%swap3A, %swap3A_28] : memref<4096x64xf32, #tpu.memory_space<vmem>>, vector<4096x64xf32>
      tpu.vector_store %arg13[%swap3A, %swap3A_28], %tanh3A_27 {strides = array<i32>} : memref<4096x64xf32, #tpu.memory_space<vmem>>, vector<4096x64xf32>,
      %get3A_30 = arith.constant 0 : index
      %get3A_31 = arith.constant 0 : index
      %get3A_32 = vector.load %arg6[%get3A_30, %get3A_31] : memref<64x1xf32, #tpu.memory_space<vmem>>, vector<64x1xf32>
      %dot_general3A_33 = arith.constant dense<0.000000e+00> : vector<4096x1xf32>
      %dot_general3A_34 = tpu.matmul %tanh3A_27, %get3A_32, %dot_general3A_33 {dimension_numbers = #tpu.dot_dimension_numbers<[1], [0], [0], [1], [0, 0, 1, 1], [], []>, transpose_lhs_hint = false} : vector<4096x64xf32>, vector<64x1xf32>, vector<4096x1xf32> -> vector<4096x1xf32>
      %get3A_35 = arith.constant 0 : index
      %get3A_36 = arith.constant 0 : index
      %get3A_37 = vector.load %arg10[%get3A_35, %get3A_36] : memref<1x1xf32, #tpu.memory_space<vmem>>, vector<1x1xf32>
      %sub3A = vector.broadcast %get3A_37 : vector<1x1xf32> to vector<4096x1xf32>
      %sub3A_38 = arith.subf %dot_general3A_34, %sub3A : vector<4096x1xf32>
      %get3A_39 = arith.constant 0 : index
      %get3A_40 = arith.constant 0 : index
      %get3A_41 = vector.load %arg8[%get3A_39, %get3A_40] : memref<64x64xf32, #tpu.memory_space<vmem>>, vector<64x64xf32>
      %dot_general3A_42 = arith.constant dense<0.000000e+00> : vector<4096x64xf32>
      %dot_general3A_43 = tpu.matmul %tanh3A_27, %get3A_41, %dot_general3A_42 {dimension_numbers = #tpu.dot_dimension_numbers<[1], [0], [0], [1], [0, 0, 1, 1], [], []>, transpose_lhs_hint = false} : vector<4096x64xf32>, vector<64x64xf32>, vector<4096x64xf32> -> vector<4096x64xf32>
      %tanh3A_44 = math.tanh %dot_general3A_43 : vector<4096x64xf32>
      %get3A_45 = arith.constant 0 : index
      %get3A_46 = arith.constant 0 : index
      %get3A_47 = vector.load %arg9[%get3A_45, %get3A_46] : memref<64x1xf32, #tpu.memory_space<vmem>>, vector<64x1xf32>
      %dot_general3A_48 = arith.constant dense<0.000000e+00> : vector<4096x1xf32>
      %dot_general3A_49 = tpu.matmul %tanh3A_44, %get3A_47, %dot_general3A_48 {dimension_numbers = #tpu.dot_dimension_numbers<[1], [0], [0], [1], [0, 0, 1, 1], [], []>, transpose_lhs_hint = false} : vector<4096x64xf32>, vector<64x1xf32>, vector<4096x1xf32> -> vector<4096x1xf32>
      %mul3A = arith.constant 7.500000e-01 : f32
      %mul3A_50 = vector.broadcast %mul3A : f32 to vector<4096x1xf32>
      %mul3A_51 = arith.mulf %dot_general3A_49, %mul3A_50 : vector<4096x1xf32>
      %add3A_52 = arith.addf %sub3A_38, %mul3A_51 : vector<4096x1xf32>
      %reshape3A = vector.shape_cast %add3A_52 : vector<4096x1xf32> to vector<1x4096xf32>
      %sub3A_53 = arith.constant 1 : i32
      %sub3A_54 = arith.subi %arg0, %sub3A_53 : i32
      %max3A = arith.constant 0 : i32
      %max3A_55 = arith.maxsi %sub3A_54, %max3A : i32
      %swap3A_56 = arith.index_cast %max3A_55 : i32 to index
      %swap3A_57 = arith.constant 0 : index
      %swap3A_58 = vector.load %arg17[%swap3A_56, %swap3A_57] : memref<16x4096xf32, #tpu.memory_space<vmem>>, vector<1x4096xf32>
      tpu.vector_store %arg17[%swap3A_56, %swap3A_57], %reshape3A {strides = array<i32>} : memref<16x4096xf32, #tpu.memory_space<vmem>>, vector<1x4096xf32>,
    } else {
    }
    %eq3A_6 = arith.constant 16 : i32
    %eq3A_7 = arith.cmpi eq, %arg0, %eq3A_6 : i32
    %convert_element_type3A_8 = arith.extui %eq3A_7 : i1 to i32
    %cond3A_9 = arith.constant 0 : i32
    %cond3A_10 = arith.cmpi ne, %convert_element_type3A_8, %cond3A_9 : i32
    scf.if %cond3A_10 {
      %get3A = arith.constant 0 : index
      %get3A_11 = arith.constant 0 : index
      %get3A_12 = vector.load %arg17[%get3A, %get3A_11] : memref<16x4096xf32, #tpu.memory_space<vmem>>, vector<16x4096xf32>
      %bitcast_convert_type3A = tpu.bitcast %get3A_12 : vector<16x4096xf32> -> vector<16x4096xi32>
      %shift_right_arithmetic3A = arith.constant 31 : i32
      %shift_right_arithmetic3A_13 = vector.broadcast %shift_right_arithmetic3A : i32 to vector<16x4096xi32>
      %shift_right_arithmetic3A_14 = arith.shrsi %bitcast_convert_type3A, %shift_right_arithmetic3A_13 : vector<16x4096xi32>
      %and3A = arith.constant 2147483647 : i32
      %and3A_15 = vector.broadcast %and3A : i32 to vector<16x4096xi32>
      %and3A_16 = arith.andi %shift_right_arithmetic3A_14, %and3A_15 : vector<16x4096xi32>
      %xor3A = arith.xori %bitcast_convert_type3A, %and3A_16 : vector<16x4096xi32>
      %swap3A = arith.constant 0 : index
      %swap3A_17 = arith.constant 0 : index
      %swap3A_18 = vector.load %arg14[%swap3A, %swap3A_17] : memref<16x4096xi32, #tpu.memory_space<vmem>>, vector<16x4096xi32>
      tpu.vector_store %arg14[%swap3A, %swap3A_17], %xor3A {strides = array<i32>} : memref<16x4096xi32, #tpu.memory_space<vmem>>, vector<16x4096xi32>,
      %scan3A = arith.constant -2147483648 : i32
      %scan3A_19 = arith.constant 0 : i32
      %scan3A_20 = arith.constant 0 : i32
      %scan3A_21 = arith.constant 32 : i32
      %scan3A_22 = arith.addi %scan3A_20, %scan3A_21 : i32
      %scan3A_23 = arith.constant 1 : i32
      %scan3A_24 = scf.for %scan3A_110 = %scan3A_20 to %scan3A_22 step %scan3A_23 iter_args(%scan3A_111 = %scan3A_19) -> (i32)  : i32 {
        %sub3A_112 = arith.constant 31 : i32
        %sub3A_113 = arith.subi %sub3A_112, %scan3A_110 : i32
        %shift_left3A = arith.constant 1 : i32
        %shift_left3A_114 = arith.shli %shift_left3A, %sub3A_113 : i32
        %or3A_115 = arith.ori %scan3A_111, %shift_left3A_114 : i32
        %xor3A_116 = arith.xori %or3A_115, %scan3A : i32
        %ge3A = vector.broadcast %xor3A_116 : i32 to vector<16x4096xi32>
        %ge3A_117 = arith.cmpi sge, %xor3A, %ge3A : vector<16x4096xi32>
        %convert_element_type3A_118 = arith.extui %ge3A_117 : vector<16x4096xi1> to vector<16x4096xi32>
        %reduce_sum3A_119 = vector.shape_cast %convert_element_type3A_118 : vector<16x4096xi32> to vector<1x16x4096xi32>
        %reduce_sum3A_120 = arith.constant dense<0> : vector<1xi32>
        %reduce_sum3A_121 = vector.multi_reduction <add>, %reduce_sum3A_119, %reduce_sum3A_120 [1, 2] : vector<1x16x4096xi32> to vector<1xi32>
        %reduce_sum3A_122 = vector.shape_cast %reduce_sum3A_121 : vector<1xi32> to vector<1x1x1xi32>
        %reduce_sum3A_123 = vector.extract %reduce_sum3A_122[0, 0, 0] : i32 from vector<1x1x1xi32>
        %ge3A_124 = arith.constant 4096 : i32
        %ge3A_125 = arith.cmpi sge, %reduce_sum3A_123, %ge3A_124 : i32
        %select_n3A = arith.select %ge3A_125, %or3A_115, %scan3A_111 : i32
        scf.yield %select_n3A : i32
      }
      %scan3A_25 = arith.constant 32 : i32
      %xor3A_26 = arith.constant -2147483648 : i32
      %xor3A_27 = arith.xori %scan3A_24, %xor3A_26 : i32
      %gt3A_28 = vector.broadcast %xor3A_27 : i32 to vector<16x4096xi32>
      %gt3A_29 = arith.cmpi sgt, %xor3A, %gt3A_28 : vector<16x4096xi32>
      %eq3A_30 = vector.broadcast %xor3A_27 : i32 to vector<16x4096xi32>
      %eq3A_31 = arith.cmpi eq, %xor3A, %eq3A_30 : vector<16x4096xi32>
      %convert_element_type3A_32 = arith.extui %gt3A_29 : vector<16x4096xi1> to vector<16x4096xi32>
      %reduce_sum3A = vector.shape_cast %convert_element_type3A_32 : vector<16x4096xi32> to vector<1x16x4096xi32>
      %reduce_sum3A_33 = arith.constant dense<0> : vector<1xi32>
      %reduce_sum3A_34 = vector.multi_reduction <add>, %reduce_sum3A, %reduce_sum3A_33 [1, 2] : vector<1x16x4096xi32> to vector<1xi32>
      %reduce_sum3A_35 = vector.shape_cast %reduce_sum3A_34 : vector<1xi32> to vector<1x1x1xi32>
      %reduce_sum3A_36 = vector.extract %reduce_sum3A_35[0, 0, 0] : i32 from vector<1x1x1xi32>
      %sub3A = arith.constant 4096 : i32
      %sub3A_37 = arith.subi %sub3A, %reduce_sum3A_36 : i32
      %iota3A = tpu.iota {dimensions = array<i32: 0>} : vector<16x4096xi32>
      %mul3A = arith.constant 4096 : i32
      %mul3A_38 = vector.broadcast %mul3A : i32 to vector<16x4096xi32>
      %mul3A_39 = arith.muli %iota3A, %mul3A_38 : vector<16x4096xi32>
      %iota3A_40 = tpu.iota {dimensions = array<i32: 1>} : vector<16x4096xi32>
      %add3A = arith.addi %mul3A_39, %iota3A_40 : vector<16x4096xi32>
      %scan3A_41 = arith.constant 0 : i32
      %scan3A_42 = arith.constant 0 : i32
      %scan3A_43 = arith.constant 17 : i32
      %scan3A_44 = arith.addi %scan3A_42, %scan3A_43 : i32
      %scan3A_45 = arith.constant 1 : i32
      %scan3A_46 = scf.for %scan3A_110 = %scan3A_42 to %scan3A_44 step %scan3A_45 iter_args(%scan3A_111 = %scan3A_41) -> (i32)  : i32 {
        %sub3A_112 = arith.constant 16 : i32
        %sub3A_113 = arith.subi %sub3A_112, %scan3A_110 : i32
        %shift_left3A = arith.constant 1 : i32
        %shift_left3A_114 = arith.shli %shift_left3A, %sub3A_113 : i32
        %or3A_115 = arith.ori %scan3A_111, %shift_left3A_114 : i32
        %lt3A_116 = vector.broadcast %or3A_115 : i32 to vector<16x4096xi32>
        %lt3A_117 = arith.cmpi slt, %add3A, %lt3A_116 : vector<16x4096xi32>
        %and3A_118 = arith.andi %eq3A_31, %lt3A_117 : vector<16x4096xi1>
        %convert_element_type3A_119 = arith.extui %and3A_118 : vector<16x4096xi1> to vector<16x4096xi32>
        %reduce_sum3A_120 = vector.shape_cast %convert_element_type3A_119 : vector<16x4096xi32> to vector<1x16x4096xi32>
        %reduce_sum3A_121 = arith.constant dense<0> : vector<1xi32>
        %reduce_sum3A_122 = vector.multi_reduction <add>, %reduce_sum3A_120, %reduce_sum3A_121 [1, 2] : vector<1x16x4096xi32> to vector<1xi32>
        %reduce_sum3A_123 = vector.shape_cast %reduce_sum3A_122 : vector<1xi32> to vector<1x1x1xi32>
        %reduce_sum3A_124 = vector.extract %reduce_sum3A_123[0, 0, 0] : i32 from vector<1x1x1xi32>
        %lt3A_125 = arith.cmpi slt, %reduce_sum3A_124, %sub3A_37 : i32
        %select_n3A = arith.select %lt3A_125, %or3A_115, %scan3A_111 : i32
        scf.yield %select_n3A : i32
      }
      %scan3A_47 = arith.constant 17 : i32
      %le3A = vector.broadcast %scan3A_46 : i32 to vector<16x4096xi32>
      %le3A_48 = arith.cmpi sle, %add3A, %le3A : vector<16x4096xi32>
      %and3A_49 = arith.andi %eq3A_31, %le3A_48 : vector<16x4096xi1>
      %or3A = arith.ori %gt3A_29, %and3A_49 : vector<16x4096xi1>
      %convert_element_type3A_50 = arith.extui %or3A : vector<16x4096xi1> to vector<16x4096xi32>
      %convert_element_type3A_51 = arith.sitofp %convert_element_type3A_50 : vector<16x4096xi32> to vector<16x4096xf32>
      %broadcast_in_dim3A = arith.constant 1.000000e+00 : f32
      %broadcast_in_dim3A_52 = vector.broadcast %broadcast_in_dim3A : f32 to vector<4096x1xf32>
      %dot_general3A = arith.constant dense<0.000000e+00> : vector<16x1xf32>
      %dot_general3A_53 = tpu.matmul %convert_element_type3A_51, %broadcast_in_dim3A_52, %dot_general3A {dimension_numbers = #tpu.dot_dimension_numbers<[1], [0], [0], [1], [0, 0, 1, 1], [], []>, transpose_lhs_hint = false} : vector<16x4096xf32>, vector<4096x1xf32>, vector<16x1xf32> -> vector<16x1xf32>
      %iota3A_54 = tpu.iota {dimensions = array<i32: 1>} : vector<16x16xi32>
      %iota3A_55 = tpu.iota {dimensions = array<i32: 0>} : vector<16x16xi32>
      %lt3A = arith.cmpi slt, %iota3A_54, %iota3A_55 : vector<16x16xi32>
      %convert_element_type3A_56 = arith.extui %lt3A : vector<16x16xi1> to vector<16x16xi32>
      %convert_element_type3A_57 = arith.sitofp %convert_element_type3A_56 : vector<16x16xi32> to vector<16x16xf32>
      %dot_general3A_58 = arith.constant dense<0.000000e+00> : vector<16x1xf32>
      %dot_general3A_59 = tpu.matmul %convert_element_type3A_57, %dot_general3A_53, %dot_general3A_58 {dimension_numbers = #tpu.dot_dimension_numbers<[1], [0], [0], [1], [0, 0, 1, 1], [], []>, transpose_lhs_hint = false} : vector<16x16xf32>, vector<16x1xf32>, vector<16x1xf32> -> vector<16x1xf32>
      %convert_element_type3A_60 = arith.fptosi %dot_general3A_59 : vector<16x1xf32> to vector<16x1xi32>
      %swap3A_61 = arith.constant 0 : index
      %swap3A_62 = arith.constant 0 : index
      %swap3A_63 = vector.load %arg16[%swap3A_61, %swap3A_62] : memref<16x1xi32, #tpu.memory_space<vmem>>, vector<16x1xi32>
      tpu.vector_store %arg16[%swap3A_61, %swap3A_62], %convert_element_type3A_60 {strides = array<i32>} : memref<16x1xi32, #tpu.memory_space<vmem>>, vector<16x1xi32>,
      %swap3A_64 = arith.constant 0 : index
      %swap3A_65 = memref.load %arg15[%swap3A_64] : memref<16xi32, #tpu.memory_space<smem>>
      memref.store %xor3A_27, %arg15[%swap3A_64] : memref<16xi32, #tpu.memory_space<smem>>
      %swap3A_66 = arith.constant 1 : index
      %swap3A_67 = memref.load %arg15[%swap3A_66] : memref<16xi32, #tpu.memory_space<smem>>
      memref.store %scan3A_46, %arg15[%swap3A_66] : memref<16xi32, #tpu.memory_space<smem>>
      %swap3A_68 = arith.constant 0 : i32
      %swap3A_69 = arith.constant 2 : index
      %swap3A_70 = memref.load %arg15[%swap3A_69] : memref<16xi32, #tpu.memory_space<smem>>
      memref.store %swap3A_68, %arg15[%swap3A_69] : memref<16xi32, #tpu.memory_space<smem>>
      %swap3A_71 = arith.constant 0 : i32
      %swap3A_72 = arith.constant 3 : index
      %swap3A_73 = memref.load %arg15[%swap3A_72] : memref<16xi32, #tpu.memory_space<smem>>
      memref.store %swap3A_71, %arg15[%swap3A_72] : memref<16xi32, #tpu.memory_space<smem>>
      %swap3A_74 = arith.constant 0 : i32
      %swap3A_75 = arith.constant 4 : index
      %swap3A_76 = memref.load %arg15[%swap3A_75] : memref<16xi32, #tpu.memory_space<smem>>
      memref.store %swap3A_74, %arg15[%swap3A_75] : memref<16xi32, #tpu.memory_space<smem>>
      %swap3A_77 = arith.constant 0 : i32
      %swap3A_78 = arith.constant 5 : index
      %swap3A_79 = memref.load %arg15[%swap3A_78] : memref<16xi32, #tpu.memory_space<smem>>
      memref.store %swap3A_77, %arg15[%swap3A_78] : memref<16xi32, #tpu.memory_space<smem>>
      %swap3A_80 = arith.constant 0 : i32
      %swap3A_81 = arith.constant 6 : index
      %swap3A_82 = memref.load %arg15[%swap3A_81] : memref<16xi32, #tpu.memory_space<smem>>
      memref.store %swap3A_80, %arg15[%swap3A_81] : memref<16xi32, #tpu.memory_space<smem>>
      %swap3A_83 = arith.constant 0 : i32
      %swap3A_84 = arith.constant 7 : index
      %swap3A_85 = memref.load %arg15[%swap3A_84] : memref<16xi32, #tpu.memory_space<smem>>
      memref.store %swap3A_83, %arg15[%swap3A_84] : memref<16xi32, #tpu.memory_space<smem>>
      %swap3A_86 = arith.constant 0 : i32
      %swap3A_87 = arith.constant 8 : index
      %swap3A_88 = memref.load %arg15[%swap3A_87] : memref<16xi32, #tpu.memory_space<smem>>
      memref.store %swap3A_86, %arg15[%swap3A_87] : memref<16xi32, #tpu.memory_space<smem>>
      %swap3A_89 = arith.constant 0 : i32
      %swap3A_90 = arith.constant 9 : index
      %swap3A_91 = memref.load %arg15[%swap3A_90] : memref<16xi32, #tpu.memory_space<smem>>
      memref.store %swap3A_89, %arg15[%swap3A_90] : memref<16xi32, #tpu.memory_space<smem>>
      %swap3A_92 = arith.constant 0 : i32
      %swap3A_93 = arith.constant 10 : index
      %swap3A_94 = memref.load %arg15[%swap3A_93] : memref<16xi32, #tpu.memory_space<smem>>
      memref.store %swap3A_92, %arg15[%swap3A_93] : memref<16xi32, #tpu.memory_space<smem>>
      %swap3A_95 = arith.constant 0 : i32
      %swap3A_96 = arith.constant 11 : index
      %swap3A_97 = memref.load %arg15[%swap3A_96] : memref<16xi32, #tpu.memory_space<smem>>
      memref.store %swap3A_95, %arg15[%swap3A_96] : memref<16xi32, #tpu.memory_space<smem>>
      %swap3A_98 = arith.constant 0 : i32
      %swap3A_99 = arith.constant 12 : index
      %swap3A_100 = memref.load %arg15[%swap3A_99] : memref<16xi32, #tpu.memory_space<smem>>
      memref.store %swap3A_98, %arg15[%swap3A_99] : memref<16xi32, #tpu.memory_space<smem>>
      %swap3A_101 = arith.constant 0 : i32
      %swap3A_102 = arith.constant 13 : index
      %swap3A_103 = memref.load %arg15[%swap3A_102] : memref<16xi32, #tpu.memory_space<smem>>
      memref.store %swap3A_101, %arg15[%swap3A_102] : memref<16xi32, #tpu.memory_space<smem>>
      %swap3A_104 = arith.constant 0 : i32
      %swap3A_105 = arith.constant 14 : index
      %swap3A_106 = memref.load %arg15[%swap3A_105] : memref<16xi32, #tpu.memory_space<smem>>
      memref.store %swap3A_104, %arg15[%swap3A_105] : memref<16xi32, #tpu.memory_space<smem>>
      %swap3A_107 = arith.constant 0 : i32
      %swap3A_108 = arith.constant 15 : index
      %swap3A_109 = memref.load %arg15[%swap3A_108] : memref<16xi32, #tpu.memory_space<smem>>
      memref.store %swap3A_107, %arg15[%swap3A_108] : memref<16xi32, #tpu.memory_space<smem>>
    } else {
    }
    return
  }
  func.func @transform_0(%arg0: i32) -> (i32, i32) {
    %c0_i32 = arith.constant 0 : i32
    %c0_i32_0 = arith.constant 0 : i32
    %c0_i32_1 = arith.constant 0 : i32
    return %c0_i32, %c0_i32_0 : i32, i32
  }
  func.func @transform_1(%arg0: i32) -> (i32, i32) {
    %c0_i32 = arith.constant 0 : i32
    %c0_i32_0 = arith.constant 0 : i32
    %c0_i32_1 = arith.constant 0 : i32
    return %c0_i32, %c0_i32_0 : i32, i32
  }
  func.func @transform_2(%arg0: i32) -> (i32, i32) {
    %c0_i32 = arith.constant 0 : i32
    %c0_i32_0 = arith.constant 0 : i32
    %c0_i32_1 = arith.constant 0 : i32
    return %c0_i32, %c0_i32_0 : i32, i32
  }
  func.func @transform_3(%arg0: i32) -> (i32, i32) {
    %c0_i32 = arith.constant 0 : i32
    %c0_i32_0 = arith.constant 0 : i32
    %c0_i32_1 = arith.constant 0 : i32
    return %c0_i32, %c0_i32_0 : i32, i32
  }
  func.func @transform_4(%arg0: i32) -> (i32, i32) {
    %c0_i32 = arith.constant 0 : i32
    %c0_i32_0 = arith.constant 0 : i32
    %c0_i32_1 = arith.constant 0 : i32
    return %c0_i32, %c0_i32_0 : i32, i32
  }
  func.func @transform_5(%arg0: i32) -> (i32, i32) {
    %c0_i32 = arith.constant 0 : i32
    %c0_i32_0 = arith.constant 0 : i32
    %c0_i32_1 = arith.constant 0 : i32
    return %c0_i32, %c0_i32_0 : i32, i32
  }
  func.func @transform_6(%arg0: i32) -> (i32, i32) {
    %c0_i32 = arith.constant 0 : i32
    %c0_i32_0 = arith.constant 0 : i32
    %c0_i32_1 = arith.constant 0 : i32
    return %c0_i32, %c0_i32_0 : i32, i32
  }
  func.func @transform_7(%arg0: i32) -> (i32, i32) {
    %c0_i32 = arith.constant 0 : i32
    %c0_i32_0 = arith.constant 0 : i32
    %c0_i32_1 = arith.constant 0 : i32
    return %c0_i32, %c0_i32_0 : i32, i32
  }
  func.func @transform_8(%arg0: i32) -> (i32, i32) {
    %c0_i32 = arith.constant 0 : i32
    %c0_i32_0 = arith.constant 0 : i32
    %c0_i32_1 = arith.constant 0 : i32
    return %c0_i32, %c0_i32_0 : i32, i32
  }
  func.func @transform_9(%arg0: i32) -> (i32, i32) {
    %c0_i32 = arith.constant 0 : i32
    %c0_i32_0 = arith.constant 0 : i32
    %c0_i32_1 = arith.constant 0 : i32
    return %c0_i32, %c0_i32_0 : i32, i32
  }
  func.func @transform_10(%arg0: i32) -> (i32, i32, i32) {
    %sub3A = arith.constant 1 : i32
    %sub3A_0 = arith.subi %arg0, %sub3A : i32
    %max3A = arith.constant 0 : i32
    %max3A_1 = arith.maxsi %sub3A_0, %max3A : i32
    %c0_i32 = arith.constant 0 : i32
    %c0_i32_2 = arith.constant 0 : i32
    %c0_i32_3 = arith.constant 0 : i32
    return %max3A_1, %c0_i32, %c0_i32_2 : i32, i32, i32
  }
  func.func @transform_11(%arg0: i32) -> (i32, i32) {
    %c0_i32 = arith.constant 0 : i32
    %c0_i32_0 = arith.constant 0 : i32
    %c0_i32_1 = arith.constant 0 : i32
    return %c0_i32, %c0_i32_0 : i32, i32
  }
  func.func @transform_12(%arg0: i32) -> (i32, i32) {
    %sub3A = arith.constant 1 : i32
    %sub3A_0 = arith.subi %arg0, %sub3A : i32
    %max3A = arith.constant 0 : i32
    %max3A_1 = arith.maxsi %sub3A_0, %max3A : i32
    %c0_i32 = arith.constant 0 : i32
    %c0_i32_2 = arith.constant 0 : i32
    return %max3A_1, %c0_i32 : i32, i32
  }
  func.func @transform_13(%arg0: i32) -> (i32, i32) {
    %c0_i32 = arith.constant 0 : i32
    %c0_i32_0 = arith.constant 0 : i32
    %c0_i32_1 = arith.constant 0 : i32
    return %c0_i32, %c0_i32_0 : i32, i32
  }
  func.func @transform_14(%arg0: i32) -> i32 {
    %c0_i32 = arith.constant 0 : i32
    %c0_i32_0 = arith.constant 0 : i32
    return %c0_i32 : i32
  }
  func.func @transform_15(%arg0: i32) -> (i32, i32) {
    %c0_i32 = arith.constant 0 : i32
    %c0_i32_0 = arith.constant 0 : i32
    %c0_i32_1 = arith.constant 0 : i32
    return %c0_i32, %c0_i32_0 : i32, i32
  }
}

module attributes {stable_mosaic.version = 14 : i64} {
  func.func @_round_body(%arg0: i32, %arg1: memref<1x64xf32, #tpu.memory_space<vmem>>, %arg2: memref<1x64xf32, #tpu.memory_space<vmem>>, %arg3: memref<64x64xf32, #tpu.memory_space<vmem>>, %arg4: memref<64x64xf32, #tpu.memory_space<vmem>>, %arg5: memref<64x64xf32, #tpu.memory_space<vmem>>, %arg6: memref<64x1xf32, #tpu.memory_space<vmem>>, %arg7: memref<64x64xf32, #tpu.memory_space<vmem>>, %arg8: memref<64x64xf32, #tpu.memory_space<vmem>>, %arg9: memref<64x1xf32, #tpu.memory_space<vmem>>, %arg10: memref<1x1xf32, #tpu.memory_space<vmem>>, %arg11: memref<1x1x64xf32, #tpu.memory_space<vmem>>, %arg12: memref<4096x64xf32, #tpu.memory_space<vmem>>, %arg13: memref<16x4096xi32, #tpu.memory_space<vmem>>, %arg14: memref<16x4096xf32, #tpu.memory_space<vmem>>, %arg15: memref<4096x64xf32, #tpu.memory_space<vmem>>, %arg16: memref<4096x64xf32, #tpu.memory_space<vmem>>) attributes {dimension_semantics = [#tpu.dimension_semantics<arbitrary>], iteration_bounds = array<i64: 17>, scalar_prefetch = 0 : i64, scratch_operands = 3 : i64, tpu.core_type = #tpu.core_type<tc>, window_params = [{pipeline_mode = #tpu.pipeline_mode<synchronous>, transform_indices = @transform_0, window_bounds = array<i64: 1, 64>}, {pipeline_mode = #tpu.pipeline_mode<synchronous>, transform_indices = @transform_1, window_bounds = array<i64: 1, 64>}, {pipeline_mode = #tpu.pipeline_mode<synchronous>, transform_indices = @transform_2, window_bounds = array<i64: 64, 64>}, {pipeline_mode = #tpu.pipeline_mode<synchronous>, transform_indices = @transform_3, window_bounds = array<i64: 64, 64>}, {pipeline_mode = #tpu.pipeline_mode<synchronous>, transform_indices = @transform_4, window_bounds = array<i64: 64, 64>}, {pipeline_mode = #tpu.pipeline_mode<synchronous>, transform_indices = @transform_5, window_bounds = array<i64: 64, 1>}, {pipeline_mode = #tpu.pipeline_mode<synchronous>, transform_indices = @transform_6, window_bounds = array<i64: 64, 64>}, {pipeline_mode = #tpu.pipeline_mode<synchronous>, transform_indices = @transform_7, window_bounds = array<i64: 64, 64>}, {pipeline_mode = #tpu.pipeline_mode<synchronous>, transform_indices = @transform_8, window_bounds = array<i64: 64, 1>}, {pipeline_mode = #tpu.pipeline_mode<synchronous>, transform_indices = @transform_9, window_bounds = array<i64: 1, 1>}, {transform_indices = @transform_10, window_bounds = array<i64: 1, 1, 64>}, {pipeline_mode = #tpu.pipeline_mode<synchronous>, transform_indices = @transform_11, window_bounds = array<i64: 4096, 64>}, {pipeline_mode = #tpu.pipeline_mode<synchronous>, transform_indices = @transform_12, window_bounds = array<i64: 16, 4096>}]} {
    %eq3A = arith.constant 0 : i32
    %eq3A_0 = arith.cmpi eq, %arg0, %eq3A : i32
    %convert_element_type3A = arith.extui %eq3A_0 : i1 to i32
    %cond3A = arith.constant 0 : i32
    %cond3A_1 = arith.cmpi ne, %convert_element_type3A, %cond3A : i32
    scf.if %cond3A_1 {
      %get3A = arith.constant 0 : index
      %get3A_11 = arith.constant 0 : index
      %get3A_12 = vector.load %arg1[%get3A, %get3A_11] : memref<1x64xf32, #tpu.memory_space<vmem>>, vector<1x64xf32>
      %get3A_13 = arith.constant 0 : index
      %get3A_14 = arith.constant 0 : index
      %get3A_15 = vector.load %arg12[%get3A_13, %get3A_14] : memref<4096x64xf32, #tpu.memory_space<vmem>>, vector<4096x64xf32>
      %get3A_16 = arith.constant 0 : index
      %get3A_17 = arith.constant 0 : index
      %get3A_18 = vector.load %arg3[%get3A_16, %get3A_17] : memref<64x64xf32, #tpu.memory_space<vmem>>, vector<64x64xf32>
      %dot_general3A = arith.constant dense<0.000000e+00> : vector<4096x64xf32>
      %dot_general3A_19 = tpu.matmul %get3A_15, %get3A_18, %dot_general3A {dimension_numbers = #tpu.dot_dimension_numbers<[1], [0], [0], [1], [0, 0, 1, 1], [], []>, transpose_lhs_hint = false} : vector<4096x64xf32>, vector<64x64xf32>, vector<4096x64xf32> -> vector<4096x64xf32>
      %add3A = vector.broadcast %get3A_12 : vector<1x64xf32> to vector<4096x64xf32>
      %add3A_20 = arith.addf %add3A, %dot_general3A_19 : vector<4096x64xf32>
      %tanh3A = math.tanh %add3A_20 : vector<4096x64xf32>
      %get3A_21 = arith.constant 0 : index
      %get3A_22 = arith.constant 0 : index
      %get3A_23 = vector.load %arg2[%get3A_21, %get3A_22] : memref<1x64xf32, #tpu.memory_space<vmem>>, vector<1x64xf32>
      %get3A_24 = arith.constant 0 : index
      %get3A_25 = arith.constant 0 : index
      %get3A_26 = vector.load %arg4[%get3A_24, %get3A_25] : memref<64x64xf32, #tpu.memory_space<vmem>>, vector<64x64xf32>
      %dot_general3A_27 = arith.constant dense<0.000000e+00> : vector<4096x64xf32>
      %dot_general3A_28 = tpu.matmul %tanh3A, %get3A_26, %dot_general3A_27 {dimension_numbers = #tpu.dot_dimension_numbers<[1], [0], [0], [1], [0, 0, 1, 1], [], []>, transpose_lhs_hint = false} : vector<4096x64xf32>, vector<64x64xf32>, vector<4096x64xf32> -> vector<4096x64xf32>
      %add3A_29 = vector.broadcast %get3A_23 : vector<1x64xf32> to vector<4096x64xf32>
      %add3A_30 = arith.addf %add3A_29, %dot_general3A_28 : vector<4096x64xf32>
      %tanh3A_31 = math.tanh %add3A_30 : vector<4096x64xf32>
      %swap3A = arith.constant 0 : index
      %swap3A_32 = arith.constant 0 : index
      %swap3A_33 = vector.load %arg15[%swap3A, %swap3A_32] : memref<4096x64xf32, #tpu.memory_space<vmem>>, vector<4096x64xf32>
      tpu.vector_store %arg15[%swap3A, %swap3A_32], %tanh3A_31 {strides = array<i32>} : memref<4096x64xf32, #tpu.memory_space<vmem>>, vector<4096x64xf32>,
      %get3A_34 = arith.constant 0 : index
      %get3A_35 = arith.constant 0 : index
      %get3A_36 = vector.load %arg5[%get3A_34, %get3A_35] : memref<64x64xf32, #tpu.memory_space<vmem>>, vector<64x64xf32>
      %dot_general3A_37 = arith.constant dense<0.000000e+00> : vector<4096x64xf32>
      %dot_general3A_38 = tpu.matmul %tanh3A, %get3A_36, %dot_general3A_37 {dimension_numbers = #tpu.dot_dimension_numbers<[1], [0], [0], [1], [0, 0, 1, 1], [], []>, transpose_lhs_hint = false} : vector<4096x64xf32>, vector<64x64xf32>, vector<4096x64xf32> -> vector<4096x64xf32>
      %swap3A_39 = arith.constant 0 : index
      %swap3A_40 = arith.constant 0 : index
      %swap3A_41 = vector.load %arg16[%swap3A_39, %swap3A_40] : memref<4096x64xf32, #tpu.memory_space<vmem>>, vector<4096x64xf32>
      tpu.vector_store %arg16[%swap3A_39, %swap3A_40], %dot_general3A_38 {strides = array<i32>} : memref<4096x64xf32, #tpu.memory_space<vmem>>, vector<4096x64xf32>,
    } else {
    }
    %gt3A = arith.constant 0 : i32
    %gt3A_2 = arith.cmpi sgt, %arg0, %gt3A : i32
    %convert_element_type3A_3 = arith.extui %gt3A_2 : i1 to i32
    %cond3A_4 = arith.constant 0 : i32
    %cond3A_5 = arith.cmpi ne, %convert_element_type3A_3, %cond3A_4 : i32
    scf.if %cond3A_5 {
      %get3A = arith.constant 0 : index
      %get3A_11 = arith.constant 0 : index
      %get3A_12 = vector.load %arg15[%get3A, %get3A_11] : memref<4096x64xf32, #tpu.memory_space<vmem>>, vector<4096x64xf32>
      %get3A_13 = arith.constant 0 : index
      %get3A_14 = arith.constant 0 : index
      %get3A_15 = arith.constant 0 : index
      %get3A_16 = vector.load %arg11[%get3A_13, %get3A_14, %get3A_15] : memref<1x1x64xf32, #tpu.memory_space<vmem>>, vector<1x1x64xf32>
      %get3A_17 = vector.shape_cast %get3A_16 : vector<1x1x64xf32> to vector<1x64xf32>
      %add3A = vector.broadcast %get3A_17 : vector<1x64xf32> to vector<4096x64xf32>
      %add3A_18 = arith.addf %get3A_12, %add3A : vector<4096x64xf32>
      %tanh3A = math.tanh %add3A_18 : vector<4096x64xf32>
      %get3A_19 = arith.constant 0 : index
      %get3A_20 = arith.constant 0 : index
      %get3A_21 = vector.load %arg16[%get3A_19, %get3A_20] : memref<4096x64xf32, #tpu.memory_space<vmem>>, vector<4096x64xf32>
      %get3A_22 = arith.constant 0 : index
      %get3A_23 = arith.constant 0 : index
      %get3A_24 = vector.load %arg7[%get3A_22, %get3A_23] : memref<64x64xf32, #tpu.memory_space<vmem>>, vector<64x64xf32>
      %dot_general3A = arith.constant dense<0.000000e+00> : vector<4096x64xf32>
      %dot_general3A_25 = tpu.matmul %tanh3A, %get3A_24, %dot_general3A {dimension_numbers = #tpu.dot_dimension_numbers<[1], [0], [0], [1], [0, 0, 1, 1], [], []>, transpose_lhs_hint = false} : vector<4096x64xf32>, vector<64x64xf32>, vector<4096x64xf32> -> vector<4096x64xf32>
      %add3A_26 = arith.addf %get3A_21, %dot_general3A_25 : vector<4096x64xf32>
      %tanh3A_27 = math.tanh %add3A_26 : vector<4096x64xf32>
      %get3A_28 = arith.constant 0 : index
      %get3A_29 = arith.constant 0 : index
      %get3A_30 = vector.load %arg6[%get3A_28, %get3A_29] : memref<64x1xf32, #tpu.memory_space<vmem>>, vector<64x1xf32>
      %dot_general3A_31 = arith.constant dense<0.000000e+00> : vector<4096x1xf32>
      %dot_general3A_32 = tpu.matmul %tanh3A_27, %get3A_30, %dot_general3A_31 {dimension_numbers = #tpu.dot_dimension_numbers<[1], [0], [0], [1], [0, 0, 1, 1], [], []>, transpose_lhs_hint = false} : vector<4096x64xf32>, vector<64x1xf32>, vector<4096x1xf32> -> vector<4096x1xf32>
      %get3A_33 = arith.constant 0 : index
      %get3A_34 = arith.constant 0 : index
      %get3A_35 = vector.load %arg10[%get3A_33, %get3A_34] : memref<1x1xf32, #tpu.memory_space<vmem>>, vector<1x1xf32>
      %sub3A = vector.broadcast %get3A_35 : vector<1x1xf32> to vector<4096x1xf32>
      %sub3A_36 = arith.subf %dot_general3A_32, %sub3A : vector<4096x1xf32>
      %get3A_37 = arith.constant 0 : index
      %get3A_38 = arith.constant 0 : index
      %get3A_39 = vector.load %arg8[%get3A_37, %get3A_38] : memref<64x64xf32, #tpu.memory_space<vmem>>, vector<64x64xf32>
      %dot_general3A_40 = arith.constant dense<0.000000e+00> : vector<4096x64xf32>
      %dot_general3A_41 = tpu.matmul %tanh3A_27, %get3A_39, %dot_general3A_40 {dimension_numbers = #tpu.dot_dimension_numbers<[1], [0], [0], [1], [0, 0, 1, 1], [], []>, transpose_lhs_hint = false} : vector<4096x64xf32>, vector<64x64xf32>, vector<4096x64xf32> -> vector<4096x64xf32>
      %tanh3A_42 = math.tanh %dot_general3A_41 : vector<4096x64xf32>
      %get3A_43 = arith.constant 0 : index
      %get3A_44 = arith.constant 0 : index
      %get3A_45 = vector.load %arg9[%get3A_43, %get3A_44] : memref<64x1xf32, #tpu.memory_space<vmem>>, vector<64x1xf32>
      %dot_general3A_46 = arith.constant dense<0.000000e+00> : vector<4096x1xf32>
      %dot_general3A_47 = tpu.matmul %tanh3A_42, %get3A_45, %dot_general3A_46 {dimension_numbers = #tpu.dot_dimension_numbers<[1], [0], [0], [1], [0, 0, 1, 1], [], []>, transpose_lhs_hint = false} : vector<4096x64xf32>, vector<64x1xf32>, vector<4096x1xf32> -> vector<4096x1xf32>
      %mul3A = arith.constant 6.250000e-01 : f32
      %mul3A_48 = vector.broadcast %mul3A : f32 to vector<4096x1xf32>
      %mul3A_49 = arith.mulf %dot_general3A_47, %mul3A_48 : vector<4096x1xf32>
      %add3A_50 = arith.addf %sub3A_36, %mul3A_49 : vector<4096x1xf32>
      %reshape3A = vector.shape_cast %add3A_50 : vector<4096x1xf32> to vector<1x4096xf32>
      %sub3A_51 = arith.constant 1 : i32
      %sub3A_52 = arith.subi %arg0, %sub3A_51 : i32
      %max3A = arith.constant 0 : i32
      %max3A_53 = arith.maxsi %sub3A_52, %max3A : i32
      %swap3A = arith.index_cast %max3A_53 : i32 to index
      %swap3A_54 = arith.constant 0 : index
      %swap3A_55 = vector.load %arg14[%swap3A, %swap3A_54] : memref<16x4096xf32, #tpu.memory_space<vmem>>, vector<1x4096xf32>
      tpu.vector_store %arg14[%swap3A, %swap3A_54], %reshape3A {strides = array<i32>} : memref<16x4096xf32, #tpu.memory_space<vmem>>, vector<1x4096xf32>,
    } else {
    }
    %eq3A_6 = arith.constant 16 : i32
    %eq3A_7 = arith.cmpi eq, %arg0, %eq3A_6 : i32
    %convert_element_type3A_8 = arith.extui %eq3A_7 : i1 to i32
    %cond3A_9 = arith.constant 0 : i32
    %cond3A_10 = arith.cmpi ne, %convert_element_type3A_8, %cond3A_9 : i32
    scf.if %cond3A_10 {
      %get3A = arith.constant 0 : index
      %get3A_11 = arith.constant 0 : index
      %get3A_12 = vector.load %arg14[%get3A, %get3A_11] : memref<16x4096xf32, #tpu.memory_space<vmem>>, vector<16x4096xf32>
      %bitcast_convert_type3A = tpu.bitcast %get3A_12 : vector<16x4096xf32> -> vector<16x4096xi32>
      %shift_right_arithmetic3A = arith.constant 31 : i32
      %shift_right_arithmetic3A_13 = vector.broadcast %shift_right_arithmetic3A : i32 to vector<16x4096xi32>
      %shift_right_arithmetic3A_14 = arith.shrsi %bitcast_convert_type3A, %shift_right_arithmetic3A_13 : vector<16x4096xi32>
      %and3A = arith.constant 2147483647 : i32
      %and3A_15 = vector.broadcast %and3A : i32 to vector<16x4096xi32>
      %and3A_16 = arith.andi %shift_right_arithmetic3A_14, %and3A_15 : vector<16x4096xi32>
      %xor3A = arith.xori %bitcast_convert_type3A, %and3A_16 : vector<16x4096xi32>
      %swap3A = arith.constant 0 : index
      %swap3A_17 = arith.constant 0 : index
      %swap3A_18 = vector.load %arg13[%swap3A, %swap3A_17] : memref<16x4096xi32, #tpu.memory_space<vmem>>, vector<16x4096xi32>
      tpu.vector_store %arg13[%swap3A, %swap3A_17], %xor3A {strides = array<i32>} : memref<16x4096xi32, #tpu.memory_space<vmem>>, vector<16x4096xi32>,
    } else {
    }
    return
  }
  func.func @transform_0(%arg0: i32) -> (i32, i32) {
    %c0_i32 = arith.constant 0 : i32
    %c0_i32_0 = arith.constant 0 : i32
    %c0_i32_1 = arith.constant 0 : i32
    return %c0_i32, %c0_i32_0 : i32, i32
  }
  func.func @transform_1(%arg0: i32) -> (i32, i32) {
    %c0_i32 = arith.constant 0 : i32
    %c0_i32_0 = arith.constant 0 : i32
    %c0_i32_1 = arith.constant 0 : i32
    return %c0_i32, %c0_i32_0 : i32, i32
  }
  func.func @transform_2(%arg0: i32) -> (i32, i32) {
    %c0_i32 = arith.constant 0 : i32
    %c0_i32_0 = arith.constant 0 : i32
    %c0_i32_1 = arith.constant 0 : i32
    return %c0_i32, %c0_i32_0 : i32, i32
  }
  func.func @transform_3(%arg0: i32) -> (i32, i32) {
    %c0_i32 = arith.constant 0 : i32
    %c0_i32_0 = arith.constant 0 : i32
    %c0_i32_1 = arith.constant 0 : i32
    return %c0_i32, %c0_i32_0 : i32, i32
  }
  func.func @transform_4(%arg0: i32) -> (i32, i32) {
    %c0_i32 = arith.constant 0 : i32
    %c0_i32_0 = arith.constant 0 : i32
    %c0_i32_1 = arith.constant 0 : i32
    return %c0_i32, %c0_i32_0 : i32, i32
  }
  func.func @transform_5(%arg0: i32) -> (i32, i32) {
    %c0_i32 = arith.constant 0 : i32
    %c0_i32_0 = arith.constant 0 : i32
    %c0_i32_1 = arith.constant 0 : i32
    return %c0_i32, %c0_i32_0 : i32, i32
  }
  func.func @transform_6(%arg0: i32) -> (i32, i32) {
    %c0_i32 = arith.constant 0 : i32
    %c0_i32_0 = arith.constant 0 : i32
    %c0_i32_1 = arith.constant 0 : i32
    return %c0_i32, %c0_i32_0 : i32, i32
  }
  func.func @transform_7(%arg0: i32) -> (i32, i32) {
    %c0_i32 = arith.constant 0 : i32
    %c0_i32_0 = arith.constant 0 : i32
    %c0_i32_1 = arith.constant 0 : i32
    return %c0_i32, %c0_i32_0 : i32, i32
  }
  func.func @transform_8(%arg0: i32) -> (i32, i32) {
    %c0_i32 = arith.constant 0 : i32
    %c0_i32_0 = arith.constant 0 : i32
    %c0_i32_1 = arith.constant 0 : i32
    return %c0_i32, %c0_i32_0 : i32, i32
  }
  func.func @transform_9(%arg0: i32) -> (i32, i32) {
    %c0_i32 = arith.constant 0 : i32
    %c0_i32_0 = arith.constant 0 : i32
    %c0_i32_1 = arith.constant 0 : i32
    return %c0_i32, %c0_i32_0 : i32, i32
  }
  func.func @transform_10(%arg0: i32) -> (i32, i32, i32) {
    %sub3A = arith.constant 1 : i32
    %sub3A_0 = arith.subi %arg0, %sub3A : i32
    %max3A = arith.constant 0 : i32
    %max3A_1 = arith.maxsi %sub3A_0, %max3A : i32
    %c0_i32 = arith.constant 0 : i32
    %c0_i32_2 = arith.constant 0 : i32
    %c0_i32_3 = arith.constant 0 : i32
    return %max3A_1, %c0_i32, %c0_i32_2 : i32, i32, i32
  }
  func.func @transform_11(%arg0: i32) -> (i32, i32) {
    %c0_i32 = arith.constant 0 : i32
    %c0_i32_0 = arith.constant 0 : i32
    %c0_i32_1 = arith.constant 0 : i32
    return %c0_i32, %c0_i32_0 : i32, i32
  }
  func.func @transform_12(%arg0: i32) -> (i32, i32) {
    %c0_i32 = arith.constant 0 : i32
    %c0_i32_0 = arith.constant 0 : i32
    %c0_i32_1 = arith.constant 0 : i32
    return %c0_i32, %c0_i32_0 : i32, i32
  }
}

module attributes {stable_mosaic.version = 14 : i64} {
  func.func @_final_body(%arg0: memref<16x4096xi32, #tpu.memory_space<vmem>>, %arg1: memref<4096xi32, #tpu.memory_space<smem>>, %arg2: memref<1x64xf32, #tpu.memory_space<vmem>>, %arg3: memref<65536x64xf32, #tpu.memory_space<any>>, %arg4: memref<1x64xf32, #tpu.memory_space<vmem>>, %arg5: memref<1x64xf32, #tpu.memory_space<vmem>>, %arg6: memref<!tpu.dma_semaphore, #tpu.memory_space<semaphore_mem>>) attributes {dimension_semantics = [], scalar_prefetch = 0 : i64, scratch_operands = 2 : i64, tpu.core_type = #tpu.core_type<tc>} {
    %get3A = arith.constant 0 : index
    %get3A_0 = arith.constant 0 : index
    %get3A_1 = vector.load %arg0[%get3A, %get3A_0] : memref<16x4096xi32, #tpu.memory_space<vmem>>, vector<16x4096xi32>
    %reduce_max3A = vector.shape_cast %get3A_1 : vector<16x4096xi32> to vector<1x16x4096xi32>
    %reduce_max3A_2 = arith.constant dense<-2147483648> : vector<1xi32>
    %reduce_max3A_3 = vector.multi_reduction <maxsi>, %reduce_max3A, %reduce_max3A_2 [1, 2] : vector<1x16x4096xi32> to vector<1xi32>
    %reduce_max3A_4 = vector.shape_cast %reduce_max3A_3 : vector<1xi32> to vector<1x1x1xi32>
    %reduce_max3A_5 = vector.extract %reduce_max3A_4[0, 0, 0] : i32 from vector<1x1x1xi32>
    %iota3A = tpu.iota {dimensions = array<i32: 0>} : vector<16x4096xi32>
    %mul3A = arith.constant 4096 : i32
    %mul3A_6 = vector.broadcast %mul3A : i32 to vector<16x4096xi32>
    %mul3A_7 = arith.muli %iota3A, %mul3A_6 : vector<16x4096xi32>
    %iota3A_8 = tpu.iota {dimensions = array<i32: 1>} : vector<16x4096xi32>
    %add3A = arith.addi %mul3A_7, %iota3A_8 : vector<16x4096xi32>
    %eq3A = vector.broadcast %reduce_max3A_5 : i32 to vector<16x4096xi32>
    %eq3A_9 = arith.cmpi eq, %get3A_1, %eq3A : vector<16x4096xi32>
    %jit3A = arith.constant 1073741824 : i32
    %broadcast_in_dim3A = vector.broadcast %jit3A : i32 to vector<16x4096xi32>
    %select_n3A = arith.select %eq3A_9, %add3A, %broadcast_in_dim3A : vector<16x4096xi1>, vector<16x4096xi32>
    %reduce_min3A = vector.shape_cast %select_n3A : vector<16x4096xi32> to vector<1x16x4096xi32>
    %reduce_min3A_10 = arith.constant dense<2147483647> : vector<1xi32>
    %reduce_min3A_11 = vector.multi_reduction <minsi>, %reduce_min3A, %reduce_min3A_10 [1, 2] : vector<1x16x4096xi32> to vector<1xi32>
    %reduce_min3A_12 = vector.shape_cast %reduce_min3A_11 : vector<1xi32> to vector<1x1x1xi32>
    %reduce_min3A_13 = vector.extract %reduce_min3A_12[0, 0, 0] : i32 from vector<1x1x1xi32>
    %jit3A_14 = arith.constant 4096 : i32
    %eq3A_15 = arith.constant 0 : i32
    %eq3A_16 = arith.cmpi eq, %jit3A_14, %eq3A_15 : i32
    %jit3A_17 = arith.constant 1 : i32
    %select_n3A_18 = arith.select %eq3A_16, %jit3A_17, %jit3A_14 : i32
    %rem3A = arith.remsi %reduce_min3A_13, %select_n3A_18 : i32
    %ne3A = arith.constant 0 : i32
    %ne3A_19 = arith.cmpi ne, %rem3A, %ne3A : i32
    %lt3A = arith.constant 0 : i32
    %lt3A_20 = arith.cmpi slt, %rem3A, %lt3A : i32
    %lt3A_21 = arith.constant 0 : i32
    %lt3A_22 = arith.cmpi slt, %select_n3A_18, %lt3A_21 : i32
    %ne3A_23 = arith.xori %lt3A_20, %lt3A_22 : i1
    %and3A = arith.andi %ne3A_23, %ne3A_19 : i1
    %add3A_24 = arith.addi %rem3A, %select_n3A_18 : i32
    %select_n3A_25 = arith.select %and3A, %add3A_24, %rem3A : i32
    %get3A_26 = arith.index_cast %select_n3A_25 : i32 to index
    %get3A_27 = memref.load %arg1[%get3A_26] : memref<4096xi32, #tpu.memory_space<smem>>
    %dma_start3A = arith.constant 0 : i32
    %dma_start3A_28 = tpu.memref_slice %arg3[%get3A_27, %dma_start3A] : memref<65536x64xf32, #tpu.memory_space<any>> -> memref<1x64xf32, #tpu.memory_space<any>>
    tpu.enqueue_dma source(%dma_start3A_28 : memref<1x64xf32, #tpu.memory_space<any>>) target(%arg5 : memref<1x64xf32, #tpu.memory_space<vmem>>) target_semaphore(%arg6 : memref<!tpu.dma_semaphore, #tpu.memory_space<semaphore_mem>>)
    %dma_wait3A = arith.constant 0 : i32
    %dma_wait3A_29 = tpu.memref_slice %arg3[%get3A_27, %dma_wait3A] : memref<65536x64xf32, #tpu.memory_space<any>> -> memref<1x64xf32, #tpu.memory_space<any>>
    tpu.wait_dma2 semaphore(%arg6 : memref<!tpu.dma_semaphore, #tpu.memory_space<semaphore_mem>>) src(%dma_wait3A_29 : memref<1x64xf32, #tpu.memory_space<any>>) dst(%arg5 : memref<1x64xf32, #tpu.memory_space<vmem>>)
    %get3A_30 = arith.constant 0 : index
    %get3A_31 = arith.constant 0 : index
    %get3A_32 = vector.load %arg2[%get3A_30, %get3A_31] : memref<1x64xf32, #tpu.memory_space<vmem>>, vector<1x64xf32>
    %get3A_33 = arith.constant 0 : index
    %get3A_34 = arith.constant 0 : index
    %get3A_35 = vector.load %arg5[%get3A_33, %get3A_34] : memref<1x64xf32, #tpu.memory_space<vmem>>, vector<1x64xf32>
    %add3A_36 = arith.addf %get3A_32, %get3A_35 : vector<1x64xf32>
    %tanh3A = math.tanh %add3A_36 : vector<1x64xf32>
    %swap3A = arith.constant 0 : index
    %swap3A_37 = arith.constant 0 : index
    %swap3A_38 = vector.load %arg4[%swap3A, %swap3A_37] : memref<1x64xf32, #tpu.memory_space<vmem>>, vector<1x64xf32>
    tpu.vector_store %arg4[%swap3A, %swap3A_37], %tanh3A {strides = array<i32>} : memref<1x64xf32, #tpu.memory_space<vmem>>, vector<1x64xf32>,
    return
  }
}

</mosaic_0001>

<sc_bundles>
// kernel: kernel.12.cloned.1.call-start
scs
__scs_entry_jumppad:
0x0: {  	(pc) =	sbr.rel $0x88, $3  }
0x1: {  	(tag) =	ssettag $0x0;
	lr =	simm.s32 $0x1  }
0x2: {  	[smem:$0x3F94] =	sst lr;
	_ =	strace $0xD0000000  }
0x3: {  	_ = 	snop  }
0x4: {  	_ = 	snop  }
0x5: {  	_ = 	snop  }
0x6: {  	_ = 	snop  }
0x7: {  	_ = 	snop  }
__scs_overlays_trampoline_lowered:
0x8: {  	[smem:$0x3FA3] =	sst s0  }
0x9: {  	[smem:$0x3FA4] =	sst s1  }
0xa: {  	[smem:$0x3FA5] =	sst s2  }
0xb: {  	[smem:$0x3FA6] =	sst s3  }
0xc: {  	[smem:$0x3FA7] =	sst s4  }
0xd: {  	[smem:$0x3FA8] =	sst s5  }
0xe: {  	[smem:$0x3FA9] =	sst s6  }
0xf: {  	[smem:$0x3FAA] =	sst s7  }
0x10: {  	[smem:$0x3FAB] =	sst s8  }
0x11: {  	[smem:$0x3FAC] =	sst s9;
	s0 =	simm.s32 @!p0 $0x0  }
0x12: {  	s1 =	sld [smem:$0x3F92];
	s0 =	simm.s32 @p0 $0x1  }
0x13: {  	[smem:$0x3FAD] =	sst s0;
	s0 =	simm.s32 @!p1 $0x0  }
0x14: {  	s2 =	sld [smem:$0x3F91];
	s0 =	simm.s32 @p1 $0x1  }
0x15: {  	[smem:$0x3FAE] =	sst s0;
	s0 =	simm.s32 @!p2 $0x0  }
0x16: {  	s3 =	sld [smem:$0x3FDB];
	s0 =	simm.s32 @p2 $0x1  }
0x17: {  	s4 =	simm.s32 $0x1BF5;
	[smem:$0x3FB0] =	sst s0  }
0x18: {  	s0 =	sld [smem:$0x3F93];
	_ =	swait.ge [sflag:s4], $0x0  }
0x19: {  	s7 =	sld [smem:$0x3F94]  }
0x1a: {  	s8 =	sadd.s32 $0xFFFFE003, lr  }
0x1b: {  	s9 =	sadd.s32 $0xFFFFFEF7, lr;
	s5 =	simm.s32 $0xFFFFFFFF;
	p2 =	slt.u32 s8, $0xFFFFF086  }
0x1c: {  	p1 =	slt.u32 s9, $0xF7A;
	s5 =	simm.s32 @!p2 $0x0  }
0x1d: {  	s5 =	simm.s32 @p1 $0x1;
	p0 =	seq.s32 s7, s2  }
0x1e: {  	s7 =	smul.u32 @!p0 $0xF7A, s2;
	p2 =	seq.s32 @!p0 s5, $0x0  }
0x1f: {  	s9 =	smul.u32 $0xF7A, s1;
	s8 =	simm.s32 @!p0 $0x1BF5;
	p2 =	por !p2, p0  }
0x20: {  	[sflag:s8] =	ssyncset.s32 @!p0 $0xFFFFF086;
	s6 =	sadd.s32 @!p0 s3, s7;
	s7 =	simm.s32 @!p0 $0x108  }
0x21: {  	s3 =	sadd.s32 s3, s9;
	s6 =	sadd.s32 @!p0 $0x88, s6;
	s7 =	simm.s32 @p2 $0x1082  }
0x22: {  	[simem:s7], [sflag:s8] =	dma.local @!p0 [hbm:s6], $0xF7A  }
0x23: {  	s9 =	sor.u32 $0xD0000000, s2;
	s6 =	simm.s32 $0x108;
	_ =	swait.ge @!p0 [sflag:s8], $0x0  }
0x24: {  	s3 =	sadd.s32 $0x88, s3;
	s6 =	simm.s32 @!p1 $0x1082;
	[sflag:s4] =	ssyncset.s32 $0xFFFFF086  }
0x25: {  	[simem:s6], [sflag:s4] =	dma.local [hbm:s3], $0xF7A  }
0x26: {  	[smem:$0x3F94] =	sst s1;
	(tag) =	ssettag s2;
	_ =	strace s9  }
0x27: {  	s1 =	sld [smem:$0x3FA4]  }
0x28: {  	s2 =	sld [smem:$0x3FA5]  }
0x29: {  	s4 =	sld [smem:$0x3FA7]  }
0x2a: {  	p0 =	seq.s32 s5, $0x0;
	s5 =	sld [smem:$0x3FA8]  }
0x2b: {  	s6 =	sld [smem:$0x3FA9]  }
0x2c: {  	s7 =	sld [smem:$0x3FAA]  }
0x2d: {  	s3 =	simm.s32 $0x108;
	s8 =	sld [smem:$0x3FAB]  }
0x2e: {  	s3 =	simm.s32 @!p0 $0x1082;
	s9 =	sld [smem:$0x3FAC]  }
0x2f: {  	lr =	sadd.s32 s0, s3;
	s0 =	sld [smem:$0x3FA3]  }
0x30: {  	s3 =	sld [smem:$0x3FA6]  }
0x31: {  	[smem:$0x3FAF] =	sst s10  }
0x32: {  	s10 =	sld [smem:$0x3FAD];
	_ =	sdelay $0x3  }
0x33: {  	p0 =	seq.s32 s10, $0x1;
	s10 =	sld [smem:$0x3FAF];
	_ =	sdelay $0x3  }
0x34: {  	[smem:$0x3FAF] =	sst s10  }
0x35: {  	s10 =	sld [smem:$0x3FAE];
	_ =	sdelay $0x3  }
0x36: {  	p1 =	seq.s32 s10, $0x1;
	s10 =	sld [smem:$0x3FAF];
	_ =	sdelay $0x3  }
0x37: {  	[smem:$0x3FAF] =	sst s10  }
0x38: {  	s10 =	sld [smem:$0x3FB0]  }
0x39: {  	_ = 	snop;
	(pc) =	sbr.ind lr, $3  }
0x3a: {  	_ = 	snop  }
0x3b: {  	_ = 	snop  }
0x3c: {  	p2 =	seq.s32 s10, $0x1;
	s10 =	sld [smem:$0x3FAF]  }
0x3d: {  	_ =	shalt  }
0x3e: {  	_ =	shalt  }
0x3f: {  	_ =	shalt  }
0x40: {  	_ =	shalt  }
0x41: {  	_ =	shalt  }
0x42: {  	_ =	shalt  }
0x43: {  	_ =	shalt  }
0x44: {  	_ =	shalt  }
0x45: {  	_ =	shalt  }
0x46: {  	_ =	shalt  }
0x47: {  	_ =	shalt  }
0x48: {  	_ =	shalt  }
0x49: {  	_ =	shalt  }
0x4a: {  	_ =	shalt  }
0x4b: {  	_ =	shalt  }
0x4c: {  	_ =	shalt  }
0x4d: {  	_ =	shalt  }
0x4e: {  	_ =	shalt  }
0x4f: {  	_ =	shalt  }
0x50: {  	_ =	shalt  }
0x51: {  	_ =	shalt  }
0x52: {  	_ =	shalt  }
0x53: {  	_ =	shalt  }
0x54: {  	_ =	shalt  }
0x55: {  	_ =	shalt  }
0x56: {  	_ =	shalt  }
0x57: {  	_ =	shalt  }
0x58: {  	_ =	shalt  }
0x59: {  	_ =	shalt  }
0x5a: {  	_ =	shalt  }
0x5b: {  	_ =	shalt  }
0x5c: {  	_ =	shalt  }
0x5d: {  	_ =	shalt  }
0x5e: {  	_ =	shalt  }
0x5f: {  	_ =	shalt  }
0x60: {  	_ =	shalt  }
0x61: {  	_ =	shalt  }
0x62: {  	_ =	shalt  }
0x63: {  	_ =	shalt  }
0x64: {  	_ =	shalt  }
0x65: {  	_ =	shalt  }
0x66: {  	_ =	shalt  }
0x67: {  	_ =	shalt  }
0x68: {  	_ =	shalt  }
0x69: {  	_ =	shalt  }
0x6a: {  	_ =	shalt  }
0x6b: {  	_ =	shalt  }
0x6c: {  	_ =	shalt  }
0x6d: {  	_ =	shalt  }
0x6e: {  	_ =	shalt  }
0x6f: {  	_ =	shalt  }
0x70: {  	_ =	shalt  }
0x71: {  	_ =	shalt  }
0x72: {  	_ =	shalt  }
0x73: {  	_ =	shalt  }
0x74: {  	_ =	shalt  }
0x75: {  	_ =	shalt  }
0x76: {  	_ =	shalt  }
0x77: {  	_ =	shalt  }
0x78: {  	_ =	shalt  }
0x79: {  	_ =	shalt  }
0x7a: {  	_ =	shalt  }
0x7b: {  	_ =	shalt  }
0x7c: {  	_ =	shalt  }
0x7d: {  	_ =	shalt  }
0x7e: {  	_ =	shalt  }
0x7f: {  	_ =	shalt  }
0x80: {  	_ =	shalt  }
0x81: {  	_ =	shalt  }
0x82: {  	_ =	shalt  }
0x83: {  	_ =	shalt  }
0x84: {  	_ =	shalt  }
0x85: {  	_ =	shalt  }
0x86: {  	_ =	shalt  }
0x87: {  	_ =	shalt  }
.Lfunc_end0:
.L_simem_size_0:
called_computation.1_lowered:
.L_overlay_start_0:
0x88: {  	s2 =	sld [smem:$0x3FD9]  }
0x89: {  	s3 =	sld [smem:$0x3FFE];
	_ =	sdelay $0x1  }
0x8a: {  	s1 =	srdreg.scid  }
0x8b: {  	s0 =	sand.u32 $0x1, s1  }
0x8c: {  	s16 =	sshll.u32 s0, $0xA;
	s2 =	sadd.s32 s3, s2  }
0x8d: {  	s2 =	sadd.s32 s2, s16  }
0x8e: {  	[smem:$0x3FBB] =	sst s2  }
0x8f: {  	_ = 	snop  }
0x90: {  	(tm) =	ssettm $0x1  }
0x91: {  	s17 =	sld [smem:$0x3FFB];
	_ =	sdelay $0x3  }
0x92: {  	_ =	strace s17  }
0x93: {  	s2 =	sld [smem:$0x3FFC];
	_ =	sdelay $0x3  }
0x94: {  	_ =	strace s2  }
0x95: {  	s2 =	sld [smem:$0x3FFD];
	_ =	sdelay $0x3  }
0x96: {  	_ =	strace s2  }
0x97: {  	_ =	strace $0x8FFFFFFF  }
0x98: {  	s18 =	sld [smem:$0x3FDB];
	_ =	sdelay $0x1  }
0x99: {  	s19 =	simm.s32 $_scs_section_size  }
0x9a: {  	s4 =	simm.s32 $_size__tile_overlayer_lowered;
	s5 =	simm.s32 $_tile_overlayer_lowered  }
0x9b: {  	s22 =	simm.s32 $0x1BFF;
	s21 =	sshll.u32 s5, $0x1;
	s2 =	sadd.s32 s19, s18  }
0x9c: {  	s6 =	simm.s32 $0x0;
	s20 =	sshll.u32 s4, $0x1;
	s4 =	sadd.s32 s21, s2  }
0x9d: {  	[timem:s6], [sflag:s22] =	dma.local [hbm:s4], s20  }
0x9e: {  	_ =	swait.ge [sflag:s22], s20  }
0x9f: {  	s3 =	ssub.s32 $0x0, s20;
	[sflag:s22] =	ssyncset.done $0x0  }
0xa0: {  	[sflag:s22] =	ssyncadd.s32 s3;
	_ =	sdelay $0x1  }
0xa1: {  	s23 =	simm.s32 $0x1B8B  }
0xa2: {  	_ =	swait.ge [sflag:s23], $0x1  }
0xa3: {  	[sflag:s23] =	ssyncset.done $0x0  }
0xa4: {  	s25 =	simm.s32 $0x1B8E;
	s24 =	sld [smem:$0x3FFE];
	[sflag:s23] =	ssyncadd.s32 $0xFFFFFFFF  }
0xa5: {  	s26 =	simm.s32 $execute0_lowered;
	[smem:$0x3FD2] =	sst s25  }
0xa6: {  	s4 =	sshll.u32 s26, $0x1;
	_ =	strace $0x80000049;
	[dreg:$0x1] =	wrdreg $0xFFFFFFFF  }
0xa7: {  	s28 =	simm.s32 $_size_execute0_lowered;
	s2 =	sadd.s32 s2, s4;
	[dreg:$0x0] =	wrdreg $0x0  }
0xa8: {  	s4 =	sshll.u32 s28, $0x1;
	[dreg:$0x2] =	wrdreg s2  }
0xa9: {  	[dreg:$0x3] =	wrdreg s4  }
0xaa: {  	[dreg:$0x4] =	wrdreg $0xC0  }
0xab: {  	_ =	task [dreg:s6], $0x5FFFF  }
0xac: {  	[dreg:$0x1] =	wrdreg $0xFFFFFFFF  }
0xad: {  	[dreg:$0x0] =	wrdreg $0x60  }
0xae: {  	[dreg:$0x2] =	wrdreg s24  }
0xaf: {  	[dreg:$0x3] =	wrdreg $0xA2B00  }
0xb0: {  	[dreg:$0x4] =	wrdreg $0xB2F00  }
0xb1: {  	[dreg:$0x5] =	wrdreg $0x9  }
0xb2: {  	_ =	task.clear_ibuf [dreg:s6], $0x6FFFF;
	_ =	strace $0x90000049  }
0xb3: {  	s29 =	simm.s32 $0x9;
	_ =	strace $0x8000004B  }
0xb4: {  	_ =	swait.ge [sflag:s29], $0x1  }
0xb5: {  	[sflag:s29] =	ssyncadd.s32 $0xFFFFFFFF  }
0xb6: {  	_ =	strace $0x9000004B  }
0xb7: {  	_ =	sfence  }
0xb8: {  	s30 =	sld [smem:$0x0];
	_ =	sdelay $0x2  }
0xb9: {  	s31 =	sshll.u32 s1, $0xD;
	s1 =	sshrl.u32 s1, $0x2  }
0xba: {  	s3 =	sand.u32 $0x4000, s31;
	s1 =	sadd.s32 s1, s30  }
0xbb: {  	s0 =	sor.u32 s3, s0;
	s1 =	sshll.u32 s1, $0x11  }
0xbc: {  	s0 =	sor.u32 s1, s0  }
0xbd: {  	s0 =	sadd.s32 $0x8F2B, s0  }
0xbe: {  	[sflag:s0] =	ssyncadd.remote.s32 $0x1  }
0xbf: {  	_ =	sfence.sel $0xFFFF  }
0xc0: {  	[dreg:$0x0] =	wrdreg $0xFFFFFFFF;
	(pc) =	sbr.abs _section_cstart, $3  }
0xc1: {  	[dreg:$0x1] =	wrdreg $0xFFFFFFFF  }
0xc2: {  	_ =	task.clear_ibuf [dreg:s6], $0x2FFFF;
	_ =	strace $0x9FFFFFFF  }
0xc3: {  	(tm) =	ssettm $0x7FFFFFFF  }
tec
execute0_lowered:
.L_overlay_start_1:
0x0: {  	(tag) =	ssettag $0x1  }
0x1: {  	s1 =	srdreg.scid  }
0x2: {  	s1 =	sand.u32 $0x1, s1  }
0x3: {  	p0 =	seq.s32 s1, $0x1  }
.Ltmp0:
0x4: {  	s6 =	rddreg [dreg:$0x0];
	(pc) =	sbr.rel @p0 .LBB2_8-.Ltmp0, $4  }
0x5: {  	s3 =	rddreg [dreg:$0x1]  }
0x6: {  	s4 =	rddreg [dreg:$0x2];
	s5 =	simm.s32 $0x0  }
0x7: {  	[smem:$0x7FF] =	sst s5  }
0x8: {  	s0 =	rddreg [dreg:$0x3];
	_ =	strace $0x8000004A;
	s1 =	stileid.u32  }
0x9: {  	s7 =	sadd.s32 $0x102E00, s6  }
0xa: {  	s8 =	sadd.s32 $0x103000, s6;
	s10 =	sadd.s32 $0x105000, s6;
	s11 =	sadd.s32 $0x10B200, s6  }
0xb: {  	s2 =	sadd.s32 $0x20B400, s6;
	s9 =	sshll.u32 s1, $0xB;
	s12 =	sshll.u32 s1, $0x9  }
0xc: {  	s24 =	sshll.u32 s1, $0x5;
	s26 =	smul.u32 $0x1040, s1;
	s28 =	simm.s32 $0x1000  }
0xd: {  	s29 =	simm.s32 $0x1010;
	s30 =	sshll.u32 s1, $0x8;
	s8 =	sadd.s32 s8, s12  }
0xe: {  	[tilespmem:s5], [sflag:$0x1] =	stream.linear.gather [hbm4b:s8+s5], $0x1000, $0x38;
	[tilespmem:$0xC330] =	vst v63  }
0xf: {  	s31 =	simm.s32 $0x1030;
	s13 =	sadd.s32 s9, s6;
	s25 =	sadd.s32 s24, s6  }
0x10: {  	[tilespmem:s28], [sflag:$0x2] =	stream.linear.gather [hbm4b:s7+s5], $0x10, $0x38;
	[tilespmem:$0xC330] =	vst v63  }
0x11: {  	s9 =	sshll.u32 s1, $0xC;
	s6 =	sadd.s32 s30, s3;
	s8 =	sadd.s32 s26, s4  }
0x12: {  	[tilespmem:s29], [sflag:$0x3] =	stream.linear.gather [hbm4b:s10+s5], $0x10, $0x38;
	[tilespmem:$0xC330] =	vst v63  }
0x13: {  	s7 =	sadd.s32 s26, s3;
	s3 =	sadd.s32 $0x10B400, s13;
	s10 =	simm.s32 $0x40  }
0x14: {  	[tilespmem:s31], [sflag:$0x4] =	stream.linear.gather [hbm4b:s11+s5], $0x1000, $0x38;
	[tilespmem:$0xC330] =	vst v63  }
0x15: {  	v0 =	vimm.s32 $0x0;
	s5 =	sadd.s32 s30, s4;
	s4 =	sadd.s32 $0x105200, s25;
	s11 =	simm.s32 $0x0  }
.LBB2_2:
0x16: {  	p0 =	sne.s32 s10, $0x40C0;
	[tilespmem:s11+$0x2030] =	vst v0;
	s12 =	smov.u32 s10;
	s10 =	sadd.s32 $0x40, s10  }
.Ltmp1:
0x17: {  	[tilespmem:s11+$0x3070] =	vst v0;
	(pc) =	sbr.rel @p0 .LBB2_2-.Ltmp1, $2  }
0x18: {  	_ =	sdelay $0x2  }
0x19: {  	s11 =	sshra.s32 s12, $0x2  }
0x1a: {  	[tilespmem:s11+$0x2030] =	vst v0  }
0x1b: {  	[tilespmem:s11+$0x3070] =	vst v0;
	s10 =	simm.s32 $0x1  }
0x1c: {  	_ =	swait.ge [sflag:s10], $0x1000  }
0x1d: {  	[sflag:s10] =	ssyncset.done $0x0  }
0x1e: {  	s28 =	simm.s32 $0x2;
	[sflag:s10] =	ssyncadd.s32 $0xFFFFF000  }
0x1f: {  	_ =	swait.ge [sflag:s28], $0x10  }
0x20: {  	[sflag:s28] =	ssyncset.done $0x0  }
0x21: {  	s29 =	simm.s32 $0x3;
	[sflag:s28] =	ssyncadd.s32 $0xFFFFFFF0  }
0x22: {  	_ =	swait.ge [sflag:s29], $0x10  }
0x23: {  	[sflag:s29] =	ssyncset.done $0x0  }
0x24: {  	s30 =	simm.s32 $0x4;
	[sflag:s29] =	ssyncadd.s32 $0xFFFFFFF0  }
0x25: {  	_ =	swait.ge [sflag:s30], $0x1000  }
0x26: {  	[sflag:s30] =	ssyncset.done $0x0  }
0x27: {  	[sflag:s30] =	ssyncadd.s32 $0xFFFFF000  }
0x28: {  	v0 =	vld [tilespmem:s1+$0x1010];
	_ =	sdelay $0x1  }
0x29: {  	v1 =	vld [tilespmem:$0x1000]  }
0x2a: {  	s31 =	simm.s32 $0x0  }
0x2b: {  	v2 =	vld [tilespmem:s31+$0x0]  }
0x2c: {  	(v2sf) =	vpush v0, $0x0;
	_ =	sdelay $0x1  }
0x2d: {  	v3 =	vlaneseq.u32;
	v0 =	vbroadcast v1, $0x0;
	v1 =	vbroadcast v1, $0x1  }
0x2e: {  	v6 =	vor.u32 s9, v3  }
0x2f: {  	vm0 =	veq.s32 v2, v0;
	vm1 =	vle.s32 v6, v1  }
0x30: {  	vm2 =	vgt.s32 v2, v0;
	vm0 =	vmand vm1, vm0  }
0x31: {  	v2 =	vimm.s32 $0x0;
	vm0 =	vmor vm2, vm0  }
0x32: {  	v4 =	vsel vm0, $0x1, v2  }
0x33: {  	(xrf0) =	vadd.scan.msk.s32 $0xffff, v4;
	_ =	sdelay $0x5  }
0x34: {  	v5, _, _ =	vpop (xrf0)  }
0x35: {  	v4 =	vsel vm0, $0xFFFFFFFF, v2;
	s10 =	spop (v2sf);
	(v2sf) =	vpush v5, $0xF  }
0x36: {  	v7 =	vadd.s32 s10, v4  }
0x37: {  	v4 =	vor.u32 $0x1000, v3;
	v7 =	vadd.s32 v5, v7  }
0x38: {  	v5 =	vor.u32 $0xFF8, v3;
	v7 =	vsel vm0, v7, v4  }
0x39: {  	v8 =	vand.u32 v5, v6;
	_ =	sdelay $0x2  }
0x3a: {  	s11 =	simm.s32 $0x2030  }
0x3b: {  	s12 =	simm.s32 $0x1030;
	[tilespmem:v7+s11+$0x0] =	vst.idx.msk vm0, v6  }
0x3c: {  	v6 =	vld.idx.msk [tilespmem:v8+s12+$0x0], $0xffff;
	_ =	sdelay $0x3  }
0x3d: {  	s13 =	simm.s32 $0x3070  }
0x3e: {  	s14 =	simm.s32 $0x10;
	[tilespmem:v7+s13+$0x0] =	vst.idx.msk vm0, v6  }
0x3f: {  	s15 =	simm.s32 $0x80;
	v6 =	vld [tilespmem:s14+$0x0];
	s14 =	spop (v2sf)  }
.LBB2_4:
0x40: {  	s10 =	sadd.s32 s10, s14  }
0x41: {  	s9 =	sadd.s32 $0x10, s9;
	s14 =	smov.u32 s15;
	s16 =	sadd.s32 $0x40, s15  }
0x42: {  	p0 =	sne.s32 s15, $0x3FC0  }
0x43: {  	v7 =	vor.u32 s9, v3  }
0x44: {  	vm1 =	vle.s32 v7, v1;
	vm0 =	veq.s32 v6, v0  }
0x45: {  	vm2 =	vgt.s32 v6, v0;
	vm0 =	vmand vm1, vm0  }
0x46: {  	vm0 =	vmor vm2, vm0  }
0x47: {  	v6 =	vsel vm0, $0xFFFFFFFF, v2;
	v8 =	vsel vm0, $0x1, v2  }
0x48: {  	(xrf0) =	vadd.scan.msk.s32 $0xffff, v8;
	_ =	sdelay $0x5  }
0x49: {  	v6 =	vadd.s32 s10, v6;
	v8, _, _ =	vpop (xrf0)  }
0x4a: {  	v6 =	vadd.s32 v8, v6;
	(v2sf) =	vpush v8, $0xF  }
0x4b: {  	v6 =	vsel vm0, v6, v4  }
0x4c: {  	v8 =	vand.u32 v5, v7;
	_ =	sdelay $0x3  }
0x4d: {  	[tilespmem:v6+s11+$0x0] =	vst.idx.msk vm0, v7  }
0x4e: {  	v7 =	vld.idx.msk [tilespmem:v8+s12+$0x0], $0xffff;
	_ =	sdelay $0x3  }
.Ltmp2:
0x4f: {  	(pc) =	sbr.rel @p0 .LBB2_4-.Ltmp2, $4  }
0x50: {  	_ = 	snop  }
0x51: {  	s14 =	sshra.s32 s14, $0x2;
	[tilespmem:v6+s13+$0x0] =	vst.idx.msk vm0, v7  }
0x52: {  	v6 =	vld [tilespmem:s14+$0x0]  }
0x53: {  	s15 =	smov.u32 s16;
	s14 =	spop (v2sf)  }
0x54: {  	_ = 	snop  }
0x55: {  	s9 =	sadd.s32 $0x10, s9  }
0x56: {  	v3 =	vor.u32 s9, v3  }
0x57: {  	vm1 =	vle.s32 v3, v1;
	vm0 =	veq.s32 v6, v0  }
0x58: {  	vm2 =	vgt.s32 v6, v0;
	vm0 =	vmand vm1, vm0  }
0x59: {  	vm0 =	vmor vm2, vm0  }
0x5a: {  	v0 =	vsel vm0, $0x1, v2  }
0x5b: {  	(xrf0) =	vadd.scan.msk.s32 $0xffff, v0;
	_ =	sdelay $0x4  }
0x5c: {  	s22 =	sadd.s32 s10, s14;
	v0 =	vsel vm0, $0xFFFFFFFF, v2  }
0x5d: {  	v0 =	vadd.s32 s22, v0;
	v1, _, _ =	vpop (xrf0)  }
0x5e: {  	v0 =	vadd.s32 v1, v0  }
0x5f: {  	(v2sf) =	vpush v1, $0xF;
	v0 =	vsel vm0, v0, v4  }
0x60: {  	v1 =	vand.u32 v5, v3;
	_ =	sdelay $0x3  }
0x61: {  	[tilespmem:v0+s11+$0x0] =	vst.idx.msk vm0, v3  }
0x62: {  	v1 =	vld.idx.msk [tilespmem:v1+s12+$0x0], $0xffff;
	_ =	sdelay $0x4  }
0x63: {  	s23 =	simm.s32 $0x2030;
	[tilespmem:v0+s13+$0x0] =	vst.idx.msk vm0, v1  }
0x64: {  	[spmem:s7] =	stream.linear.scatter [tilespmem:s23], [sflag:$0x1], $0x1040, $0x38;
	[tilespmem:$0xC330] =	vst v63  }
0x65: {  	s24 =	simm.s32 $0x3070  }
0x66: {  	[spmem:s8] =	stream.linear.scatter [tilespmem:s24], [sflag:$0x2], $0x1040, $0x38;
	[tilespmem:$0xC330] =	vst v63  }
0x67: {  	s7 =	simm.s32 $0x1;
	s25 =	spop (v2sf)  }
0x68: {  	_ =	swait.ge [sflag:s7], $0x1040  }
0x69: {  	[sflag:s7] =	ssyncset.done $0x0  }
0x6a: {  	s26 =	simm.s32 $0x2;
	[sflag:s7] =	ssyncadd.s32 $0xFFFFEFC0  }
0x6b: {  	_ =	swait.ge [sflag:s26], $0x1040  }
0x6c: {  	[sflag:s26] =	ssyncset.done $0x0  }
0x6d: {  	s28 =	simm.s32 $0x100;
	[sflag:s26] =	ssyncadd.s32 $0xFFFFEFC0  }
0x6e: {  	s29 =	simm.s32 $0x1040;
	s30 =	simm.s32 $0x40B0;
	[bflag:$0x0] =	sbarrier.arrive $0xFFFF  }
0x6f: {  	[tilespmem:s30], [sflag:$0x1] =	stream.strided.gather [spmem:s6], $0x1000, s29, s28, $0x38;
	[tilespmem:$0xC330] =	vst v63  }
0x70: {  	s31 =	simm.s32 $0x50B0  }
0x71: {  	[tilespmem:s31], [sflag:$0x2] =	stream.strided.gather [spmem:s5], $0x1000, s29, s28, $0x38;
	[tilespmem:$0xC330] =	vst v63  }
0x72: {  	_ =	swait.ge [sflag:s7], $0x1000  }
0x73: {  	[sflag:s7] =	ssyncset.done $0x0  }
0x74: {  	[sflag:s7] =	ssyncadd.s32 $0xFFFFF000  }
0x75: {  	_ =	swait.ge [sflag:s26], $0x1000  }
0x76: {  	[sflag:s26] =	ssyncset.done $0x0  }
0x77: {  	s5 =	simm.s32 $0x0;
	[sflag:s26] =	ssyncadd.s32 $0xFFFFF000  }
0x78: {  	v0 =	vld [tilespmem:s5+$0x50B0]  }
0x79: {  	v1 =	vld [tilespmem:s5+$0x51B0]  }
0x7a: {  	v2 =	vld [tilespmem:s5+$0x52B0]  }
0x7b: {  	v3 =	vld [tilespmem:s5+$0x53B0]  }
0x7c: {  	v4 =	vld [tilespmem:s5+$0x54B0]  }
0x7d: {  	v5 =	vld [tilespmem:s5+$0x55B0]  }
0x7e: {  	v6 =	vld [tilespmem:s5+$0x56B0]  }
0x7f: {  	v0 =	vadd.s32 v0, v1;
	v1 =	vld [tilespmem:s5+$0x57B0]  }
0x80: {  	v0 =	vadd.s32 v2, v0;
	v2 =	vld [tilespmem:s5+$0x58B0]  }
0x81: {  	v0 =	vadd.s32 v3, v0;
	v3 =	vld [tilespmem:s5+$0x59B0]  }
0x82: {  	v0 =	vadd.s32 v4, v0;
	v4 =	vld [tilespmem:s5+$0x5AB0]  }
0x83: {  	v0 =	vadd.s32 v5, v0;
	v5 =	vld [tilespmem:s5+$0x5BB0]  }
0x84: {  	v0 =	vadd.s32 v6, v0;
	v6 =	vld [tilespmem:s5+$0x5CB0]  }
0x85: {  	v0 =	vadd.s32 v1, v0;
	v1 =	vld [tilespmem:s5+$0x5DB0]  }
0x86: {  	v0 =	vadd.s32 v2, v0;
	v2 =	vld [tilespmem:s5+$0x5EB0]  }
0x87: {  	v0 =	vadd.s32 v3, v0;
	v3 =	vld [tilespmem:s5+$0x5FB0]  }
0x88: {  	v0 =	vadd.s32 v4, v0;
	v4 =	vld [tilespmem:s5+$0x40B0]  }
0x89: {  	v0 =	vadd.s32 v5, v0;
	v5 =	vld [tilespmem:s5+$0x41B0]  }
0x8a: {  	v0 =	vadd.s32 v6, v0;
	v6 =	vld [tilespmem:s5+$0x42B0]  }
0x8b: {  	v0 =	vadd.s32 v1, v0;
	v1 =	vld [tilespmem:s5+$0x43B0]  }
0x8c: {  	v0 =	vadd.s32 v2, v0;
	v2 =	vld [tilespmem:s5+$0x44B0]  }
0x8d: {  	v0 =	vadd.s32 v3, v0;
	v3 =	vld [tilespmem:s5+$0x45B0]  }
0x8e: {  	[tilespmem:s5+$0x61B0] =	vst v0;
	v0 =	vadd.s32 v4, v5;
	v4 =	vld [tilespmem:s5+$0x46B0]  }
0x8f: {  	v5 =	vld [tilespmem:s5+$0x47B0];
	v0 =	vadd.s32 v6, v0  }
0x90: {  	v6 =	vld [tilespmem:s5+$0x48B0];
	v0 =	vadd.s32 v1, v0  }
0x91: {  	v7 =	vld [tilespmem:s5+$0x49B0];
	v0 =	vadd.s32 v2, v0  }
0x92: {  	v8 =	vld [tilespmem:s5+$0x4AB0];
	v0 =	vadd.s32 v3, v0  }
0x93: {  	v9 =	vld [tilespmem:s5+$0x4BB0];
	v0 =	vadd.s32 v4, v0  }
0x94: {  	v1 =	vld [tilespmem:s5+$0x4CB0];
	v0 =	vadd.s32 v5, v0  }
0x95: {  	v2 =	vld [tilespmem:s5+$0x4DB0];
	v0 =	vadd.s32 v6, v0  }
0x96: {  	v3 =	vld [tilespmem:s5+$0x4EB0];
	v0 =	vadd.s32 v7, v0  }
0x97: {  	s7 =	simm.s32 $0x10;
	v4 =	vld [tilespmem:s5+$0x4FB0];
	v5 =	vadd.s32 v8, v0  }
0x98: {  	s6 =	simm.s32 $0x80;
	v0 =	vld [tilespmem:s7+$0x50B0];
	v5 =	vadd.s32 v9, v5  }
.LBB2_6:
0x99: {  	p0 =	sne.s32 s6, $0x3C0;
	v6 =	vld [tilespmem:s7+$0x51B0];
	v1 =	vadd.s32 v1, v5  }
0x9a: {  	v5 =	vld [tilespmem:s7+$0x52B0];
	v1 =	vadd.s32 v2, v1  }
0x9b: {  	v2 =	vld [tilespmem:s7+$0x53B0];
	v1 =	vadd.s32 v3, v1  }
0x9c: {  	v3 =	vld [tilespmem:s7+$0x54B0];
	v1 =	vadd.s32 v4, v1  }
0x9d: {  	v4 =	vld [tilespmem:s7+$0x55B0];
	[tilespmem:s5+$0x60B0] =	vst v1;
	s5 =	smov.u32 s7  }
0x9e: {  	v0 =	vadd.s32 v0, v6;
	v1 =	vld [tilespmem:s5+$0x56B0]  }
0x9f: {  	v0 =	vadd.s32 v5, v0;
	v5 =	vld [tilespmem:s5+$0x57B0]  }
0xa0: {  	v0 =	vadd.s32 v2, v0;
	v2 =	vld [tilespmem:s5+$0x58B0]  }
0xa1: {  	v0 =	vadd.s32 v3, v0;
	v3 =	vld [tilespmem:s5+$0x59B0]  }
0xa2: {  	v0 =	vadd.s32 v4, v0;
	v4 =	vld [tilespmem:s5+$0x5AB0]  }
0xa3: {  	v0 =	vadd.s32 v1, v0;
	v1 =	vld [tilespmem:s5+$0x5BB0]  }
0xa4: {  	v0 =	vadd.s32 v5, v0;
	v5 =	vld [tilespmem:s5+$0x5CB0]  }
0xa5: {  	v0 =	vadd.s32 v2, v0;
	v2 =	vld [tilespmem:s5+$0x5DB0]  }
0xa6: {  	v0 =	vadd.s32 v3, v0;
	v3 =	vld [tilespmem:s5+$0x5EB0]  }
0xa7: {  	v0 =	vadd.s32 v4, v0;
	v4 =	vld [tilespmem:s5+$0x5FB0]  }
0xa8: {  	v6 =	vld [tilespmem:s5+$0x40B0];
	v0 =	vadd.s32 v1, v0  }
0xa9: {  	v1 =	vld [tilespmem:s5+$0x41B0];
	v0 =	vadd.s32 v5, v0  }
0xaa: {  	v5 =	vld [tilespmem:s5+$0x42B0];
	v0 =	vadd.s32 v2, v0  }
0xab: {  	v2 =	vld [tilespmem:s5+$0x43B0];
	v0 =	vadd.s32 v3, v0  }
0xac: {  	v3 =	vld [tilespmem:s5+$0x44B0];
	v0 =	vadd.s32 v4, v0  }
0xad: {  	v4 =	vld [tilespmem:s5+$0x45B0];
	[tilespmem:s5+$0x61B0] =	vst v0  }
0xae: {  	v0 =	vadd.s32 v6, v1;
	v1 =	vld [tilespmem:s5+$0x46B0]  }
0xaf: {  	v0 =	vadd.s32 v5, v0;
	v5 =	vld [tilespmem:s5+$0x47B0]  }
0xb0: {  	v0 =	vadd.s32 v2, v0;
	v2 =	vld [tilespmem:s5+$0x48B0]  }
0xb1: {  	v0 =	vadd.s32 v3, v0;
	v3 =	vld [tilespmem:s5+$0x49B0]  }
0xb2: {  	v0 =	vadd.s32 v4, v0;
	v4 =	vld [tilespmem:s5+$0x4AB0]  }
0xb3: {  	v0 =	vadd.s32 v1, v0;
	v6 =	vld [tilespmem:s5+$0x4BB0]  }
.Ltmp3:
0xb4: {  	v0 =	vadd.s32 v5, v0;
	v1 =	vld [tilespmem:s5+$0x4CB0];
	(pc) =	sbr.rel @p0 .LBB2_6-.Ltmp3, $4  }
0xb5: {  	v0 =	vadd.s32 v2, v0;
	v2 =	vld [tilespmem:s5+$0x4DB0]  }
0xb6: {  	v0 =	vadd.s32 v3, v0;
	v3 =	vld [tilespmem:s5+$0x4EB0]  }
0xb7: {  	s7 =	sshra.s32 s6, $0x2;
	v5 =	vadd.s32 v4, v0;
	v4 =	vld [tilespmem:s5+$0x4FB0]  }
0xb8: {  	s6 =	sadd.s32 $0x40, s6;
	v0 =	vld [tilespmem:s7+$0x50B0];
	v5 =	vadd.s32 v6, v5  }
0xb9: {  	v6 =	vld [tilespmem:s7+$0x51B0];
	v1 =	vadd.s32 v1, v5  }
0xba: {  	v34 =	vld [tilespmem:s7+$0x52B0];
	v1 =	vadd.s32 v2, v1  }
0xbb: {  	v35 =	vld [tilespmem:s7+$0x53B0];
	v1 =	vadd.s32 v3, v1  }
0xbc: {  	v36 =	vld [tilespmem:s7+$0x54B0];
	v1 =	vadd.s32 v4, v1  }
0xbd: {  	v37 =	vld [tilespmem:s7+$0x55B0];
	[tilespmem:s5+$0x60B0] =	vst v1  }
0xbe: {  	v1 =	vld [tilespmem:s7+$0x56B0]  }
0xbf: {  	v38 =	vld [tilespmem:s7+$0x57B0]  }
0xc0: {  	v0 =	vadd.s32 v0, v6;
	v39 =	vld [tilespmem:s7+$0x58B0]  }
0xc1: {  	v40 =	vld [tilespmem:s7+$0x59B0];
	v0 =	vadd.s32 v34, v0  }
0xc2: {  	v41 =	vld [tilespmem:s7+$0x5AB0];
	v0 =	vadd.s32 v35, v0  }
0xc3: {  	v42 =	vld [tilespmem:s7+$0x5BB0];
	v0 =	vadd.s32 v36, v0  }
0xc4: {  	v43 =	vld [tilespmem:s7+$0x5CB0];
	v0 =	vadd.s32 v37, v0  }
0xc5: {  	v44 =	vld [tilespmem:s7+$0x5DB0];
	v0 =	vadd.s32 v1, v0  }
0xc6: {  	v45 =	vld [tilespmem:s7+$0x5EB0];
	v0 =	vadd.s32 v38, v0  }
0xc7: {  	v46 =	vld [tilespmem:s7+$0x5FB0];
	v0 =	vadd.s32 v39, v0  }
0xc8: {  	v47 =	vld [tilespmem:s7+$0x40B0];
	v0 =	vadd.s32 v40, v0  }
0xc9: {  	v48 =	vld [tilespmem:s7+$0x41B0];
	v0 =	vadd.s32 v41, v0  }
0xca: {  	v49 =	vld [tilespmem:s7+$0x42B0];
	v0 =	vadd.s32 v42, v0  }
0xcb: {  	v50 =	vld [tilespmem:s7+$0x43B0];
	v0 =	vadd.s32 v43, v0  }
0xcc: {  	v51 =	vld [tilespmem:s7+$0x44B0];
	v0 =	vadd.s32 v44, v0  }
0xcd: {  	v52 =	vld [tilespmem:s7+$0x45B0];
	v0 =	vadd.s32 v45, v0  }
0xce: {  	v54 =	vld [tilespmem:s7+$0x46B0];
	v53 =	vadd.s32 v47, v48;
	v0 =	vadd.s32 v46, v0  }
0xcf: {  	v55 =	vld [tilespmem:s7+$0x47B0];
	[tilespmem:s7+$0x61B0] =	vst v0;
	v0 =	vadd.s32 v49, v53  }
0xd0: {  	v56 =	vld [tilespmem:s7+$0x48B0];
	v0 =	vadd.s32 v50, v0  }
0xd1: {  	v57 =	vld [tilespmem:s7+$0x49B0];
	v0 =	vadd.s32 v51, v0  }
0xd2: {  	v58 =	vld [tilespmem:s7+$0x4AB0];
	v0 =	vadd.s32 v52, v0  }
0xd3: {  	v59 =	vld [tilespmem:s7+$0x4BB0];
	v0 =	vadd.s32 v54, v0  }
0xd4: {  	v60 =	vld [tilespmem:s7+$0x4CB0];
	v0 =	vadd.s32 v55, v0  }
0xd5: {  	v61 =	vld [tilespmem:s7+$0x4DB0];
	v0 =	vadd.s32 v56, v0  }
0xd6: {  	v62 =	vld [tilespmem:s7+$0x4EB0];
	v0 =	vadd.s32 v57, v0  }
0xd7: {  	v63 =	vld [tilespmem:s7+$0x4FB0];
	v0 =	vadd.s32 v58, v0  }
0xd8: {  	v0 =	vadd.s32 v59, v0  }
0xd9: {  	v0 =	vadd.s32 v60, v0  }
0xda: {  	v0 =	vadd.s32 v61, v0  }
0xdb: {  	v0 =	vadd.s32 v62, v0  }
0xdc: {  	v0 =	vadd.s32 v63, v0  }
0xdd: {  	s25 =	simm.s32 $0x0;
	s6 =	simm.s32 $0x61B0;
	s26 =	simm.s32 $0x100;
	[tilespmem:s7+$0x60B0] =	vst v0  }
0xde: {  	[hbm4b:s4+s25] =	stream.linear.scatter [tilespmem:s6], [sflag:$0x3], $0x100, $0x38;
	[tilespmem:$0xC330] =	vst v63  }
0xdf: {  	s28 =	simm.s32 $0x60B0;
	s29 =	simm.s32 $0x62B0;
	s30 =	simm.s32 $0x5  }
0xe0: {  	[tilespmem:s29], [sflag:$0x5] =	stream.indirect.gather [hbm4b:s2+s26], $0x40, s28, s26, $0xb8;
	[tilespmem:$0xC330] =	vst v63  }
0xe1: {  	_ =	swait.ge [sflag:s30], $0x4000  }
0xe2: {  	[sflag:s30] =	ssyncset.done $0x0  }
0xe3: {  	[sflag:s30] =	ssyncadd.s32 $0xFFFFC000  }
0xe4: {  	[hbm4b:s3+s25] =	stream.linear.scatter [tilespmem:s29], [sflag:$0x5], $0x4000, $0x38;
	[tilespmem:$0xC330] =	vst v63  }
0xe5: {  	_ =	swait.ge [sflag:s30], $0x4000  }
0xe6: {  	[sflag:s30] =	ssyncset.done $0x0  }
0xe7: {  	s31 =	simm.s32 $0x3;
	[sflag:s30] =	ssyncadd.s32 $0xFFFFC000  }
0xe8: {  	_ =	swait.ge [sflag:s31], $0x100  }
0xe9: {  	[sflag:s31] =	ssyncset.done $0x0  }
0xea: {  	[sflag:s31] =	ssyncadd.s32 $0xFFFFFF00  }
.LBB2_8:
0xeb: {  	_ =	sfence.sel $0x180000  }
0xec: {  	[bflag:$0x0] =	sbarrier.arrive $0xFFFF  }
0xed: {  	p0 =	sne.s32 s1, $0x0;
	_ =	strace $0x9000004A  }
0xee: {  	s0 =	sadd.s32 @!p0 $0x100000, s0;
	[bflag:$0x2] =	sbarrier.arrive $0xFFFF  }
0xef: {  	[sflag:s0] =	ssyncadd.tile.s32 @!p0 $0x1;
	_ =	shalt  }
.Lfunc_end2:
_tile_overlayer_lowered:
.L_overlay_start_2:
0xf0: {  	(tag) =	ssettag $0x2  }
0xf1: {  	s0 =	rddreg [dreg:$0x0];
	s2 =	stileid.u32  }
0xf2: {  	s1 =	rddreg [dreg:$0x1];
	p0 =	sne.s32 s2, $0x0  }
0xf3: {  	s3 =	rddreg [dreg:$0x2];
	[bflag:$0x3] =	sbarrier.arrive $0xFFFF;
	s2 =	simm.s32 @!p0 $0x1C05  }
0xf4: {  	[timem:s3], [sflag:s2] =	dma.local @!p0 [hbm:s0], s1  }
0xf5: {  	s0 =	simm.s32 @!p0 $0x5  }
0xf6: {  	_ =	swait.ge @!p0 [sflag:s0], s1  }
0xf7: {  	s1 =	ssub.s32 @!p0 $0x0, s1;
	[sflag:s0] =	ssyncset.done @!p0 $0x0  }
0xf8: {  	[sflag:s0] =	ssyncadd.s32 @!p0 s1  }
0xf9: {  	[bflag:$0x3] =	sbarrier.arrive $0xFFFF  }
0xfa: {  	_ =	shalt  }

// kernel: kernel.9.cloned.1.call-start
scs
__scs_entry_jumppad:
0x0: {  	(pc) =	sbr.rel $0x88, $3  }
0x1: {  	(tag) =	ssettag $0x0;
	lr =	simm.s32 $0x1  }
0x2: {  	[smem:$0x3F94] =	sst lr;
	_ =	strace $0xD0000000  }
0x3: {  	_ = 	snop  }
0x4: {  	_ = 	snop  }
0x5: {  	_ = 	snop  }
0x6: {  	_ = 	snop  }
0x7: {  	_ = 	snop  }
__scs_overlays_trampoline_lowered:
0x8: {  	[smem:$0x3FA3] =	sst s0  }
0x9: {  	[smem:$0x3FA4] =	sst s1  }
0xa: {  	[smem:$0x3FA5] =	sst s2  }
0xb: {  	[smem:$0x3FA6] =	sst s3  }
0xc: {  	[smem:$0x3FA7] =	sst s4  }
0xd: {  	[smem:$0x3FA8] =	sst s5  }
0xe: {  	[smem:$0x3FA9] =	sst s6  }
0xf: {  	[smem:$0x3FAA] =	sst s7  }
0x10: {  	[smem:$0x3FAB] =	sst s8  }
0x11: {  	[smem:$0x3FAC] =	sst s9;
	s0 =	simm.s32 @!p0 $0x0  }
0x12: {  	s1 =	sld [smem:$0x3F92];
	s0 =	simm.s32 @p0 $0x1  }
0x13: {  	[smem:$0x3FAD] =	sst s0;
	s0 =	simm.s32 @!p1 $0x0  }
0x14: {  	s2 =	sld [smem:$0x3F91];
	s0 =	simm.s32 @p1 $0x1  }
0x15: {  	[smem:$0x3FAE] =	sst s0;
	s0 =	simm.s32 @!p2 $0x0  }
0x16: {  	s3 =	sld [smem:$0x3FDB];
	s0 =	simm.s32 @p2 $0x1  }
0x17: {  	s4 =	simm.s32 $0x1BF5;
	[smem:$0x3FB0] =	sst s0  }
0x18: {  	s0 =	sld [smem:$0x3F93];
	_ =	swait.ge [sflag:s4], $0x0  }
0x19: {  	s7 =	sld [smem:$0x3F94]  }
0x1a: {  	s8 =	sadd.s32 $0xFFFFE003, lr  }
0x1b: {  	s9 =	sadd.s32 $0xFFFFFEF7, lr;
	s5 =	simm.s32 $0xFFFFFFFF;
	p2 =	slt.u32 s8, $0xFFFFF086  }
0x1c: {  	p1 =	slt.u32 s9, $0xF7A;
	s5 =	simm.s32 @!p2 $0x0  }
0x1d: {  	s5 =	simm.s32 @p1 $0x1;
	p0 =	seq.s32 s7, s2  }
0x1e: {  	s7 =	smul.u32 @!p0 $0xF7A, s2;
	p2 =	seq.s32 @!p0 s5, $0x0  }
0x1f: {  	s9 =	smul.u32 $0xF7A, s1;
	s8 =	simm.s32 @!p0 $0x1BF5;
	p2 =	por !p2, p0  }
0x20: {  	[sflag:s8] =	ssyncset.s32 @!p0 $0xFFFFF086;
	s6 =	sadd.s32 @!p0 s3, s7;
	s7 =	simm.s32 @!p0 $0x108  }
0x21: {  	s3 =	sadd.s32 s3, s9;
	s6 =	sadd.s32 @!p0 $0x88, s6;
	s7 =	simm.s32 @p2 $0x1082  }
0x22: {  	[simem:s7], [sflag:s8] =	dma.local @!p0 [hbm:s6], $0xF7A  }
0x23: {  	s9 =	sor.u32 $0xD0000000, s2;
	s6 =	simm.s32 $0x108;
	_ =	swait.ge @!p0 [sflag:s8], $0x0  }
0x24: {  	s3 =	sadd.s32 $0x88, s3;
	s6 =	simm.s32 @!p1 $0x1082;
	[sflag:s4] =	ssyncset.s32 $0xFFFFF086  }
0x25: {  	[simem:s6], [sflag:s4] =	dma.local [hbm:s3], $0xF7A  }
0x26: {  	[smem:$0x3F94] =	sst s1;
	(tag) =	ssettag s2;
	_ =	strace s9  }
0x27: {  	s1 =	sld [smem:$0x3FA4]  }
0x28: {  	s2 =	sld [smem:$0x3FA5]  }
0x29: {  	s4 =	sld [smem:$0x3FA7]  }
0x2a: {  	p0 =	seq.s32 s5, $0x0;
	s5 =	sld [smem:$0x3FA8]  }
0x2b: {  	s6 =	sld [smem:$0x3FA9]  }
0x2c: {  	s7 =	sld [smem:$0x3FAA]  }
0x2d: {  	s3 =	simm.s32 $0x108;
	s8 =	sld [smem:$0x3FAB]  }
0x2e: {  	s3 =	simm.s32 @!p0 $0x1082;
	s9 =	sld [smem:$0x3FAC]  }
0x2f: {  	lr =	sadd.s32 s0, s3;
	s0 =	sld [smem:$0x3FA3]  }
0x30: {  	s3 =	sld [smem:$0x3FA6]  }
0x31: {  	[smem:$0x3FAF] =	sst s10  }
0x32: {  	s10 =	sld [smem:$0x3FAD];
	_ =	sdelay $0x3  }
0x33: {  	p0 =	seq.s32 s10, $0x1;
	s10 =	sld [smem:$0x3FAF];
	_ =	sdelay $0x3  }
0x34: {  	[smem:$0x3FAF] =	sst s10  }
0x35: {  	s10 =	sld [smem:$0x3FAE];
	_ =	sdelay $0x3  }
0x36: {  	p1 =	seq.s32 s10, $0x1;
	s10 =	sld [smem:$0x3FAF];
	_ =	sdelay $0x3  }
0x37: {  	[smem:$0x3FAF] =	sst s10  }
0x38: {  	s10 =	sld [smem:$0x3FB0]  }
0x39: {  	_ = 	snop;
	(pc) =	sbr.ind lr, $3  }
0x3a: {  	_ = 	snop  }
0x3b: {  	_ = 	snop  }
0x3c: {  	p2 =	seq.s32 s10, $0x1;
	s10 =	sld [smem:$0x3FAF]  }
0x3d: {  	_ =	shalt  }
0x3e: {  	_ =	shalt  }
0x3f: {  	_ =	shalt  }
0x40: {  	_ =	shalt  }
0x41: {  	_ =	shalt  }
0x42: {  	_ =	shalt  }
0x43: {  	_ =	shalt  }
0x44: {  	_ =	shalt  }
0x45: {  	_ =	shalt  }
0x46: {  	_ =	shalt  }
0x47: {  	_ =	shalt  }
0x48: {  	_ =	shalt  }
0x49: {  	_ =	shalt  }
0x4a: {  	_ =	shalt  }
0x4b: {  	_ =	shalt  }
0x4c: {  	_ =	shalt  }
0x4d: {  	_ =	shalt  }
0x4e: {  	_ =	shalt  }
0x4f: {  	_ =	shalt  }
0x50: {  	_ =	shalt  }
0x51: {  	_ =	shalt  }
0x52: {  	_ =	shalt  }
0x53: {  	_ =	shalt  }
0x54: {  	_ =	shalt  }
0x55: {  	_ =	shalt  }
0x56: {  	_ =	shalt  }
0x57: {  	_ =	shalt  }
0x58: {  	_ =	shalt  }
0x59: {  	_ =	shalt  }
0x5a: {  	_ =	shalt  }
0x5b: {  	_ =	shalt  }
0x5c: {  	_ =	shalt  }
0x5d: {  	_ =	shalt  }
0x5e: {  	_ =	shalt  }
0x5f: {  	_ =	shalt  }
0x60: {  	_ =	shalt  }
0x61: {  	_ =	shalt  }
0x62: {  	_ =	shalt  }
0x63: {  	_ =	shalt  }
0x64: {  	_ =	shalt  }
0x65: {  	_ =	shalt  }
0x66: {  	_ =	shalt  }
0x67: {  	_ =	shalt  }
0x68: {  	_ =	shalt  }
0x69: {  	_ =	shalt  }
0x6a: {  	_ =	shalt  }
0x6b: {  	_ =	shalt  }
0x6c: {  	_ =	shalt  }
0x6d: {  	_ =	shalt  }
0x6e: {  	_ =	shalt  }
0x6f: {  	_ =	shalt  }
0x70: {  	_ =	shalt  }
0x71: {  	_ =	shalt  }
0x72: {  	_ =	shalt  }
0x73: {  	_ =	shalt  }
0x74: {  	_ =	shalt  }
0x75: {  	_ =	shalt  }
0x76: {  	_ =	shalt  }
0x77: {  	_ =	shalt  }
0x78: {  	_ =	shalt  }
0x79: {  	_ =	shalt  }
0x7a: {  	_ =	shalt  }
0x7b: {  	_ =	shalt  }
0x7c: {  	_ =	shalt  }
0x7d: {  	_ =	shalt  }
0x7e: {  	_ =	shalt  }
0x7f: {  	_ =	shalt  }
0x80: {  	_ =	shalt  }
0x81: {  	_ =	shalt  }
0x82: {  	_ =	shalt  }
0x83: {  	_ =	shalt  }
0x84: {  	_ =	shalt  }
0x85: {  	_ =	shalt  }
0x86: {  	_ =	shalt  }
0x87: {  	_ =	shalt  }
.Lfunc_end0:
.L_simem_size_0:
called_computation_lowered:
.L_overlay_start_0:
0x88: {  	s2 =	sld [smem:$0x3FD9]  }
0x89: {  	s3 =	sld [smem:$0x3FFE];
	_ =	sdelay $0x1  }
0x8a: {  	s1 =	srdreg.scid  }
0x8b: {  	s0 =	sand.u32 $0x1, s1  }
0x8c: {  	s16 =	sshll.u32 s0, $0xA;
	s2 =	sadd.s32 s3, s2  }
0x8d: {  	s2 =	sadd.s32 s2, s16  }
0x8e: {  	[smem:$0x3FBB] =	sst s2  }
0x8f: {  	_ = 	snop  }
0x90: {  	(tm) =	ssettm $0x1  }
0x91: {  	s17 =	sld [smem:$0x3FFB];
	_ =	sdelay $0x3  }
0x92: {  	_ =	strace s17  }
0x93: {  	s2 =	sld [smem:$0x3FFC];
	_ =	sdelay $0x3  }
0x94: {  	_ =	strace s2  }
0x95: {  	s2 =	sld [smem:$0x3FFD];
	_ =	sdelay $0x3  }
0x96: {  	_ =	strace s2  }
0x97: {  	_ =	strace $0x8FFFFFFF  }
0x98: {  	s18 =	sld [smem:$0x3FDB];
	_ =	sdelay $0x1  }
0x99: {  	s19 =	simm.s32 $_scs_section_size  }
0x9a: {  	s4 =	simm.s32 $_size__tile_overlayer_lowered;
	s5 =	simm.s32 $_tile_overlayer_lowered  }
0x9b: {  	s22 =	simm.s32 $0x1BFF;
	s21 =	sshll.u32 s5, $0x1;
	s2 =	sadd.s32 s19, s18  }
0x9c: {  	s6 =	simm.s32 $0x0;
	s20 =	sshll.u32 s4, $0x1;
	s4 =	sadd.s32 s21, s2  }
0x9d: {  	[timem:s6], [sflag:s22] =	dma.local [hbm:s4], s20  }
0x9e: {  	_ =	swait.ge [sflag:s22], s20  }
0x9f: {  	s3 =	ssub.s32 $0x0, s20;
	[sflag:s22] =	ssyncset.done $0x0  }
0xa0: {  	[sflag:s22] =	ssyncadd.s32 s3;
	_ =	sdelay $0x1  }
0xa1: {  	s23 =	simm.s32 $0x1B8B  }
0xa2: {  	_ =	swait.ge [sflag:s23], $0x1  }
0xa3: {  	[sflag:s23] =	ssyncset.done $0x0  }
0xa4: {  	s25 =	simm.s32 $0x1B8E;
	s24 =	sld [smem:$0x3FFE];
	[sflag:s23] =	ssyncadd.s32 $0xFFFFFFFF  }
0xa5: {  	s26 =	simm.s32 $execute0_lowered;
	[smem:$0x3FD2] =	sst s25  }
0xa6: {  	s4 =	sshll.u32 s26, $0x1;
	_ =	strace $0x80000046;
	[dreg:$0x1] =	wrdreg $0xFFFFFFFF  }
0xa7: {  	s28 =	simm.s32 $_size_execute0_lowered;
	s2 =	sadd.s32 s2, s4;
	[dreg:$0x0] =	wrdreg $0x0  }
0xa8: {  	s4 =	sshll.u32 s28, $0x1;
	[dreg:$0x2] =	wrdreg s2  }
0xa9: {  	[dreg:$0x3] =	wrdreg s4  }
0xaa: {  	[dreg:$0x4] =	wrdreg $0xC0  }
0xab: {  	_ =	task [dreg:s6], $0x5FFFF  }
0xac: {  	[dreg:$0x1] =	wrdreg $0xFFFFFFFF  }
0xad: {  	[dreg:$0x0] =	wrdreg $0x60  }
0xae: {  	[dreg:$0x2] =	wrdreg s24  }
0xaf: {  	[dreg:$0x3] =	wrdreg $0x92B00  }
0xb0: {  	[dreg:$0x4] =	wrdreg $0xA2F00  }
0xb1: {  	[dreg:$0x5] =	wrdreg $0x9  }
0xb2: {  	_ =	task.clear_ibuf [dreg:s6], $0x6FFFF;
	_ =	strace $0x90000046  }
0xb3: {  	s29 =	simm.s32 $0x9;
	_ =	strace $0x80000048  }
0xb4: {  	_ =	swait.ge [sflag:s29], $0x1  }
0xb5: {  	[sflag:s29] =	ssyncadd.s32 $0xFFFFFFFF  }
0xb6: {  	_ =	strace $0x90000048  }
0xb7: {  	_ =	sfence  }
0xb8: {  	s30 =	sld [smem:$0x0];
	_ =	sdelay $0x2  }
0xb9: {  	s31 =	sshll.u32 s1, $0xD;
	s1 =	sshrl.u32 s1, $0x2  }
0xba: {  	s3 =	sand.u32 $0x4000, s31;
	s1 =	sadd.s32 s1, s30  }
0xbb: {  	s0 =	sor.u32 s3, s0;
	s1 =	sshll.u32 s1, $0x11  }
0xbc: {  	s0 =	sor.u32 s1, s0  }
0xbd: {  	s0 =	sadd.s32 $0x8F2B, s0  }
0xbe: {  	[sflag:s0] =	ssyncadd.remote.s32 $0x1  }
0xbf: {  	_ =	sfence.sel $0xFFFF  }
0xc0: {  	[dreg:$0x0] =	wrdreg $0xFFFFFFFF;
	(pc) =	sbr.abs _section_cstart, $3  }
0xc1: {  	[dreg:$0x1] =	wrdreg $0xFFFFFFFF  }
0xc2: {  	_ =	task.clear_ibuf [dreg:s6], $0x2FFFF;
	_ =	strace $0x9FFFFFFF  }
0xc3: {  	(tm) =	ssettm $0x7FFFFFFF  }
tec
execute0_lowered:
.L_overlay_start_1:
0x0: {  	(tag) =	ssettag $0x1  }
0x1: {  	s1 =	srdreg.scid  }
0x2: {  	s1 =	sand.u32 $0x1, s1  }
0x3: {  	p0 =	seq.s32 s1, $0x1  }
.Ltmp0:
0x4: {  	s6 =	rddreg [dreg:$0x0];
	(pc) =	sbr.rel @p0 .LBB2_8-.Ltmp0, $4  }
0x5: {  	s3 =	rddreg [dreg:$0x1]  }
0x6: {  	s4 =	rddreg [dreg:$0x2];
	s5 =	simm.s32 $0x0  }
0x7: {  	[smem:$0x7FF] =	sst s5  }
0x8: {  	s0 =	rddreg [dreg:$0x3];
	_ =	strace $0x80000047;
	s1 =	stileid.u32  }
0x9: {  	s7 =	sadd.s32 $0x203000, s6;
	s8 =	sadd.s32 $0x202E00, s6  }
0xa: {  	s10 =	sadd.s32 $0x102E00, s6;
	s2 =	sadd.s32 $0x205000, s6;
	s9 =	sshll.u32 s1, $0xB  }
0xb: {  	s26 =	sshll.u32 s1, $0x5;
	s12 =	sshll.u32 s1, $0x9;
	s28 =	smul.u32 $0x1040, s1  }
0xc: {  	s29 =	simm.s32 $0x1000;
	s30 =	sshll.u32 s1, $0x8;
	s31 =	simm.s32 $0x1010  }
0xd: {  	s11 =	sadd.s32 s9, s6;
	s13 =	sadd.s32 s26, s6;
	s7 =	sadd.s32 s7, s12  }
0xe: {  	[tilespmem:s5], [sflag:$0x1] =	stream.linear.gather [hbm4b:s7+s5], $0x1000, $0x38;
	[tilespmem:$0xB330] =	vst v63  }
0xf: {  	s9 =	sshll.u32 s1, $0xC;
	s6 =	sadd.s32 s30, s3;
	s7 =	sadd.s32 s28, s3  }
0x10: {  	[tilespmem:s29], [sflag:$0x2] =	stream.linear.gather [hbm4b:s8+s5], $0x10, $0x38;
	[tilespmem:$0xB330] =	vst v63  }
0x11: {  	s3 =	sadd.s32 $0x103200, s11;
	s11 =	simm.s32 $0x0;
	s8 =	sadd.s32 s28, s4  }
0x12: {  	[tilespmem:s31], [sflag:$0x3] =	stream.linear.gather [hbm4b:s10+s5], $0x10, $0x38;
	[tilespmem:$0xB330] =	vst v63  }
0x13: {  	v0 =	vimm.s32 $0x0;
	s5 =	sadd.s32 s30, s4;
	s4 =	sadd.s32 $0x10B200, s13;
	s10 =	simm.s32 $0x40  }
.LBB2_2:
0x14: {  	p0 =	sne.s32 s10, $0x40C0;
	[tilespmem:s11+$0x1030] =	vst v0;
	s12 =	smov.u32 s10;
	s10 =	sadd.s32 $0x40, s10  }
.Ltmp1:
0x15: {  	[tilespmem:s11+$0x2070] =	vst v0;
	(pc) =	sbr.rel @p0 .LBB2_2-.Ltmp1, $2  }
0x16: {  	_ =	sdelay $0x2  }
0x17: {  	s11 =	sshra.s32 s12, $0x2  }
0x18: {  	[tilespmem:s11+$0x1030] =	vst v0  }
0x19: {  	[tilespmem:s11+$0x2070] =	vst v0;
	s10 =	simm.s32 $0x1  }
0x1a: {  	_ =	swait.ge [sflag:s10], $0x1000  }
0x1b: {  	[sflag:s10] =	ssyncset.done $0x0  }
0x1c: {  	s29 =	simm.s32 $0x2;
	[sflag:s10] =	ssyncadd.s32 $0xFFFFF000  }
0x1d: {  	_ =	swait.ge [sflag:s29], $0x10  }
0x1e: {  	[sflag:s29] =	ssyncset.done $0x0  }
0x1f: {  	s30 =	simm.s32 $0x3;
	[sflag:s29] =	ssyncadd.s32 $0xFFFFFFF0  }
0x20: {  	_ =	swait.ge [sflag:s30], $0x10  }
0x21: {  	[sflag:s30] =	ssyncset.done $0x0  }
0x22: {  	[sflag:s30] =	ssyncadd.s32 $0xFFFFFFF0  }
0x23: {  	v0 =	vld [tilespmem:s1+$0x1010];
	_ =	sdelay $0x3  }
0x24: {  	v1 =	vld [tilespmem:$0x1000]  }
0x25: {  	s31 =	simm.s32 $0x0;
	(v2sf) =	vpush v0, $0x0  }
0x26: {  	v3 =	vld [tilespmem:s31+$0x0];
	_ =	sdelay $0x2  }
0x27: {  	v4 =	vlaneseq.u32;
	v0 =	vbroadcast v1, $0x0;
	v2 =	vbroadcast v1, $0x1  }
0x28: {  	v5 =	vor.u32 s9, v4  }
0x29: {  	vm0 =	veq.s32 v3, v0;
	vm1 =	vle.s32 v5, v2  }
0x2a: {  	vm2 =	vgt.s32 v3, v0;
	vm0 =	vmand vm1, vm0  }
0x2b: {  	v1 =	vimm.s32 $0x0;
	vm0 =	vmor vm2, vm0  }
0x2c: {  	v3 =	vsel vm0, $0x1, v1  }
0x2d: {  	(xrf0) =	vadd.scan.msk.s32 $0xffff, v3;
	_ =	sdelay $0x4  }
0x2e: {  	v3 =	vsel vm0, $0xFFFFFFFF, v1;
	s10 =	spop (v2sf)  }
0x2f: {  	v7, _, _ =	vpop (xrf0);
	v6 =	vadd.s32 s10, v3  }
0x30: {  	(v2sf) =	vpush v7, $0xF;
	v3 =	vor.u32 $0x1000, v4;
	v6 =	vadd.s32 v7, v6  }
0x31: {  	v6 =	vsel vm0, v6, v3;
	_ =	sdelay $0x3  }
0x32: {  	s11 =	simm.s32 $0x1030  }
0x33: {  	s12 =	simm.s32 $0x2070;
	[tilespmem:v6+s11+$0x0] =	vst.idx.msk vm0, v5  }
0x34: {  	s14 =	simm.s32 $0x10;
	s13 =	simm.s32 $0x80;
	[tilespmem:v6+s12+$0x0] =	vst.idx.msk vm0, v5  }
.LBB2_4:
0x35: {  	p0 =	sne.s32 s13, $0x3FC0;
	v5 =	vld [tilespmem:s14+$0x0];
	_ =	sdelay $0x2  }
0x36: {  	s9 =	sadd.s32 $0x10, s9  }
0x37: {  	v6 =	vor.u32 s9, v4  }
0x38: {  	vm1 =	vle.s32 v6, v2;
	vm0 =	veq.s32 v5, v0  }
0x39: {  	vm2 =	vgt.s32 v5, v0;
	vm0 =	vmand vm1, vm0  }
0x3a: {  	vm0 =	vmor vm2, vm0;
	s14 =	spop (v2sf)  }
0x3b: {  	v5 =	vsel vm0, $0xFFFFFFFF, v1;
	v7 =	vsel vm0, $0x1, v1;
	s10 =	sadd.s32 s10, s14  }
0x3c: {  	v5 =	vadd.s32 s10, v5;
	(xrf0) =	vadd.scan.msk.s32 $0xffff, v7;
	_ =	sdelay $0x5  }
0x3d: {  	v7, _, _ =	vpop (xrf0)  }
0x3e: {  	v5 =	vadd.s32 v7, v5;
	(v2sf) =	vpush v7, $0xF  }
0x3f: {  	v5 =	vsel vm0, v5, v3;
	_ =	sdelay $0x1  }
.Ltmp2:
0x40: {  	(pc) =	sbr.rel @p0 .LBB2_4-.Ltmp2, $3  }
0x41: {  	_ =	sdelay $0x1  }
0x42: {  	[tilespmem:v5+s11+$0x0] =	vst.idx.msk vm0, v6  }
0x43: {  	s14 =	sshra.s32 s13, $0x2;
	s13 =	sadd.s32 $0x40, s13;
	[tilespmem:v5+s12+$0x0] =	vst.idx.msk vm0, v6  }
0x44: {  	v5 =	vld [tilespmem:s14+$0x0];
	_ =	sdelay $0x2  }
0x45: {  	s9 =	sadd.s32 $0x10, s9  }
0x46: {  	v4 =	vor.u32 s9, v4  }
0x47: {  	vm1 =	vle.s32 v4, v2;
	vm0 =	veq.s32 v5, v0  }
0x48: {  	vm2 =	vgt.s32 v5, v0;
	vm0 =	vmand vm1, vm0  }
0x49: {  	vm0 =	vmor vm2, vm0  }
0x4a: {  	v0 =	vsel vm0, $0x1, v1  }
0x4b: {  	(xrf0) =	vadd.scan.msk.s32 $0xffff, v0;
	_ =	sdelay $0x5  }
0x4c: {  	v0, _, _ =	vpop (xrf0)  }
0x4d: {  	(v2sf) =	vpush v0, $0xF  }
0x4e: {  	s22 =	spop (v2sf)  }
0x4f: {  	v1 =	vsel vm0, $0xFFFFFFFF, v1;
	s9 =	sadd.s32 s10, s22  }
0x50: {  	v1 =	vadd.s32 s9, v1  }
0x51: {  	v0 =	vadd.s32 v0, v1  }
0x52: {  	v0 =	vsel vm0, v0, v3;
	_ =	sdelay $0x4  }
0x53: {  	[tilespmem:v0+s11+$0x0] =	vst.idx.msk vm0, v4  }
0x54: {  	s23 =	simm.s32 $0x1030;
	[tilespmem:v0+s12+$0x0] =	vst.idx.msk vm0, v4  }
0x55: {  	[spmem:s7] =	stream.linear.scatter [tilespmem:s23], [sflag:$0x1], $0x1040, $0x38;
	[tilespmem:$0xB330] =	vst v63  }
0x56: {  	s24 =	simm.s32 $0x2070  }
0x57: {  	[spmem:s8] =	stream.linear.scatter [tilespmem:s24], [sflag:$0x2], $0x1040, $0x38;
	[tilespmem:$0xB330] =	vst v63  }
0x58: {  	s7 =	simm.s32 $0x1;
	s25 =	spop (v2sf)  }
0x59: {  	_ =	swait.ge [sflag:s7], $0x1040  }
0x5a: {  	[sflag:s7] =	ssyncset.done $0x0  }
0x5b: {  	s26 =	simm.s32 $0x2;
	[sflag:s7] =	ssyncadd.s32 $0xFFFFEFC0  }
0x5c: {  	_ =	swait.ge [sflag:s26], $0x1040  }
0x5d: {  	[sflag:s26] =	ssyncset.done $0x0  }
0x5e: {  	s28 =	simm.s32 $0x100;
	[sflag:s26] =	ssyncadd.s32 $0xFFFFEFC0  }
0x5f: {  	s29 =	simm.s32 $0x1040;
	s30 =	simm.s32 $0x30B0;
	[bflag:$0x0] =	sbarrier.arrive $0xFFFF  }
0x60: {  	[tilespmem:s30], [sflag:$0x1] =	stream.strided.gather [spmem:s6], $0x1000, s29, s28, $0x38;
	[tilespmem:$0xB330] =	vst v63  }
0x61: {  	s31 =	simm.s32 $0x40B0  }
0x62: {  	[tilespmem:s31], [sflag:$0x2] =	stream.strided.gather [spmem:s5], $0x1000, s29, s28, $0x38;
	[tilespmem:$0xB330] =	vst v63  }
0x63: {  	_ =	swait.ge [sflag:s7], $0x1000  }
0x64: {  	[sflag:s7] =	ssyncset.done $0x0  }
0x65: {  	[sflag:s7] =	ssyncadd.s32 $0xFFFFF000  }
0x66: {  	_ =	swait.ge [sflag:s26], $0x1000  }
0x67: {  	[sflag:s26] =	ssyncset.done $0x0  }
0x68: {  	s5 =	simm.s32 $0x0;
	[sflag:s26] =	ssyncadd.s32 $0xFFFFF000  }
0x69: {  	v0 =	vld [tilespmem:s5+$0x40B0]  }
0x6a: {  	v1 =	vld [tilespmem:s5+$0x41B0]  }
0x6b: {  	v2 =	vld [tilespmem:s5+$0x42B0]  }
0x6c: {  	v3 =	vld [tilespmem:s5+$0x43B0]  }
0x6d: {  	v4 =	vld [tilespmem:s5+$0x44B0]  }
0x6e: {  	v5 =	vld [tilespmem:s5+$0x45B0]  }
0x6f: {  	v6 =	vld [tilespmem:s5+$0x46B0]  }
0x70: {  	v0 =	vadd.s32 v0, v1;
	v1 =	vld [tilespmem:s5+$0x47B0]  }
0x71: {  	v0 =	vadd.s32 v2, v0;
	v2 =	vld [tilespmem:s5+$0x48B0]  }
0x72: {  	v0 =	vadd.s32 v3, v0;
	v3 =	vld [tilespmem:s5+$0x49B0]  }
0x73: {  	v0 =	vadd.s32 v4, v0;
	v4 =	vld [tilespmem:s5+$0x4AB0]  }
0x74: {  	v0 =	vadd.s32 v5, v0;
	v5 =	vld [tilespmem:s5+$0x4BB0]  }
0x75: {  	v0 =	vadd.s32 v6, v0;
	v6 =	vld [tilespmem:s5+$0x4CB0]  }
0x76: {  	v0 =	vadd.s32 v1, v0;
	v1 =	vld [tilespmem:s5+$0x4DB0]  }
0x77: {  	v0 =	vadd.s32 v2, v0;
	v2 =	vld [tilespmem:s5+$0x4EB0]  }
0x78: {  	v0 =	vadd.s32 v3, v0;
	v3 =	vld [tilespmem:s5+$0x4FB0]  }
0x79: {  	v0 =	vadd.s32 v4, v0;
	v4 =	vld [tilespmem:s5+$0x30B0]  }
0x7a: {  	v0 =	vadd.s32 v5, v0;
	v5 =	vld [tilespmem:s5+$0x31B0]  }
0x7b: {  	v0 =	vadd.s32 v6, v0;
	v6 =	vld [tilespmem:s5+$0x32B0]  }
0x7c: {  	v0 =	vadd.s32 v1, v0;
	v1 =	vld [tilespmem:s5+$0x33B0]  }
0x7d: {  	v0 =	vadd.s32 v2, v0;
	v2 =	vld [tilespmem:s5+$0x34B0]  }
0x7e: {  	v0 =	vadd.s32 v3, v0;
	v3 =	vld [tilespmem:s5+$0x35B0]  }
0x7f: {  	[tilespmem:s5+$0x51B0] =	vst v0;
	v0 =	vadd.s32 v4, v5;
	v4 =	vld [tilespmem:s5+$0x36B0]  }
0x80: {  	v5 =	vld [tilespmem:s5+$0x37B0];
	v0 =	vadd.s32 v6, v0  }
0x81: {  	v6 =	vld [tilespmem:s5+$0x38B0];
	v0 =	vadd.s32 v1, v0  }
0x82: {  	v7 =	vld [tilespmem:s5+$0x39B0];
	v0 =	vadd.s32 v2, v0  }
0x83: {  	v8 =	vld [tilespmem:s5+$0x3AB0];
	v0 =	vadd.s32 v3, v0  }
0x84: {  	v9 =	vld [tilespmem:s5+$0x3BB0];
	v0 =	vadd.s32 v4, v0  }
0x85: {  	v1 =	vld [tilespmem:s5+$0x3CB0];
	v0 =	vadd.s32 v5, v0  }
0x86: {  	v2 =	vld [tilespmem:s5+$0x3DB0];
	v0 =	vadd.s32 v6, v0  }
0x87: {  	v3 =	vld [tilespmem:s5+$0x3EB0];
	v0 =	vadd.s32 v7, v0  }
0x88: {  	s7 =	simm.s32 $0x10;
	v4 =	vld [tilespmem:s5+$0x3FB0];
	v5 =	vadd.s32 v8, v0  }
0x89: {  	s6 =	simm.s32 $0x80;
	v0 =	vld [tilespmem:s7+$0x40B0];
	v5 =	vadd.s32 v9, v5  }
.LBB2_6:
0x8a: {  	p0 =	sne.s32 s6, $0x3C0;
	v6 =	vld [tilespmem:s7+$0x41B0];
	v1 =	vadd.s32 v1, v5  }
0x8b: {  	v5 =	vld [tilespmem:s7+$0x42B0];
	v1 =	vadd.s32 v2, v1  }
0x8c: {  	v2 =	vld [tilespmem:s7+$0x43B0];
	v1 =	vadd.s32 v3, v1  }
0x8d: {  	v3 =	vld [tilespmem:s7+$0x44B0];
	v1 =	vadd.s32 v4, v1  }
0x8e: {  	v4 =	vld [tilespmem:s7+$0x45B0];
	[tilespmem:s5+$0x50B0] =	vst v1;
	s5 =	smov.u32 s7  }
0x8f: {  	v0 =	vadd.s32 v0, v6;
	v1 =	vld [tilespmem:s5+$0x46B0]  }
0x90: {  	v0 =	vadd.s32 v5, v0;
	v5 =	vld [tilespmem:s5+$0x47B0]  }
0x91: {  	v0 =	vadd.s32 v2, v0;
	v2 =	vld [tilespmem:s5+$0x48B0]  }
0x92: {  	v0 =	vadd.s32 v3, v0;
	v3 =	vld [tilespmem:s5+$0x49B0]  }
0x93: {  	v0 =	vadd.s32 v4, v0;
	v4 =	vld [tilespmem:s5+$0x4AB0]  }
0x94: {  	v0 =	vadd.s32 v1, v0;
	v1 =	vld [tilespmem:s5+$0x4BB0]  }
0x95: {  	v0 =	vadd.s32 v5, v0;
	v5 =	vld [tilespmem:s5+$0x4CB0]  }
0x96: {  	v0 =	vadd.s32 v2, v0;
	v2 =	vld [tilespmem:s5+$0x4DB0]  }
0x97: {  	v0 =	vadd.s32 v3, v0;
	v3 =	vld [tilespmem:s5+$0x4EB0]  }
0x98: {  	v0 =	vadd.s32 v4, v0;
	v4 =	vld [tilespmem:s5+$0x4FB0]  }
0x99: {  	v6 =	vld [tilespmem:s5+$0x30B0];
	v0 =	vadd.s32 v1, v0  }
0x9a: {  	v1 =	vld [tilespmem:s5+$0x31B0];
	v0 =	vadd.s32 v5, v0  }
0x9b: {  	v5 =	vld [tilespmem:s5+$0x32B0];
	v0 =	vadd.s32 v2, v0  }
0x9c: {  	v2 =	vld [tilespmem:s5+$0x33B0];
	v0 =	vadd.s32 v3, v0  }
0x9d: {  	v3 =	vld [tilespmem:s5+$0x34B0];
	v0 =	vadd.s32 v4, v0  }
0x9e: {  	v4 =	vld [tilespmem:s5+$0x35B0];
	[tilespmem:s5+$0x51B0] =	vst v0  }
0x9f: {  	v0 =	vadd.s32 v6, v1;
	v1 =	vld [tilespmem:s5+$0x36B0]  }
0xa0: {  	v0 =	vadd.s32 v5, v0;
	v5 =	vld [tilespmem:s5+$0x37B0]  }
0xa1: {  	v0 =	vadd.s32 v2, v0;
	v2 =	vld [tilespmem:s5+$0x38B0]  }
0xa2: {  	v0 =	vadd.s32 v3, v0;
	v3 =	vld [tilespmem:s5+$0x39B0]  }
0xa3: {  	v0 =	vadd.s32 v4, v0;
	v4 =	vld [tilespmem:s5+$0x3AB0]  }
0xa4: {  	v0 =	vadd.s32 v1, v0;
	v6 =	vld [tilespmem:s5+$0x3BB0]  }
.Ltmp3:
0xa5: {  	v0 =	vadd.s32 v5, v0;
	v1 =	vld [tilespmem:s5+$0x3CB0];
	(pc) =	sbr.rel @p0 .LBB2_6-.Ltmp3, $4  }
0xa6: {  	v0 =	vadd.s32 v2, v0;
	v2 =	vld [tilespmem:s5+$0x3DB0]  }
0xa7: {  	v0 =	vadd.s32 v3, v0;
	v3 =	vld [tilespmem:s5+$0x3EB0]  }
0xa8: {  	s7 =	sshra.s32 s6, $0x2;
	v5 =	vadd.s32 v4, v0;
	v4 =	vld [tilespmem:s5+$0x3FB0]  }
0xa9: {  	s6 =	sadd.s32 $0x40, s6;
	v0 =	vld [tilespmem:s7+$0x40B0];
	v5 =	vadd.s32 v6, v5  }
0xaa: {  	v6 =	vld [tilespmem:s7+$0x41B0];
	v1 =	vadd.s32 v1, v5  }
0xab: {  	v34 =	vld [tilespmem:s7+$0x42B0];
	v1 =	vadd.s32 v2, v1  }
0xac: {  	v35 =	vld [tilespmem:s7+$0x43B0];
	v1 =	vadd.s32 v3, v1  }
0xad: {  	v36 =	vld [tilespmem:s7+$0x44B0];
	v1 =	vadd.s32 v4, v1  }
0xae: {  	v37 =	vld [tilespmem:s7+$0x45B0];
	[tilespmem:s5+$0x50B0] =	vst v1  }
0xaf: {  	v1 =	vld [tilespmem:s7+$0x46B0]  }
0xb0: {  	v38 =	vld [tilespmem:s7+$0x47B0]  }
0xb1: {  	v0 =	vadd.s32 v0, v6;
	v39 =	vld [tilespmem:s7+$0x48B0]  }
0xb2: {  	v40 =	vld [tilespmem:s7+$0x49B0];
	v0 =	vadd.s32 v34, v0  }
0xb3: {  	v41 =	vld [tilespmem:s7+$0x4AB0];
	v0 =	vadd.s32 v35, v0  }
0xb4: {  	v42 =	vld [tilespmem:s7+$0x4BB0];
	v0 =	vadd.s32 v36, v0  }
0xb5: {  	v43 =	vld [tilespmem:s7+$0x4CB0];
	v0 =	vadd.s32 v37, v0  }
0xb6: {  	v44 =	vld [tilespmem:s7+$0x4DB0];
	v0 =	vadd.s32 v1, v0  }
0xb7: {  	v45 =	vld [tilespmem:s7+$0x4EB0];
	v0 =	vadd.s32 v38, v0  }
0xb8: {  	v46 =	vld [tilespmem:s7+$0x4FB0];
	v0 =	vadd.s32 v39, v0  }
0xb9: {  	v47 =	vld [tilespmem:s7+$0x30B0];
	v0 =	vadd.s32 v40, v0  }
0xba: {  	v48 =	vld [tilespmem:s7+$0x31B0];
	v0 =	vadd.s32 v41, v0  }
0xbb: {  	v49 =	vld [tilespmem:s7+$0x32B0];
	v0 =	vadd.s32 v42, v0  }
0xbc: {  	v50 =	vld [tilespmem:s7+$0x33B0];
	v0 =	vadd.s32 v43, v0  }
0xbd: {  	v51 =	vld [tilespmem:s7+$0x34B0];
	v0 =	vadd.s32 v44, v0  }
0xbe: {  	v52 =	vld [tilespmem:s7+$0x35B0];
	v0 =	vadd.s32 v45, v0  }
0xbf: {  	v54 =	vld [tilespmem:s7+$0x36B0];
	v53 =	vadd.s32 v47, v48;
	v0 =	vadd.s32 v46, v0  }
0xc0: {  	v55 =	vld [tilespmem:s7+$0x37B0];
	[tilespmem:s7+$0x51B0] =	vst v0;
	v0 =	vadd.s32 v49, v53  }
0xc1: {  	v56 =	vld [tilespmem:s7+$0x38B0];
	v0 =	vadd.s32 v50, v0  }
0xc2: {  	v57 =	vld [tilespmem:s7+$0x39B0];
	v0 =	vadd.s32 v51, v0  }
0xc3: {  	v58 =	vld [tilespmem:s7+$0x3AB0];
	v0 =	vadd.s32 v52, v0  }
0xc4: {  	v59 =	vld [tilespmem:s7+$0x3BB0];
	v0 =	vadd.s32 v54, v0  }
0xc5: {  	v60 =	vld [tilespmem:s7+$0x3CB0];
	v0 =	vadd.s32 v55, v0  }
0xc6: {  	v61 =	vld [tilespmem:s7+$0x3DB0];
	v0 =	vadd.s32 v56, v0  }
0xc7: {  	v62 =	vld [tilespmem:s7+$0x3EB0];
	v0 =	vadd.s32 v57, v0  }
0xc8: {  	v63 =	vld [tilespmem:s7+$0x3FB0];
	v0 =	vadd.s32 v58, v0  }
0xc9: {  	v0 =	vadd.s32 v59, v0  }
0xca: {  	v0 =	vadd.s32 v60, v0  }
0xcb: {  	v0 =	vadd.s32 v61, v0  }
0xcc: {  	v0 =	vadd.s32 v62, v0  }
0xcd: {  	v0 =	vadd.s32 v63, v0  }
0xce: {  	s25 =	simm.s32 $0x0;
	s6 =	simm.s32 $0x51B0;
	s26 =	simm.s32 $0x100;
	[tilespmem:s7+$0x50B0] =	vst v0  }
0xcf: {  	[hbm4b:s4+s25] =	stream.linear.scatter [tilespmem:s6], [sflag:$0x3], $0x100, $0x38;
	[tilespmem:$0xB330] =	vst v63  }
0xd0: {  	s28 =	simm.s32 $0x50B0;
	s29 =	simm.s32 $0x52B0;
	s30 =	simm.s32 $0x4  }
0xd1: {  	[tilespmem:s29], [sflag:$0x4] =	stream.indirect.gather [hbm4b:s2+s26], $0x40, s28, s26, $0xb8;
	[tilespmem:$0xB330] =	vst v63  }
0xd2: {  	_ =	swait.ge [sflag:s30], $0x4000  }
0xd3: {  	[sflag:s30] =	ssyncset.done $0x0  }
0xd4: {  	[sflag:s30] =	ssyncadd.s32 $0xFFFFC000  }
0xd5: {  	[hbm4b:s3+s25] =	stream.linear.scatter [tilespmem:s29], [sflag:$0x4], $0x4000, $0x38;
	[tilespmem:$0xB330] =	vst v63  }
0xd6: {  	_ =	swait.ge [sflag:s30], $0x4000  }
0xd7: {  	[sflag:s30] =	ssyncset.done $0x0  }
0xd8: {  	s31 =	simm.s32 $0x3;
	[sflag:s30] =	ssyncadd.s32 $0xFFFFC000  }
0xd9: {  	_ =	swait.ge [sflag:s31], $0x100  }
0xda: {  	[sflag:s31] =	ssyncset.done $0x0  }
0xdb: {  	[sflag:s31] =	ssyncadd.s32 $0xFFFFFF00  }
.LBB2_8:
0xdc: {  	_ =	sfence.sel $0x180000  }
0xdd: {  	[bflag:$0x0] =	sbarrier.arrive $0xFFFF  }
0xde: {  	p0 =	sne.s32 s1, $0x0;
	_ =	strace $0x90000047  }
0xdf: {  	s0 =	sadd.s32 @!p0 $0x100000, s0;
	[bflag:$0x2] =	sbarrier.arrive $0xFFFF  }
0xe0: {  	[sflag:s0] =	ssyncadd.tile.s32 @!p0 $0x1;
	_ =	shalt  }
.Lfunc_end2:
_tile_overlayer_lowered:
.L_overlay_start_2:
0xe1: {  	(tag) =	ssettag $0x2  }
0xe2: {  	s0 =	rddreg [dreg:$0x0];
	s2 =	stileid.u32  }
0xe3: {  	s1 =	rddreg [dreg:$0x1];
	p0 =	sne.s32 s2, $0x0  }
0xe4: {  	s3 =	rddreg [dreg:$0x2];
	[bflag:$0x3] =	sbarrier.arrive $0xFFFF;
	s2 =	simm.s32 @!p0 $0x1C04  }
0xe5: {  	[timem:s3], [sflag:s2] =	dma.local @!p0 [hbm:s0], s1  }
0xe6: {  	s0 =	simm.s32 @!p0 $0x4  }
0xe7: {  	_ =	swait.ge @!p0 [sflag:s0], s1  }
0xe8: {  	s1 =	ssub.s32 @!p0 $0x0, s1;
	[sflag:s0] =	ssyncset.done @!p0 $0x0  }
0xe9: {  	[sflag:s0] =	ssyncadd.s32 @!p0 s1  }
0xea: {  	[bflag:$0x3] =	sbarrier.arrive $0xFFFF  }
0xeb: {  	_ =	shalt  }

</sc_bundles>
